<compile_context>
chip_gen: v7x
topology: tpu7x:2x2x1
jax: 0.10.2.dev20260603
libtpu: 0.0.44.dev20260713+nightly
codegen_flags: <defaults>
</compile_context>

<pallas_src>
import functools

import jax
import jax.numpy as jnp
from jax import lax
from jax.experimental import pallas as pl
from jax.experimental.pallas import tpu as pltpu
from jax.experimental.pallas import tpu_sc as plsc

_NW = 32
_LANES = 16
_W = 512
_ROWS_PER_B = 512
_NB_TC = 4


def _sc_partials_body(nsc, start_row, x_hbm, p_hbm, n_hbm, out_hbm,
                      xb, pb, nb, accv, sem0, sem1):
    nc = 2
    w = lax.axis_index("s") * nc + lax.axis_index("c")
    rows_per_w = nsc * _ROWS_PER_B // _NW
    chr_ = min(32, rows_per_w)
    n_chunks = rows_per_w // chr_
    base = start_row + w * rows_per_w
    workers_per_b = _NW // nsc
    b = w // workers_per_b
    h = w % workers_per_b

    sems = (sem0, sem1)
    bufs = ((xb, x_hbm), (pb, p_hbm), (nb, n_hbm))

    def start(ci):
        slot = ci % 2
        off = base + ci * chr_
        return [
            pltpu.async_copy(
                hbm.at[pl.ds(off, chr_), pl.ds(t * 128, 128)],
                buf.at[slot, pl.ds(t * chr_, chr_)],
                sems[slot],
            )
            for (buf, hbm) in bufs
            for t in range(_W // 128)
        ]

    inflight = {0: start(0)}

    acc_s = jnp.zeros((_LANES,), jnp.float32)
    acc_c = jnp.zeros((_LANES,), jnp.float32)

    for ci in range(n_chunks):
        if ci + 1 < n_chunks:
            inflight[ci + 1] = start(ci + 1)
        for hdl in inflight.pop(ci):
            hdl.wait()
        slot = ci % 2

        def body(i, carry):
            a_s, a_c = carry
            for u in range(128 // _LANES):
                xv = xb[slot, i, pl.ds(u * _LANES, _LANES)]
                pv = pb[slot, i, pl.ds(u * _LANES, _LANES)]
                nv = nb[slot, i, pl.ds(u * _LANES, _LANES)]
                mf = jnp.where(jnp.minimum(pv, nv) > 0.5, 1.0, 0.0)
                probs = 1.0 / (1.0 + jnp.exp(-xv))
                a_s = a_s + probs * mf
                a_c = a_c + mf
            return a_s, a_c

        acc_s, acc_c = lax.fori_loop(0, chr_ * (_W // 128), body, (acc_s, acc_c))

    accv[0, :] = acc_s
    accv[1, :] = acc_c
    pltpu.sync_copy(accv, out_hbm.at[h, b])


def _make_sc_partials(nsc, start_row, buf_rows):
    return functools.partial(
        pl.kernel,
        out_type=jax.ShapeDtypeStruct((_NW // nsc, nsc, 2, _LANES), jnp.float32),
        mesh=plsc.VectorSubcoreMesh(core_axis_name="c", subcore_axis_name="s"),
        scratch_types=[
            pltpu.VMEM((2, buf_rows, 128), jnp.float32),
            pltpu.VMEM((2, buf_rows, 128), jnp.float32),
            pltpu.VMEM((2, buf_rows, 128), jnp.float32),
            pltpu.VMEM((2, _LANES), jnp.float32),
            pltpu.SemaphoreType.DMA,
            pltpu.SemaphoreType.DMA,
        ],
    )(functools.partial(_sc_partials_body, nsc, start_row))


def _tc_body(inv_ref, x_ref, p_ref, n_ref, out_ref):
    g = pl.program_id(0)

    m = (p_ref[...] > 0.5) & (n_ref[...] > 0.5)
    mf = m.astype(jnp.float32)
    probs = jax.nn.sigmoid(x_ref[...])
    mp = probs * mf

    total = jnp.float32(0.0)
    for j in range(_NB_TC):
        ps = jnp.sum(mp[j])
        pc = jnp.sum(mf[j])
        p = ps / pc
        inv = inv_ref[g * _NB_TC + j]
        total += -inv * jnp.log(p) - (1.0 - inv) * jnp.log(1.0 - p)

    @pl.when(g == 0)
    def _():
        out_ref[...] = jnp.zeros_like(out_ref)

    out_ref[...] = out_ref[...] + total


def _combine_body(inv_ref, tc_ref, part_ref, out_ref):
    part = part_ref[...]
    a = jnp.sum(part, axis=0)
    red = jnp.sum(a, axis=2)
    p = red[:, 0:1] / red[:, 1:2]
    inv = inv_ref[...]
    terms = -inv * jnp.log(p) - (1.0 - inv) * jnp.log(1.0 - p)
    out_ref[...] = tc_ref[...] + jnp.sum(terms).reshape(1, 1)


def kernel(cancer_logits, prostate_mask, needle_mask, involvement, grade_group):
    B, _, H, W = cancer_logits.shape
    nsc = 4
    ntc = B - nsc
    x3 = cancer_logits.reshape(B, H, W)
    pm3 = prostate_mask.reshape(B, H, W)
    nm3 = needle_mask.reshape(B, H, W)
    x2 = cancer_logits.reshape(B * H, W)
    pm2 = prostate_mask.reshape(B * H, W)
    nm2 = needle_mask.reshape(B * H, W)

    rows_per_w = nsc * _ROWS_PER_B // _NW
    buf_rows = min(32, rows_per_w) * (_W // 128)
    part = _make_sc_partials(nsc, ntc * _ROWS_PER_B, buf_rows)(x2, pm2, nm2)

    img_spec = pl.BlockSpec((_NB_TC, H, W), lambda g: (g, 0, 0))
    tc_out = pl.pallas_call(
        _tc_body,
        grid=(ntc // _NB_TC,),
        in_specs=[
            pl.BlockSpec(memory_space=pltpu.SMEM),
            img_spec,
            img_spec,
            img_spec,
        ],
        out_specs=pl.BlockSpec((1, 1), lambda g: (0, 0)),
        out_shape=jax.ShapeDtypeStruct((1, 1), jnp.float32),
    )(involvement, x3, pm3, nm3)

    out = pl.pallas_call(
        _combine_body,
        in_specs=[
            pl.BlockSpec(memory_space=pltpu.VMEM),
            pl.BlockSpec(memory_space=pltpu.VMEM),
            pl.BlockSpec(memory_space=pltpu.VMEM),
        ],
        out_specs=pl.BlockSpec(memory_space=pltpu.VMEM),
        out_shape=jax.ShapeDtypeStruct((1, 1), jnp.float32),
    )(involvement[ntc:].reshape(nsc, 1), tc_out, part)
    return out[0, 0]

# --- scband reference (transcript-rebuilt; emitter-appended) ---
"""Pipeline reference for scband-cancer-detection-milloss-15908558864775 (READ-ONLY COPY).

The authoritative reference and input builder live on the scoring server;
editing this copy changes nothing except your own understanding.
"""

import jax, jax.numpy as jnp
import numpy as np


def setup_inputs(seed: int = 0) -> dict:
    key = jax.random.key(seed)
    k1, k2, k3, k4, k5 = jax.random.split(key, 5)
    B, H, W = 16, 512, 512
    return {
        "cancer_logits": jax.random.normal(k1, (B, 1, H, W), dtype=jnp.float32),
        "prostate_mask": jax.random.uniform(k2, (B, 1, H, W), dtype=jnp.float32),
        "needle_mask": jax.random.uniform(k3, (B, 1, H, W), dtype=jnp.float32),
        "involvement": jax.random.uniform(k4, (B,), dtype=jnp.float32),
        "grade_group": jax.random.randint(k5, (B,), 0, 6, dtype=jnp.int32),
    }


def reference(cancer_logits, prostate_mask, needle_mask, involvement, grade_group):
    # mask construction: valid loss region = inside prostate AND inside needle
    mask = (prostate_mask > 0.5) & (needle_mask > 0.5)  # [B,1,H,W]
    m = mask[:, 0].astype(cancer_logits.dtype)  # [B,H,W], channel 0 like torch code
    # MaskedPredictionModule selects logits where mask is True and tags them with
    # their core (batch) index. ProportionBCE then takes the mean sigmoid per bag.
    # Equivalent static-shape formulation: masked mean of sigmoid per batch element.
    probs = jax.nn.sigmoid(cancer_logits[:, 0])  # [B,H,W] (C=1)
    cnt = jnp.sum(m, axis=(1, 2))  # number of valid patches per core
    pred_prob = jnp.sum(probs * m, axis=(1, 2)) / cnt  # [B]
    # ProportionBCE (no l1 / entropy penalties by default):
    # loss_i = -inv_i * log(p_i) - (1 - inv_i) * log(1 - p_i); total = sum_i loss_i
    loss = jnp.sum(-involvement * jnp.log(pred_prob) - (1.0 - involvement) * jnp.log(1.0 - pred_prob))
    return loss

if __name__ == "__main__":
    import jax
    _d = setup_inputs()
    print(jax.jit(kernel)(*tuple(_d.values())))

</pallas_src>

<mosaic_0001>
#map = affine_map<(d0, d1) -> (0, 0)>
#map1 = affine_map<(d0, d1) -> (0, 0, 0, 0)>
module attributes {stable_mosaic.version = 14 : i64} {
  func.func @_sc_partials_body(%arg0: i32, %arg1: i32, %arg2: memref<8192x512xf32, #tpu.memory_space<hbm>>, %arg3: memref<8192x512xf32, #tpu.memory_space<hbm>>, %arg4: memref<8192x512xf32, #tpu.memory_space<hbm>>, %arg5: memref<8x4x2x16xf32, #tpu.memory_space<hbm>>, %arg6: memref<2x128x128xf32, #tpu.memory_space<vmem>>, %arg7: memref<2x128x128xf32, #tpu.memory_space<vmem>>, %arg8: memref<2x128x128xf32, #tpu.memory_space<vmem>>, %arg9: memref<2x16xf32, #tpu.memory_space<vmem>>, %arg10: memref<!tpu.dma_semaphore, #tpu.memory_space<semaphore_mem>>, %arg11: memref<!tpu.dma_semaphore, #tpu.memory_space<semaphore_mem>>) attributes {dimension_semantics = [#tpu.dimension_semantics<core_parallel>, #tpu.dimension_semantics<subcore_parallel>], iteration_bounds = array<i64: 2, 16>, scalar_prefetch = 0 : i64, scratch_operands = 6 : i64, tpu.core_type = #tpu.core_type<sc_vector_subcore>, window_params = [{transform_indices = #map}, {transform_indices = #map}, {transform_indices = #map}, {transform_indices = #map1}]} {
    %mul3A = arith.constant 2 : i32
    %mul3A_0 = arith.muli %arg1, %mul3A : i32
    %add3A = arith.addi %mul3A_0, %arg0 : i32
    %mul3A_1 = arith.constant 64 : i32
    %mul3A_2 = arith.muli %add3A, %mul3A_1 : i32
    %add3A_3 = arith.constant 6144 : i32
    %add3A_4 = arith.addi %add3A_3, %mul3A_2 : i32
    %jit3A = arith.constant 8 : i32
    %div3A = arith.divsi %add3A, %jit3A : i32
    %sign3A = arith.constant 0 : i32
    %sign3A_5 = arith.cmpi sgt, %add3A, %sign3A : i32
    %sign3A_6 = arith.extui %sign3A_5 : i1 to i32
    %sign3A_7 = arith.constant 0 : i32
    %sign3A_8 = arith.cmpi slt, %add3A, %sign3A_7 : i32
    %sign3A_9 = arith.extui %sign3A_8 : i1 to i32
    %sign3A_10 = arith.subi %sign3A_6, %sign3A_9 : i32
    %sign3A_11 = arith.constant 0 : i32
    %sign3A_12 = arith.cmpi sgt, %jit3A, %sign3A_11 : i32
    %sign3A_13 = arith.extui %sign3A_12 : i1 to i32
    %sign3A_14 = arith.constant 0 : i32
    %sign3A_15 = arith.cmpi slt, %jit3A, %sign3A_14 : i32
    %sign3A_16 = arith.extui %sign3A_15 : i1 to i32
    %sign3A_17 = arith.subi %sign3A_13, %sign3A_16 : i32
    %ne3A = arith.cmpi ne, %sign3A_10, %sign3A_17 : i32
    %rem3A = arith.remsi %add3A, %jit3A : i32
    %ne3A_18 = arith.constant 0 : i32
    %ne3A_19 = arith.cmpi ne, %rem3A, %ne3A_18 : i32
    %and3A = arith.andi %ne3A, %ne3A_19 : i1
    %sub3A = arith.constant 1 : i32
    %sub3A_20 = arith.subi %div3A, %sub3A : i32
    %select_n3A = arith.select %and3A, %sub3A_20, %div3A : i32
    %jit3A_21 = arith.constant 8 : i32
    %eq3A = arith.constant 0 : i32
    %eq3A_22 = arith.cmpi eq, %jit3A_21, %eq3A : i32
    %jit3A_23 = arith.constant 1 : i32
    %select_n3A_24 = arith.select %eq3A_22, %jit3A_23, %jit3A_21 : i32
    %rem3A_25 = arith.remsi %add3A, %select_n3A_24 : i32
    %ne3A_26 = arith.constant 0 : i32
    %ne3A_27 = arith.cmpi ne, %rem3A_25, %ne3A_26 : i32
    %lt3A = arith.constant 0 : i32
    %lt3A_28 = arith.cmpi slt, %rem3A_25, %lt3A : i32
    %lt3A_29 = arith.constant 0 : i32
    %lt3A_30 = arith.cmpi slt, %select_n3A_24, %lt3A_29 : i32
    %ne3A_31 = arith.xori %lt3A_28, %lt3A_30 : i1
    %and3A_32 = arith.andi %ne3A_31, %ne3A_27 : i1
    %add3A_33 = arith.addi %rem3A_25, %select_n3A_24 : i32
    %select_n3A_34 = arith.select %and3A_32, %add3A_33, %rem3A_25 : i32
    %add3A_35 = arith.constant 0 : i32
    %add3A_36 = arith.addi %add3A_4, %add3A_35 : i32
    %dma_start3A = arith.constant 0 : i32
    %dma_start3A_37 = arith.constant 0 : i32
    %dma_start3A_38 = arith.constant 0 : i32
    %dma_start3A_39 = tpu.memref_slice %arg6[%dma_start3A, %dma_start3A_37, %dma_start3A_38] : memref<2x128x128xf32, #tpu.memory_space<vmem>> -> memref<1x32x128xf32, #tpu.memory_space<vmem>>
    %dma_start3A_40 = tpu.memref_squeeze %dma_start3A_39 : memref<1x32x128xf32, #tpu.memory_space<vmem>> -> memref<32x128xf32, #tpu.memory_space<vmem>>
    %dma_start3A_41 = arith.constant 0 : i32
    %dma_start3A_42 = tpu.memref_slice %arg2[%add3A_36, %dma_start3A_41] : memref<8192x512xf32, #tpu.memory_space<hbm>> -> memref<32x128xf32, #tpu.memory_space<hbm>>
    %dma_start3A_43 = arith.constant 0 : i32
    %dma_start3A_44 = arith.constant 0 : i32
    %dma_start3A_45 = tpu.memref_slice %arg6[%dma_start3A, %dma_start3A_43, %dma_start3A_44] : memref<2x128x128xf32, #tpu.memory_space<vmem>> -> memref<1x32x128xf32, #tpu.memory_space<vmem>>
    %dma_start3A_46 = tpu.memref_squeeze %dma_start3A_45 : memref<1x32x128xf32, #tpu.memory_space<vmem>> -> memref<32x128xf32, #tpu.memory_space<vmem>>
    %dma_start3A_47 = arith.constant 0 : i32
    %dma_start3A_48 = tpu.memref_slice %arg2[%add3A_36, %dma_start3A_47] : memref<8192x512xf32, #tpu.memory_space<hbm>> -> memref<32x128xf32, #tpu.memory_space<hbm>>
    tpu.enqueue_dma source(%dma_start3A_48 : memref<32x128xf32, #tpu.memory_space<hbm>>) target(%dma_start3A_46 : memref<32x128xf32, #tpu.memory_space<vmem>>) target_semaphore(%arg10 : memref<!tpu.dma_semaphore, #tpu.memory_space<semaphore_mem>>)
    %dma_start3A_49 = arith.constant 0 : i32
    %dma_start3A_50 = arith.constant 32 : i32
    %dma_start3A_51 = arith.constant 0 : i32
    %dma_start3A_52 = tpu.memref_slice %arg6[%dma_start3A_49, %dma_start3A_50, %dma_start3A_51] : memref<2x128x128xf32, #tpu.memory_space<vmem>> -> memref<1x32x128xf32, #tpu.memory_space<vmem>>
    %dma_start3A_53 = tpu.memref_squeeze %dma_start3A_52 : memref<1x32x128xf32, #tpu.memory_space<vmem>> -> memref<32x128xf32, #tpu.memory_space<vmem>>
    %dma_start3A_54 = arith.constant 128 : i32
    %dma_start3A_55 = tpu.memref_slice %arg2[%add3A_36, %dma_start3A_54] : memref<8192x512xf32, #tpu.memory_space<hbm>> -> memref<32x128xf32, #tpu.memory_space<hbm>>
    %dma_start3A_56 = arith.constant 32 : i32
    %dma_start3A_57 = arith.constant 0 : i32
    %dma_start3A_58 = tpu.memref_slice %arg6[%dma_start3A_49, %dma_start3A_56, %dma_start3A_57] : memref<2x128x128xf32, #tpu.memory_space<vmem>> -> memref<1x32x128xf32, #tpu.memory_space<vmem>>
    %dma_start3A_59 = tpu.memref_squeeze %dma_start3A_58 : memref<1x32x128xf32, #tpu.memory_space<vmem>> -> memref<32x128xf32, #tpu.memory_space<vmem>>
    %dma_start3A_60 = arith.constant 128 : i32
    %dma_start3A_61 = tpu.memref_slice %arg2[%add3A_36, %dma_start3A_60] : memref<8192x512xf32, #tpu.memory_space<hbm>> -> memref<32x128xf32, #tpu.memory_space<hbm>>
    tpu.enqueue_dma source(%dma_start3A_61 : memref<32x128xf32, #tpu.memory_space<hbm>>) target(%dma_start3A_59 : memref<32x128xf32, #tpu.memory_space<vmem>>) target_semaphore(%arg10 : memref<!tpu.dma_semaphore, #tpu.memory_space<semaphore_mem>>)
    %dma_start3A_62 = arith.constant 0 : i32
    %dma_start3A_63 = arith.constant 64 : i32
    %dma_start3A_64 = arith.constant 0 : i32
    %dma_start3A_65 = tpu.memref_slice %arg6[%dma_start3A_62, %dma_start3A_63, %dma_start3A_64] : memref<2x128x128xf32, #tpu.memory_space<vmem>> -> memref<1x32x128xf32, #tpu.memory_space<vmem>>
    %dma_start3A_66 = tpu.memref_squeeze %dma_start3A_65 : memref<1x32x128xf32, #tpu.memory_space<vmem>> -> memref<32x128xf32, #tpu.memory_space<vmem>>
    %dma_start3A_67 = arith.constant 256 : i32
    %dma_start3A_68 = tpu.memref_slice %arg2[%add3A_36, %dma_start3A_67] : memref<8192x512xf32, #tpu.memory_space<hbm>> -> memref<32x128xf32, #tpu.memory_space<hbm>>
    %dma_start3A_69 = arith.constant 64 : i32
    %dma_start3A_70 = arith.constant 0 : i32
    %dma_start3A_71 = tpu.memref_slice %arg6[%dma_start3A_62, %dma_start3A_69, %dma_start3A_70] : memref<2x128x128xf32, #tpu.memory_space<vmem>> -> memref<1x32x128xf32, #tpu.memory_space<vmem>>
    %dma_start3A_72 = tpu.memref_squeeze %dma_start3A_71 : memref<1x32x128xf32, #tpu.memory_space<vmem>> -> memref<32x128xf32, #tpu.memory_space<vmem>>
    %dma_start3A_73 = arith.constant 256 : i32
    %dma_start3A_74 = tpu.memref_slice %arg2[%add3A_36, %dma_start3A_73] : memref<8192x512xf32, #tpu.memory_space<hbm>> -> memref<32x128xf32, #tpu.memory_space<hbm>>
    tpu.enqueue_dma source(%dma_start3A_74 : memref<32x128xf32, #tpu.memory_space<hbm>>) target(%dma_start3A_72 : memref<32x128xf32, #tpu.memory_space<vmem>>) target_semaphore(%arg10 : memref<!tpu.dma_semaphore, #tpu.memory_space<semaphore_mem>>)
    %dma_start3A_75 = arith.constant 0 : i32
    %dma_start3A_76 = arith.constant 96 : i32
    %dma_start3A_77 = arith.constant 0 : i32
    %dma_start3A_78 = tpu.memref_slice %arg6[%dma_start3A_75, %dma_start3A_76, %dma_start3A_77] : memref<2x128x128xf32, #tpu.memory_space<vmem>> -> memref<1x32x128xf32, #tpu.memory_space<vmem>>
    %dma_start3A_79 = tpu.memref_squeeze %dma_start3A_78 : memref<1x32x128xf32, #tpu.memory_space<vmem>> -> memref<32x128xf32, #tpu.memory_space<vmem>>
    %dma_start3A_80 = arith.constant 384 : i32
    %dma_start3A_81 = tpu.memref_slice %arg2[%add3A_36, %dma_start3A_80] : memref<8192x512xf32, #tpu.memory_space<hbm>> -> memref<32x128xf32, #tpu.memory_space<hbm>>
    %dma_start3A_82 = arith.constant 96 : i32
    %dma_start3A_83 = arith.constant 0 : i32
    %dma_start3A_84 = tpu.memref_slice %arg6[%dma_start3A_75, %dma_start3A_82, %dma_start3A_83] : memref<2x128x128xf32, #tpu.memory_space<vmem>> -> memref<1x32x128xf32, #tpu.memory_space<vmem>>
    %dma_start3A_85 = tpu.memref_squeeze %dma_start3A_84 : memref<1x32x128xf32, #tpu.memory_space<vmem>> -> memref<32x128xf32, #tpu.memory_space<vmem>>
    %dma_start3A_86 = arith.constant 384 : i32
    %dma_start3A_87 = tpu.memref_slice %arg2[%add3A_36, %dma_start3A_86] : memref<8192x512xf32, #tpu.memory_space<hbm>> -> memref<32x128xf32, #tpu.memory_space<hbm>>
    tpu.enqueue_dma source(%dma_start3A_87 : memref<32x128xf32, #tpu.memory_space<hbm>>) target(%dma_start3A_85 : memref<32x128xf32, #tpu.memory_space<vmem>>) target_semaphore(%arg10 : memref<!tpu.dma_semaphore, #tpu.memory_space<semaphore_mem>>)
    %dma_start3A_88 = arith.constant 0 : i32
    %dma_start3A_89 = arith.constant 0 : i32
    %dma_start3A_90 = arith.constant 0 : i32
    %dma_start3A_91 = tpu.memref_slice %arg7[%dma_start3A_88, %dma_start3A_89, %dma_start3A_90] : memref<2x128x128xf32, #tpu.memory_space<vmem>> -> memref<1x32x128xf32, #tpu.memory_space<vmem>>
    %dma_start3A_92 = tpu.memref_squeeze %dma_start3A_91 : memref<1x32x128xf32, #tpu.memory_space<vmem>> -> memref<32x128xf32, #tpu.memory_space<vmem>>
    %dma_start3A_93 = arith.constant 0 : i32
    %dma_start3A_94 = tpu.memref_slice %arg3[%add3A_36, %dma_start3A_93] : memref<8192x512xf32, #tpu.memory_space<hbm>> -> memref<32x128xf32, #tpu.memory_space<hbm>>
    %dma_start3A_95 = arith.constant 0 : i32
    %dma_start3A_96 = arith.constant 0 : i32
    %dma_start3A_97 = tpu.memref_slice %arg7[%dma_start3A_88, %dma_start3A_95, %dma_start3A_96] : memref<2x128x128xf32, #tpu.memory_space<vmem>> -> memref<1x32x128xf32, #tpu.memory_space<vmem>>
    %dma_start3A_98 = tpu.memref_squeeze %dma_start3A_97 : memref<1x32x128xf32, #tpu.memory_space<vmem>> -> memref<32x128xf32, #tpu.memory_space<vmem>>
    %dma_start3A_99 = arith.constant 0 : i32
    %dma_start3A_100 = tpu.memref_slice %arg3[%add3A_36, %dma_start3A_99] : memref<8192x512xf32, #tpu.memory_space<hbm>> -> memref<32x128xf32, #tpu.memory_space<hbm>>
    tpu.enqueue_dma source(%dma_start3A_100 : memref<32x128xf32, #tpu.memory_space<hbm>>) target(%dma_start3A_98 : memref<32x128xf32, #tpu.memory_space<vmem>>) target_semaphore(%arg10 : memref<!tpu.dma_semaphore, #tpu.memory_space<semaphore_mem>>)
    %dma_start3A_101 = arith.constant 0 : i32
    %dma_start3A_102 = arith.constant 32 : i32
    %dma_start3A_103 = arith.constant 0 : i32
    %dma_start3A_104 = tpu.memref_slice %arg7[%dma_start3A_101, %dma_start3A_102, %dma_start3A_103] : memref<2x128x128xf32, #tpu.memory_space<vmem>> -> memref<1x32x128xf32, #tpu.memory_space<vmem>>
    %dma_start3A_105 = tpu.memref_squeeze %dma_start3A_104 : memref<1x32x128xf32, #tpu.memory_space<vmem>> -> memref<32x128xf32, #tpu.memory_space<vmem>>
    %dma_start3A_106 = arith.constant 128 : i32
    %dma_start3A_107 = tpu.memref_slice %arg3[%add3A_36, %dma_start3A_106] : memref<8192x512xf32, #tpu.memory_space<hbm>> -> memref<32x128xf32, #tpu.memory_space<hbm>>
    %dma_start3A_108 = arith.constant 32 : i32
    %dma_start3A_109 = arith.constant 0 : i32
    %dma_start3A_110 = tpu.memref_slice %arg7[%dma_start3A_101, %dma_start3A_108, %dma_start3A_109] : memref<2x128x128xf32, #tpu.memory_space<vmem>> -> memref<1x32x128xf32, #tpu.memory_space<vmem>>
    %dma_start3A_111 = tpu.memref_squeeze %dma_start3A_110 : memref<1x32x128xf32, #tpu.memory_space<vmem>> -> memref<32x128xf32, #tpu.memory_space<vmem>>
    %dma_start3A_112 = arith.constant 128 : i32
    %dma_start3A_113 = tpu.memref_slice %arg3[%add3A_36, %dma_start3A_112] : memref<8192x512xf32, #tpu.memory_space<hbm>> -> memref<32x128xf32, #tpu.memory_space<hbm>>
    tpu.enqueue_dma source(%dma_start3A_113 : memref<32x128xf32, #tpu.memory_space<hbm>>) target(%dma_start3A_111 : memref<32x128xf32, #tpu.memory_space<vmem>>) target_semaphore(%arg10 : memref<!tpu.dma_semaphore, #tpu.memory_space<semaphore_mem>>)
    %dma_start3A_114 = arith.constant 0 : i32
    %dma_start3A_115 = arith.constant 64 : i32
    %dma_start3A_116 = arith.constant 0 : i32
    %dma_start3A_117 = tpu.memref_slice %arg7[%dma_start3A_114, %dma_start3A_115, %dma_start3A_116] : memref<2x128x128xf32, #tpu.memory_space<vmem>> -> memref<1x32x128xf32, #tpu.memory_space<vmem>>
    %dma_start3A_118 = tpu.memref_squeeze %dma_start3A_117 : memref<1x32x128xf32, #tpu.memory_space<vmem>> -> memref<32x128xf32, #tpu.memory_space<vmem>>
    %dma_start3A_119 = arith.constant 256 : i32
    %dma_start3A_120 = tpu.memref_slice %arg3[%add3A_36, %dma_start3A_119] : memref<8192x512xf32, #tpu.memory_space<hbm>> -> memref<32x128xf32, #tpu.memory_space<hbm>>
    %dma_start3A_121 = arith.constant 64 : i32
    %dma_start3A_122 = arith.constant 0 : i32
    %dma_start3A_123 = tpu.memref_slice %arg7[%dma_start3A_114, %dma_start3A_121, %dma_start3A_122] : memref<2x128x128xf32, #tpu.memory_space<vmem>> -> memref<1x32x128xf32, #tpu.memory_space<vmem>>
    %dma_start3A_124 = tpu.memref_squeeze %dma_start3A_123 : memref<1x32x128xf32, #tpu.memory_space<vmem>> -> memref<32x128xf32, #tpu.memory_space<vmem>>
    %dma_start3A_125 = arith.constant 256 : i32
    %dma_start3A_126 = tpu.memref_slice %arg3[%add3A_36, %dma_start3A_125] : memref<8192x512xf32, #tpu.memory_space<hbm>> -> memref<32x128xf32, #tpu.memory_space<hbm>>
    tpu.enqueue_dma source(%dma_start3A_126 : memref<32x128xf32, #tpu.memory_space<hbm>>) target(%dma_start3A_124 : memref<32x128xf32, #tpu.memory_space<vmem>>) target_semaphore(%arg10 : memref<!tpu.dma_semaphore, #tpu.memory_space<semaphore_mem>>)
    %dma_start3A_127 = arith.constant 0 : i32
    %dma_start3A_128 = arith.constant 96 : i32
    %dma_start3A_129 = arith.constant 0 : i32
    %dma_start3A_130 = tpu.memref_slice %arg7[%dma_start3A_127, %dma_start3A_128, %dma_start3A_129] : memref<2x128x128xf32, #tpu.memory_space<vmem>> -> memref<1x32x128xf32, #tpu.memory_space<vmem>>
    %dma_start3A_131 = tpu.memref_squeeze %dma_start3A_130 : memref<1x32x128xf32, #tpu.memory_space<vmem>> -> memref<32x128xf32, #tpu.memory_space<vmem>>
    %dma_start3A_132 = arith.constant 384 : i32
    %dma_start3A_133 = tpu.memref_slice %arg3[%add3A_36, %dma_start3A_132] : memref<8192x512xf32, #tpu.memory_space<hbm>> -> memref<32x128xf32, #tpu.memory_space<hbm>>
    %dma_start3A_134 = arith.constant 96 : i32
    %dma_start3A_135 = arith.constant 0 : i32
    %dma_start3A_136 = tpu.memref_slice %arg7[%dma_start3A_127, %dma_start3A_134, %dma_start3A_135] : memref<2x128x128xf32, #tpu.memory_space<vmem>> -> memref<1x32x128xf32, #tpu.memory_space<vmem>>
    %dma_start3A_137 = tpu.memref_squeeze %dma_start3A_136 : memref<1x32x128xf32, #tpu.memory_space<vmem>> -> memref<32x128xf32, #tpu.memory_space<vmem>>
    %dma_start3A_138 = arith.constant 384 : i32
    %dma_start3A_139 = tpu.memref_slice %arg3[%add3A_36, %dma_start3A_138] : memref<8192x512xf32, #tpu.memory_space<hbm>> -> memref<32x128xf32, #tpu.memory_space<hbm>>
    tpu.enqueue_dma source(%dma_start3A_139 : memref<32x128xf32, #tpu.memory_space<hbm>>) target(%dma_start3A_137 : memref<32x128xf32, #tpu.memory_space<vmem>>) target_semaphore(%arg10 : memref<!tpu.dma_semaphore, #tpu.memory_space<semaphore_mem>>)
    %dma_start3A_140 = arith.constant 0 : i32
    %dma_start3A_141 = arith.constant 0 : i32
    %dma_start3A_142 = arith.constant 0 : i32
    %dma_start3A_143 = tpu.memref_slice %arg8[%dma_start3A_140, %dma_start3A_141, %dma_start3A_142] : memref<2x128x128xf32, #tpu.memory_space<vmem>> -> memref<1x32x128xf32, #tpu.memory_space<vmem>>
    %dma_start3A_144 = tpu.memref_squeeze %dma_start3A_143 : memref<1x32x128xf32, #tpu.memory_space<vmem>> -> memref<32x128xf32, #tpu.memory_space<vmem>>
    %dma_start3A_145 = arith.constant 0 : i32
    %dma_start3A_146 = tpu.memref_slice %arg4[%add3A_36, %dma_start3A_145] : memref<8192x512xf32, #tpu.memory_space<hbm>> -> memref<32x128xf32, #tpu.memory_space<hbm>>
    %dma_start3A_147 = arith.constant 0 : i32
    %dma_start3A_148 = arith.constant 0 : i32
    %dma_start3A_149 = tpu.memref_slice %arg8[%dma_start3A_140, %dma_start3A_147, %dma_start3A_148] : memref<2x128x128xf32, #tpu.memory_space<vmem>> -> memref<1x32x128xf32, #tpu.memory_space<vmem>>
    %dma_start3A_150 = tpu.memref_squeeze %dma_start3A_149 : memref<1x32x128xf32, #tpu.memory_space<vmem>> -> memref<32x128xf32, #tpu.memory_space<vmem>>
    %dma_start3A_151 = arith.constant 0 : i32
    %dma_start3A_152 = tpu.memref_slice %arg4[%add3A_36, %dma_start3A_151] : memref<8192x512xf32, #tpu.memory_space<hbm>> -> memref<32x128xf32, #tpu.memory_space<hbm>>
    tpu.enqueue_dma source(%dma_start3A_152 : memref<32x128xf32, #tpu.memory_space<hbm>>) target(%dma_start3A_150 : memref<32x128xf32, #tpu.memory_space<vmem>>) target_semaphore(%arg10 : memref<!tpu.dma_semaphore, #tpu.memory_space<semaphore_mem>>)
    %dma_start3A_153 = arith.constant 0 : i32
    %dma_start3A_154 = arith.constant 32 : i32
    %dma_start3A_155 = arith.constant 0 : i32
    %dma_start3A_156 = tpu.memref_slice %arg8[%dma_start3A_153, %dma_start3A_154, %dma_start3A_155] : memref<2x128x128xf32, #tpu.memory_space<vmem>> -> memref<1x32x128xf32, #tpu.memory_space<vmem>>
    %dma_start3A_157 = tpu.memref_squeeze %dma_start3A_156 : memref<1x32x128xf32, #tpu.memory_space<vmem>> -> memref<32x128xf32, #tpu.memory_space<vmem>>
    %dma_start3A_158 = arith.constant 128 : i32
    %dma_start3A_159 = tpu.memref_slice %arg4[%add3A_36, %dma_start3A_158] : memref<8192x512xf32, #tpu.memory_space<hbm>> -> memref<32x128xf32, #tpu.memory_space<hbm>>
    %dma_start3A_160 = arith.constant 32 : i32
    %dma_start3A_161 = arith.constant 0 : i32
    %dma_start3A_162 = tpu.memref_slice %arg8[%dma_start3A_153, %dma_start3A_160, %dma_start3A_161] : memref<2x128x128xf32, #tpu.memory_space<vmem>> -> memref<1x32x128xf32, #tpu.memory_space<vmem>>
    %dma_start3A_163 = tpu.memref_squeeze %dma_start3A_162 : memref<1x32x128xf32, #tpu.memory_space<vmem>> -> memref<32x128xf32, #tpu.memory_space<vmem>>
    %dma_start3A_164 = arith.constant 128 : i32
    %dma_start3A_165 = tpu.memref_slice %arg4[%add3A_36, %dma_start3A_164] : memref<8192x512xf32, #tpu.memory_space<hbm>> -> memref<32x128xf32, #tpu.memory_space<hbm>>
    tpu.enqueue_dma source(%dma_start3A_165 : memref<32x128xf32, #tpu.memory_space<hbm>>) target(%dma_start3A_163 : memref<32x128xf32, #tpu.memory_space<vmem>>) target_semaphore(%arg10 : memref<!tpu.dma_semaphore, #tpu.memory_space<semaphore_mem>>)
    %dma_start3A_166 = arith.constant 0 : i32
    %dma_start3A_167 = arith.constant 64 : i32
    %dma_start3A_168 = arith.constant 0 : i32
    %dma_start3A_169 = tpu.memref_slice %arg8[%dma_start3A_166, %dma_start3A_167, %dma_start3A_168] : memref<2x128x128xf32, #tpu.memory_space<vmem>> -> memref<1x32x128xf32, #tpu.memory_space<vmem>>
    %dma_start3A_170 = tpu.memref_squeeze %dma_start3A_169 : memref<1x32x128xf32, #tpu.memory_space<vmem>> -> memref<32x128xf32, #tpu.memory_space<vmem>>
    %dma_start3A_171 = arith.constant 256 : i32
    %dma_start3A_172 = tpu.memref_slice %arg4[%add3A_36, %dma_start3A_171] : memref<8192x512xf32, #tpu.memory_space<hbm>> -> memref<32x128xf32, #tpu.memory_space<hbm>>
    %dma_start3A_173 = arith.constant 64 : i32
    %dma_start3A_174 = arith.constant 0 : i32
    %dma_start3A_175 = tpu.memref_slice %arg8[%dma_start3A_166, %dma_start3A_173, %dma_start3A_174] : memref<2x128x128xf32, #tpu.memory_space<vmem>> -> memref<1x32x128xf32, #tpu.memory_space<vmem>>
    %dma_start3A_176 = tpu.memref_squeeze %dma_start3A_175 : memref<1x32x128xf32, #tpu.memory_space<vmem>> -> memref<32x128xf32, #tpu.memory_space<vmem>>
    %dma_start3A_177 = arith.constant 256 : i32
    %dma_start3A_178 = tpu.memref_slice %arg4[%add3A_36, %dma_start3A_177] : memref<8192x512xf32, #tpu.memory_space<hbm>> -> memref<32x128xf32, #tpu.memory_space<hbm>>
    tpu.enqueue_dma source(%dma_start3A_178 : memref<32x128xf32, #tpu.memory_space<hbm>>) target(%dma_start3A_176 : memref<32x128xf32, #tpu.memory_space<vmem>>) target_semaphore(%arg10 : memref<!tpu.dma_semaphore, #tpu.memory_space<semaphore_mem>>)
    %dma_start3A_179 = arith.constant 0 : i32
    %dma_start3A_180 = arith.constant 96 : i32
    %dma_start3A_181 = arith.constant 0 : i32
    %dma_start3A_182 = tpu.memref_slice %arg8[%dma_start3A_179, %dma_start3A_180, %dma_start3A_181] : memref<2x128x128xf32, #tpu.memory_space<vmem>> -> memref<1x32x128xf32, #tpu.memory_space<vmem>>
    %dma_start3A_183 = tpu.memref_squeeze %dma_start3A_182 : memref<1x32x128xf32, #tpu.memory_space<vmem>> -> memref<32x128xf32, #tpu.memory_space<vmem>>
    %dma_start3A_184 = arith.constant 384 : i32
    %dma_start3A_185 = tpu.memref_slice %arg4[%add3A_36, %dma_start3A_184] : memref<8192x512xf32, #tpu.memory_space<hbm>> -> memref<32x128xf32, #tpu.memory_space<hbm>>
    %dma_start3A_186 = arith.constant 96 : i32
    %dma_start3A_187 = arith.constant 0 : i32
    %dma_start3A_188 = tpu.memref_slice %arg8[%dma_start3A_179, %dma_start3A_186, %dma_start3A_187] : memref<2x128x128xf32, #tpu.memory_space<vmem>> -> memref<1x32x128xf32, #tpu.memory_space<vmem>>
    %dma_start3A_189 = tpu.memref_squeeze %dma_start3A_188 : memref<1x32x128xf32, #tpu.memory_space<vmem>> -> memref<32x128xf32, #tpu.memory_space<vmem>>
    %dma_start3A_190 = arith.constant 384 : i32
    %dma_start3A_191 = tpu.memref_slice %arg4[%add3A_36, %dma_start3A_190] : memref<8192x512xf32, #tpu.memory_space<hbm>> -> memref<32x128xf32, #tpu.memory_space<hbm>>
    tpu.enqueue_dma source(%dma_start3A_191 : memref<32x128xf32, #tpu.memory_space<hbm>>) target(%dma_start3A_189 : memref<32x128xf32, #tpu.memory_space<vmem>>) target_semaphore(%arg10 : memref<!tpu.dma_semaphore, #tpu.memory_space<semaphore_mem>>)
    %broadcast_in_dim3A = arith.constant 0.000000e+00 : f32
    %broadcast_in_dim3A_192 = vector.broadcast %broadcast_in_dim3A : f32 to vector<16xf32>
    %broadcast_in_dim3A_193 = arith.constant 0.000000e+00 : f32
    %broadcast_in_dim3A_194 = vector.broadcast %broadcast_in_dim3A_193 : f32 to vector<16xf32>
    %add3A_195 = arith.constant 32 : i32
    %add3A_196 = arith.addi %add3A_4, %add3A_195 : i32
    %dma_start3A_197 = arith.constant 1 : i32
    %dma_start3A_198 = arith.constant 0 : i32
    %dma_start3A_199 = arith.constant 0 : i32
    %dma_start3A_200 = tpu.memref_slice %arg6[%dma_start3A_197, %dma_start3A_198, %dma_start3A_199] : memref<2x128x128xf32, #tpu.memory_space<vmem>> -> memref<1x32x128xf32, #tpu.memory_space<vmem>>
    %dma_start3A_201 = tpu.memref_squeeze %dma_start3A_200 : memref<1x32x128xf32, #tpu.memory_space<vmem>> -> memref<32x128xf32, #tpu.memory_space<vmem>>
    %dma_start3A_202 = arith.constant 0 : i32
    %dma_start3A_203 = tpu.memref_slice %arg2[%add3A_196, %dma_start3A_202] : memref<8192x512xf32, #tpu.memory_space<hbm>> -> memref<32x128xf32, #tpu.memory_space<hbm>>
    %dma_start3A_204 = arith.constant 0 : i32
    %dma_start3A_205 = arith.constant 0 : i32
    %dma_start3A_206 = tpu.memref_slice %arg6[%dma_start3A_197, %dma_start3A_204, %dma_start3A_205] : memref<2x128x128xf32, #tpu.memory_space<vmem>> -> memref<1x32x128xf32, #tpu.memory_space<vmem>>
    %dma_start3A_207 = tpu.memref_squeeze %dma_start3A_206 : memref<1x32x128xf32, #tpu.memory_space<vmem>> -> memref<32x128xf32, #tpu.memory_space<vmem>>
    %dma_start3A_208 = arith.constant 0 : i32
    %dma_start3A_209 = tpu.memref_slice %arg2[%add3A_196, %dma_start3A_208] : memref<8192x512xf32, #tpu.memory_space<hbm>> -> memref<32x128xf32, #tpu.memory_space<hbm>>
    tpu.enqueue_dma source(%dma_start3A_209 : memref<32x128xf32, #tpu.memory_space<hbm>>) target(%dma_start3A_207 : memref<32x128xf32, #tpu.memory_space<vmem>>) target_semaphore(%arg11 : memref<!tpu.dma_semaphore, #tpu.memory_space<semaphore_mem>>)
    %dma_start3A_210 = arith.constant 1 : i32
    %dma_start3A_211 = arith.constant 32 : i32
    %dma_start3A_212 = arith.constant 0 : i32
    %dma_start3A_213 = tpu.memref_slice %arg6[%dma_start3A_210, %dma_start3A_211, %dma_start3A_212] : memref<2x128x128xf32, #tpu.memory_space<vmem>> -> memref<1x32x128xf32, #tpu.memory_space<vmem>>
    %dma_start3A_214 = tpu.memref_squeeze %dma_start3A_213 : memref<1x32x128xf32, #tpu.memory_space<vmem>> -> memref<32x128xf32, #tpu.memory_space<vmem>>
    %dma_start3A_215 = arith.constant 128 : i32
    %dma_start3A_216 = tpu.memref_slice %arg2[%add3A_196, %dma_start3A_215] : memref<8192x512xf32, #tpu.memory_space<hbm>> -> memref<32x128xf32, #tpu.memory_space<hbm>>
    %dma_start3A_217 = arith.constant 32 : i32
    %dma_start3A_218 = arith.constant 0 : i32
    %dma_start3A_219 = tpu.memref_slice %arg6[%dma_start3A_210, %dma_start3A_217, %dma_start3A_218] : memref<2x128x128xf32, #tpu.memory_space<vmem>> -> memref<1x32x128xf32, #tpu.memory_space<vmem>>
    %dma_start3A_220 = tpu.memref_squeeze %dma_start3A_219 : memref<1x32x128xf32, #tpu.memory_space<vmem>> -> memref<32x128xf32, #tpu.memory_space<vmem>>
    %dma_start3A_221 = arith.constant 128 : i32
    %dma_start3A_222 = tpu.memref_slice %arg2[%add3A_196, %dma_start3A_221] : memref<8192x512xf32, #tpu.memory_space<hbm>> -> memref<32x128xf32, #tpu.memory_space<hbm>>
    tpu.enqueue_dma source(%dma_start3A_222 : memref<32x128xf32, #tpu.memory_space<hbm>>) target(%dma_start3A_220 : memref<32x128xf32, #tpu.memory_space<vmem>>) target_semaphore(%arg11 : memref<!tpu.dma_semaphore, #tpu.memory_space<semaphore_mem>>)
    %dma_start3A_223 = arith.constant 1 : i32
    %dma_start3A_224 = arith.constant 64 : i32
    %dma_start3A_225 = arith.constant 0 : i32
    %dma_start3A_226 = tpu.memref_slice %arg6[%dma_start3A_223, %dma_start3A_224, %dma_start3A_225] : memref<2x128x128xf32, #tpu.memory_space<vmem>> -> memref<1x32x128xf32, #tpu.memory_space<vmem>>
    %dma_start3A_227 = tpu.memref_squeeze %dma_start3A_226 : memref<1x32x128xf32, #tpu.memory_space<vmem>> -> memref<32x128xf32, #tpu.memory_space<vmem>>
    %dma_start3A_228 = arith.constant 256 : i32
    %dma_start3A_229 = tpu.memref_slice %arg2[%add3A_196, %dma_start3A_228] : memref<8192x512xf32, #tpu.memory_space<hbm>> -> memref<32x128xf32, #tpu.memory_space<hbm>>
    %dma_start3A_230 = arith.constant 64 : i32
    %dma_start3A_231 = arith.constant 0 : i32
    %dma_start3A_232 = tpu.memref_slice %arg6[%dma_start3A_223, %dma_start3A_230, %dma_start3A_231] : memref<2x128x128xf32, #tpu.memory_space<vmem>> -> memref<1x32x128xf32, #tpu.memory_space<vmem>>
    %dma_start3A_233 = tpu.memref_squeeze %dma_start3A_232 : memref<1x32x128xf32, #tpu.memory_space<vmem>> -> memref<32x128xf32, #tpu.memory_space<vmem>>
    %dma_start3A_234 = arith.constant 256 : i32
    %dma_start3A_235 = tpu.memref_slice %arg2[%add3A_196, %dma_start3A_234] : memref<8192x512xf32, #tpu.memory_space<hbm>> -> memref<32x128xf32, #tpu.memory_space<hbm>>
    tpu.enqueue_dma source(%dma_start3A_235 : memref<32x128xf32, #tpu.memory_space<hbm>>) target(%dma_start3A_233 : memref<32x128xf32, #tpu.memory_space<vmem>>) target_semaphore(%arg11 : memref<!tpu.dma_semaphore, #tpu.memory_space<semaphore_mem>>)
    %dma_start3A_236 = arith.constant 1 : i32
    %dma_start3A_237 = arith.constant 96 : i32
    %dma_start3A_238 = arith.constant 0 : i32
    %dma_start3A_239 = tpu.memref_slice %arg6[%dma_start3A_236, %dma_start3A_237, %dma_start3A_238] : memref<2x128x128xf32, #tpu.memory_space<vmem>> -> memref<1x32x128xf32, #tpu.memory_space<vmem>>
    %dma_start3A_240 = tpu.memref_squeeze %dma_start3A_239 : memref<1x32x128xf32, #tpu.memory_space<vmem>> -> memref<32x128xf32, #tpu.memory_space<vmem>>
    %dma_start3A_241 = arith.constant 384 : i32
    %dma_start3A_242 = tpu.memref_slice %arg2[%add3A_196, %dma_start3A_241] : memref<8192x512xf32, #tpu.memory_space<hbm>> -> memref<32x128xf32, #tpu.memory_space<hbm>>
    %dma_start3A_243 = arith.constant 96 : i32
    %dma_start3A_244 = arith.constant 0 : i32
    %dma_start3A_245 = tpu.memref_slice %arg6[%dma_start3A_236, %dma_start3A_243, %dma_start3A_244] : memref<2x128x128xf32, #tpu.memory_space<vmem>> -> memref<1x32x128xf32, #tpu.memory_space<vmem>>
    %dma_start3A_246 = tpu.memref_squeeze %dma_start3A_245 : memref<1x32x128xf32, #tpu.memory_space<vmem>> -> memref<32x128xf32, #tpu.memory_space<vmem>>
    %dma_start3A_247 = arith.constant 384 : i32
    %dma_start3A_248 = tpu.memref_slice %arg2[%add3A_196, %dma_start3A_247] : memref<8192x512xf32, #tpu.memory_space<hbm>> -> memref<32x128xf32, #tpu.memory_space<hbm>>
    tpu.enqueue_dma source(%dma_start3A_248 : memref<32x128xf32, #tpu.memory_space<hbm>>) target(%dma_start3A_246 : memref<32x128xf32, #tpu.memory_space<vmem>>) target_semaphore(%arg11 : memref<!tpu.dma_semaphore, #tpu.memory_space<semaphore_mem>>)
    %dma_start3A_249 = arith.constant 1 : i32
    %dma_start3A_250 = arith.constant 0 : i32
    %dma_start3A_251 = arith.constant 0 : i32
    %dma_start3A_252 = tpu.memref_slice %arg7[%dma_start3A_249, %dma_start3A_250, %dma_start3A_251] : memref<2x128x128xf32, #tpu.memory_space<vmem>> -> memref<1x32x128xf32, #tpu.memory_space<vmem>>
    %dma_start3A_253 = tpu.memref_squeeze %dma_start3A_252 : memref<1x32x128xf32, #tpu.memory_space<vmem>> -> memref<32x128xf32, #tpu.memory_space<vmem>>
    %dma_start3A_254 = arith.constant 0 : i32
    %dma_start3A_255 = tpu.memref_slice %arg3[%add3A_196, %dma_start3A_254] : memref<8192x512xf32, #tpu.memory_space<hbm>> -> memref<32x128xf32, #tpu.memory_space<hbm>>
    %dma_start3A_256 = arith.constant 0 : i32
    %dma_start3A_257 = arith.constant 0 : i32
    %dma_start3A_258 = tpu.memref_slice %arg7[%dma_start3A_249, %dma_start3A_256, %dma_start3A_257] : memref<2x128x128xf32, #tpu.memory_space<vmem>> -> memref<1x32x128xf32, #tpu.memory_space<vmem>>
    %dma_start3A_259 = tpu.memref_squeeze %dma_start3A_258 : memref<1x32x128xf32, #tpu.memory_space<vmem>> -> memref<32x128xf32, #tpu.memory_space<vmem>>
    %dma_start3A_260 = arith.constant 0 : i32
    %dma_start3A_261 = tpu.memref_slice %arg3[%add3A_196, %dma_start3A_260] : memref<8192x512xf32, #tpu.memory_space<hbm>> -> memref<32x128xf32, #tpu.memory_space<hbm>>
    tpu.enqueue_dma source(%dma_start3A_261 : memref<32x128xf32, #tpu.memory_space<hbm>>) target(%dma_start3A_259 : memref<32x128xf32, #tpu.memory_space<vmem>>) target_semaphore(%arg11 : memref<!tpu.dma_semaphore, #tpu.memory_space<semaphore_mem>>)
    %dma_start3A_262 = arith.constant 1 : i32
    %dma_start3A_263 = arith.constant 32 : i32
    %dma_start3A_264 = arith.constant 0 : i32
    %dma_start3A_265 = tpu.memref_slice %arg7[%dma_start3A_262, %dma_start3A_263, %dma_start3A_264] : memref<2x128x128xf32, #tpu.memory_space<vmem>> -> memref<1x32x128xf32, #tpu.memory_space<vmem>>
    %dma_start3A_266 = tpu.memref_squeeze %dma_start3A_265 : memref<1x32x128xf32, #tpu.memory_space<vmem>> -> memref<32x128xf32, #tpu.memory_space<vmem>>
    %dma_start3A_267 = arith.constant 128 : i32
    %dma_start3A_268 = tpu.memref_slice %arg3[%add3A_196, %dma_start3A_267] : memref<8192x512xf32, #tpu.memory_space<hbm>> -> memref<32x128xf32, #tpu.memory_space<hbm>>
    %dma_start3A_269 = arith.constant 32 : i32
    %dma_start3A_270 = arith.constant 0 : i32
    %dma_start3A_271 = tpu.memref_slice %arg7[%dma_start3A_262, %dma_start3A_269, %dma_start3A_270] : memref<2x128x128xf32, #tpu.memory_space<vmem>> -> memref<1x32x128xf32, #tpu.memory_space<vmem>>
    %dma_start3A_272 = tpu.memref_squeeze %dma_start3A_271 : memref<1x32x128xf32, #tpu.memory_space<vmem>> -> memref<32x128xf32, #tpu.memory_space<vmem>>
    %dma_start3A_273 = arith.constant 128 : i32
    %dma_start3A_274 = tpu.memref_slice %arg3[%add3A_196, %dma_start3A_273] : memref<8192x512xf32, #tpu.memory_space<hbm>> -> memref<32x128xf32, #tpu.memory_space<hbm>>
    tpu.enqueue_dma source(%dma_start3A_274 : memref<32x128xf32, #tpu.memory_space<hbm>>) target(%dma_start3A_272 : memref<32x128xf32, #tpu.memory_space<vmem>>) target_semaphore(%arg11 : memref<!tpu.dma_semaphore, #tpu.memory_space<semaphore_mem>>)
    %dma_start3A_275 = arith.constant 1 : i32
    %dma_start3A_276 = arith.constant 64 : i32
    %dma_start3A_277 = arith.constant 0 : i32
    %dma_start3A_278 = tpu.memref_slice %arg7[%dma_start3A_275, %dma_start3A_276, %dma_start3A_277] : memref<2x128x128xf32, #tpu.memory_space<vmem>> -> memref<1x32x128xf32, #tpu.memory_space<vmem>>
    %dma_start3A_279 = tpu.memref_squeeze %dma_start3A_278 : memref<1x32x128xf32, #tpu.memory_space<vmem>> -> memref<32x128xf32, #tpu.memory_space<vmem>>
    %dma_start3A_280 = arith.constant 256 : i32
    %dma_start3A_281 = tpu.memref_slice %arg3[%add3A_196, %dma_start3A_280] : memref<8192x512xf32, #tpu.memory_space<hbm>> -> memref<32x128xf32, #tpu.memory_space<hbm>>
    %dma_start3A_282 = arith.constant 64 : i32
    %dma_start3A_283 = arith.constant 0 : i32
    %dma_start3A_284 = tpu.memref_slice %arg7[%dma_start3A_275, %dma_start3A_282, %dma_start3A_283] : memref<2x128x128xf32, #tpu.memory_space<vmem>> -> memref<1x32x128xf32, #tpu.memory_space<vmem>>
    %dma_start3A_285 = tpu.memref_squeeze %dma_start3A_284 : memref<1x32x128xf32, #tpu.memory_space<vmem>> -> memref<32x128xf32, #tpu.memory_space<vmem>>
    %dma_start3A_286 = arith.constant 256 : i32
    %dma_start3A_287 = tpu.memref_slice %arg3[%add3A_196, %dma_start3A_286] : memref<8192x512xf32, #tpu.memory_space<hbm>> -> memref<32x128xf32, #tpu.memory_space<hbm>>
    tpu.enqueue_dma source(%dma_start3A_287 : memref<32x128xf32, #tpu.memory_space<hbm>>) target(%dma_start3A_285 : memref<32x128xf32, #tpu.memory_space<vmem>>) target_semaphore(%arg11 : memref<!tpu.dma_semaphore, #tpu.memory_space<semaphore_mem>>)
    %dma_start3A_288 = arith.constant 1 : i32
    %dma_start3A_289 = arith.constant 96 : i32
    %dma_start3A_290 = arith.constant 0 : i32
    %dma_start3A_291 = tpu.memref_slice %arg7[%dma_start3A_288, %dma_start3A_289, %dma_start3A_290] : memref<2x128x128xf32, #tpu.memory_space<vmem>> -> memref<1x32x128xf32, #tpu.memory_space<vmem>>
    %dma_start3A_292 = tpu.memref_squeeze %dma_start3A_291 : memref<1x32x128xf32, #tpu.memory_space<vmem>> -> memref<32x128xf32, #tpu.memory_space<vmem>>
    %dma_start3A_293 = arith.constant 384 : i32
    %dma_start3A_294 = tpu.memref_slice %arg3[%add3A_196, %dma_start3A_293] : memref<8192x512xf32, #tpu.memory_space<hbm>> -> memref<32x128xf32, #tpu.memory_space<hbm>>
    %dma_start3A_295 = arith.constant 96 : i32
    %dma_start3A_296 = arith.constant 0 : i32
    %dma_start3A_297 = tpu.memref_slice %arg7[%dma_start3A_288, %dma_start3A_295, %dma_start3A_296] : memref<2x128x128xf32, #tpu.memory_space<vmem>> -> memref<1x32x128xf32, #tpu.memory_space<vmem>>
    %dma_start3A_298 = tpu.memref_squeeze %dma_start3A_297 : memref<1x32x128xf32, #tpu.memory_space<vmem>> -> memref<32x128xf32, #tpu.memory_space<vmem>>
    %dma_start3A_299 = arith.constant 384 : i32
    %dma_start3A_300 = tpu.memref_slice %arg3[%add3A_196, %dma_start3A_299] : memref<8192x512xf32, #tpu.memory_space<hbm>> -> memref<32x128xf32, #tpu.memory_space<hbm>>
    tpu.enqueue_dma source(%dma_start3A_300 : memref<32x128xf32, #tpu.memory_space<hbm>>) target(%dma_start3A_298 : memref<32x128xf32, #tpu.memory_space<vmem>>) target_semaphore(%arg11 : memref<!tpu.dma_semaphore, #tpu.memory_space<semaphore_mem>>)
    %dma_start3A_301 = arith.constant 1 : i32
    %dma_start3A_302 = arith.constant 0 : i32
    %dma_start3A_303 = arith.constant 0 : i32
    %dma_start3A_304 = tpu.memref_slice %arg8[%dma_start3A_301, %dma_start3A_302, %dma_start3A_303] : memref<2x128x128xf32, #tpu.memory_space<vmem>> -> memref<1x32x128xf32, #tpu.memory_space<vmem>>
    %dma_start3A_305 = tpu.memref_squeeze %dma_start3A_304 : memref<1x32x128xf32, #tpu.memory_space<vmem>> -> memref<32x128xf32, #tpu.memory_space<vmem>>
    %dma_start3A_306 = arith.constant 0 : i32
    %dma_start3A_307 = tpu.memref_slice %arg4[%add3A_196, %dma_start3A_306] : memref<8192x512xf32, #tpu.memory_space<hbm>> -> memref<32x128xf32, #tpu.memory_space<hbm>>
    %dma_start3A_308 = arith.constant 0 : i32
    %dma_start3A_309 = arith.constant 0 : i32
    %dma_start3A_310 = tpu.memref_slice %arg8[%dma_start3A_301, %dma_start3A_308, %dma_start3A_309] : memref<2x128x128xf32, #tpu.memory_space<vmem>> -> memref<1x32x128xf32, #tpu.memory_space<vmem>>
    %dma_start3A_311 = tpu.memref_squeeze %dma_start3A_310 : memref<1x32x128xf32, #tpu.memory_space<vmem>> -> memref<32x128xf32, #tpu.memory_space<vmem>>
    %dma_start3A_312 = arith.constant 0 : i32
    %dma_start3A_313 = tpu.memref_slice %arg4[%add3A_196, %dma_start3A_312] : memref<8192x512xf32, #tpu.memory_space<hbm>> -> memref<32x128xf32, #tpu.memory_space<hbm>>
    tpu.enqueue_dma source(%dma_start3A_313 : memref<32x128xf32, #tpu.memory_space<hbm>>) target(%dma_start3A_311 : memref<32x128xf32, #tpu.memory_space<vmem>>) target_semaphore(%arg11 : memref<!tpu.dma_semaphore, #tpu.memory_space<semaphore_mem>>)
    %dma_start3A_314 = arith.constant 1 : i32
    %dma_start3A_315 = arith.constant 32 : i32
    %dma_start3A_316 = arith.constant 0 : i32
    %dma_start3A_317 = tpu.memref_slice %arg8[%dma_start3A_314, %dma_start3A_315, %dma_start3A_316] : memref<2x128x128xf32, #tpu.memory_space<vmem>> -> memref<1x32x128xf32, #tpu.memory_space<vmem>>
    %dma_start3A_318 = tpu.memref_squeeze %dma_start3A_317 : memref<1x32x128xf32, #tpu.memory_space<vmem>> -> memref<32x128xf32, #tpu.memory_space<vmem>>
    %dma_start3A_319 = arith.constant 128 : i32
    %dma_start3A_320 = tpu.memref_slice %arg4[%add3A_196, %dma_start3A_319] : memref<8192x512xf32, #tpu.memory_space<hbm>> -> memref<32x128xf32, #tpu.memory_space<hbm>>
    %dma_start3A_321 = arith.constant 32 : i32
    %dma_start3A_322 = arith.constant 0 : i32
    %dma_start3A_323 = tpu.memref_slice %arg8[%dma_start3A_314, %dma_start3A_321, %dma_start3A_322] : memref<2x128x128xf32, #tpu.memory_space<vmem>> -> memref<1x32x128xf32, #tpu.memory_space<vmem>>
    %dma_start3A_324 = tpu.memref_squeeze %dma_start3A_323 : memref<1x32x128xf32, #tpu.memory_space<vmem>> -> memref<32x128xf32, #tpu.memory_space<vmem>>
    %dma_start3A_325 = arith.constant 128 : i32
    %dma_start3A_326 = tpu.memref_slice %arg4[%add3A_196, %dma_start3A_325] : memref<8192x512xf32, #tpu.memory_space<hbm>> -> memref<32x128xf32, #tpu.memory_space<hbm>>
    tpu.enqueue_dma source(%dma_start3A_326 : memref<32x128xf32, #tpu.memory_space<hbm>>) target(%dma_start3A_324 : memref<32x128xf32, #tpu.memory_space<vmem>>) target_semaphore(%arg11 : memref<!tpu.dma_semaphore, #tpu.memory_space<semaphore_mem>>)
    %dma_start3A_327 = arith.constant 1 : i32
    %dma_start3A_328 = arith.constant 64 : i32
    %dma_start3A_329 = arith.constant 0 : i32
    %dma_start3A_330 = tpu.memref_slice %arg8[%dma_start3A_327, %dma_start3A_328, %dma_start3A_329] : memref<2x128x128xf32, #tpu.memory_space<vmem>> -> memref<1x32x128xf32, #tpu.memory_space<vmem>>
    %dma_start3A_331 = tpu.memref_squeeze %dma_start3A_330 : memref<1x32x128xf32, #tpu.memory_space<vmem>> -> memref<32x128xf32, #tpu.memory_space<vmem>>
    %dma_start3A_332 = arith.constant 256 : i32
    %dma_start3A_333 = tpu.memref_slice %arg4[%add3A_196, %dma_start3A_332] : memref<8192x512xf32, #tpu.memory_space<hbm>> -> memref<32x128xf32, #tpu.memory_space<hbm>>
    %dma_start3A_334 = arith.constant 64 : i32
    %dma_start3A_335 = arith.constant 0 : i32
    %dma_start3A_336 = tpu.memref_slice %arg8[%dma_start3A_327, %dma_start3A_334, %dma_start3A_335] : memref<2x128x128xf32, #tpu.memory_space<vmem>> -> memref<1x32x128xf32, #tpu.memory_space<vmem>>
    %dma_start3A_337 = tpu.memref_squeeze %dma_start3A_336 : memref<1x32x128xf32, #tpu.memory_space<vmem>> -> memref<32x128xf32, #tpu.memory_space<vmem>>
    %dma_start3A_338 = arith.constant 256 : i32
    %dma_start3A_339 = tpu.memref_slice %arg4[%add3A_196, %dma_start3A_338] : memref<8192x512xf32, #tpu.memory_space<hbm>> -> memref<32x128xf32, #tpu.memory_space<hbm>>
    tpu.enqueue_dma source(%dma_start3A_339 : memref<32x128xf32, #tpu.memory_space<hbm>>) target(%dma_start3A_337 : memref<32x128xf32, #tpu.memory_space<vmem>>) target_semaphore(%arg11 : memref<!tpu.dma_semaphore, #tpu.memory_space<semaphore_mem>>)
    %dma_start3A_340 = arith.constant 1 : i32
    %dma_start3A_341 = arith.constant 96 : i32
    %dma_start3A_342 = arith.constant 0 : i32
    %dma_start3A_343 = tpu.memref_slice %arg8[%dma_start3A_340, %dma_start3A_341, %dma_start3A_342] : memref<2x128x128xf32, #tpu.memory_space<vmem>> -> memref<1x32x128xf32, #tpu.memory_space<vmem>>
    %dma_start3A_344 = tpu.memref_squeeze %dma_start3A_343 : memref<1x32x128xf32, #tpu.memory_space<vmem>> -> memref<32x128xf32, #tpu.memory_space<vmem>>
    %dma_start3A_345 = arith.constant 384 : i32
    %dma_start3A_346 = tpu.memref_slice %arg4[%add3A_196, %dma_start3A_345] : memref<8192x512xf32, #tpu.memory_space<hbm>> -> memref<32x128xf32, #tpu.memory_space<hbm>>
    %dma_start3A_347 = arith.constant 96 : i32
    %dma_start3A_348 = arith.constant 0 : i32
    %dma_start3A_349 = tpu.memref_slice %arg8[%dma_start3A_340, %dma_start3A_347, %dma_start3A_348] : memref<2x128x128xf32, #tpu.memory_space<vmem>> -> memref<1x32x128xf32, #tpu.memory_space<vmem>>
    %dma_start3A_350 = tpu.memref_squeeze %dma_start3A_349 : memref<1x32x128xf32, #tpu.memory_space<vmem>> -> memref<32x128xf32, #tpu.memory_space<vmem>>
    %dma_start3A_351 = arith.constant 384 : i32
    %dma_start3A_352 = tpu.memref_slice %arg4[%add3A_196, %dma_start3A_351] : memref<8192x512xf32, #tpu.memory_space<hbm>> -> memref<32x128xf32, #tpu.memory_space<hbm>>
    tpu.enqueue_dma source(%dma_start3A_352 : memref<32x128xf32, #tpu.memory_space<hbm>>) target(%dma_start3A_350 : memref<32x128xf32, #tpu.memory_space<vmem>>) target_semaphore(%arg11 : memref<!tpu.dma_semaphore, #tpu.memory_space<semaphore_mem>>)
    %dma_wait3A = arith.constant 0 : i32
    %dma_wait3A_353 = arith.constant 0 : i32
    %dma_wait3A_354 = arith.constant 0 : i32
    %dma_wait3A_355 = tpu.memref_slice %arg6[%dma_wait3A, %dma_wait3A_353, %dma_wait3A_354] : memref<2x128x128xf32, #tpu.memory_space<vmem>> -> memref<1x32x128xf32, #tpu.memory_space<vmem>>
    %dma_wait3A_356 = tpu.memref_squeeze %dma_wait3A_355 : memref<1x32x128xf32, #tpu.memory_space<vmem>> -> memref<32x128xf32, #tpu.memory_space<vmem>>
    %dma_wait3A_357 = arith.constant 0 : i32
    %dma_wait3A_358 = tpu.memref_slice %arg2[%add3A_36, %dma_wait3A_357] : memref<8192x512xf32, #tpu.memory_space<hbm>> -> memref<32x128xf32, #tpu.memory_space<hbm>>
    %dma_wait3A_359 = arith.constant 0 : i32
    %dma_wait3A_360 = arith.constant 0 : i32
    %dma_wait3A_361 = tpu.memref_slice %arg6[%dma_wait3A, %dma_wait3A_359, %dma_wait3A_360] : memref<2x128x128xf32, #tpu.memory_space<vmem>> -> memref<1x32x128xf32, #tpu.memory_space<vmem>>
    %dma_wait3A_362 = tpu.memref_squeeze %dma_wait3A_361 : memref<1x32x128xf32, #tpu.memory_space<vmem>> -> memref<32x128xf32, #tpu.memory_space<vmem>>
    %dma_wait3A_363 = arith.constant 0 : i32
    %dma_wait3A_364 = tpu.memref_slice %arg2[%add3A_36, %dma_wait3A_363] : memref<8192x512xf32, #tpu.memory_space<hbm>> -> memref<32x128xf32, #tpu.memory_space<hbm>>
    tpu.wait_dma2 semaphore(%arg10 : memref<!tpu.dma_semaphore, #tpu.memory_space<semaphore_mem>>) src(%dma_wait3A_364 : memref<32x128xf32, #tpu.memory_space<hbm>>) dst(%dma_wait3A_362 : memref<32x128xf32, #tpu.memory_space<vmem>>)
    %dma_wait3A_365 = arith.constant 0 : i32
    %dma_wait3A_366 = arith.constant 32 : i32
    %dma_wait3A_367 = arith.constant 0 : i32
    %dma_wait3A_368 = tpu.memref_slice %arg6[%dma_wait3A_365, %dma_wait3A_366, %dma_wait3A_367] : memref<2x128x128xf32, #tpu.memory_space<vmem>> -> memref<1x32x128xf32, #tpu.memory_space<vmem>>
    %dma_wait3A_369 = tpu.memref_squeeze %dma_wait3A_368 : memref<1x32x128xf32, #tpu.memory_space<vmem>> -> memref<32x128xf32, #tpu.memory_space<vmem>>
    %dma_wait3A_370 = arith.constant 128 : i32
    %dma_wait3A_371 = tpu.memref_slice %arg2[%add3A_36, %dma_wait3A_370] : memref<8192x512xf32, #tpu.memory_space<hbm>> -> memref<32x128xf32, #tpu.memory_space<hbm>>
    %dma_wait3A_372 = arith.constant 32 : i32
    %dma_wait3A_373 = arith.constant 0 : i32
    %dma_wait3A_374 = tpu.memref_slice %arg6[%dma_wait3A_365, %dma_wait3A_372, %dma_wait3A_373] : memref<2x128x128xf32, #tpu.memory_space<vmem>> -> memref<1x32x128xf32, #tpu.memory_space<vmem>>
    %dma_wait3A_375 = tpu.memref_squeeze %dma_wait3A_374 : memref<1x32x128xf32, #tpu.memory_space<vmem>> -> memref<32x128xf32, #tpu.memory_space<vmem>>
    %dma_wait3A_376 = arith.constant 128 : i32
    %dma_wait3A_377 = tpu.memref_slice %arg2[%add3A_36, %dma_wait3A_376] : memref<8192x512xf32, #tpu.memory_space<hbm>> -> memref<32x128xf32, #tpu.memory_space<hbm>>
    tpu.wait_dma2 semaphore(%arg10 : memref<!tpu.dma_semaphore, #tpu.memory_space<semaphore_mem>>) src(%dma_wait3A_377 : memref<32x128xf32, #tpu.memory_space<hbm>>) dst(%dma_wait3A_375 : memref<32x128xf32, #tpu.memory_space<vmem>>)
    %dma_wait3A_378 = arith.constant 0 : i32
    %dma_wait3A_379 = arith.constant 64 : i32
    %dma_wait3A_380 = arith.constant 0 : i32
    %dma_wait3A_381 = tpu.memref_slice %arg6[%dma_wait3A_378, %dma_wait3A_379, %dma_wait3A_380] : memref<2x128x128xf32, #tpu.memory_space<vmem>> -> memref<1x32x128xf32, #tpu.memory_space<vmem>>
    %dma_wait3A_382 = tpu.memref_squeeze %dma_wait3A_381 : memref<1x32x128xf32, #tpu.memory_space<vmem>> -> memref<32x128xf32, #tpu.memory_space<vmem>>
    %dma_wait3A_383 = arith.constant 256 : i32
    %dma_wait3A_384 = tpu.memref_slice %arg2[%add3A_36, %dma_wait3A_383] : memref<8192x512xf32, #tpu.memory_space<hbm>> -> memref<32x128xf32, #tpu.memory_space<hbm>>
    %dma_wait3A_385 = arith.constant 64 : i32
    %dma_wait3A_386 = arith.constant 0 : i32
    %dma_wait3A_387 = tpu.memref_slice %arg6[%dma_wait3A_378, %dma_wait3A_385, %dma_wait3A_386] : memref<2x128x128xf32, #tpu.memory_space<vmem>> -> memref<1x32x128xf32, #tpu.memory_space<vmem>>
    %dma_wait3A_388 = tpu.memref_squeeze %dma_wait3A_387 : memref<1x32x128xf32, #tpu.memory_space<vmem>> -> memref<32x128xf32, #tpu.memory_space<vmem>>
    %dma_wait3A_389 = arith.constant 256 : i32
    %dma_wait3A_390 = tpu.memref_slice %arg2[%add3A_36, %dma_wait3A_389] : memref<8192x512xf32, #tpu.memory_space<hbm>> -> memref<32x128xf32, #tpu.memory_space<hbm>>
    tpu.wait_dma2 semaphore(%arg10 : memref<!tpu.dma_semaphore, #tpu.memory_space<semaphore_mem>>) src(%dma_wait3A_390 : memref<32x128xf32, #tpu.memory_space<hbm>>) dst(%dma_wait3A_388 : memref<32x128xf32, #tpu.memory_space<vmem>>)
    %dma_wait3A_391 = arith.constant 0 : i32
    %dma_wait3A_392 = arith.constant 96 : i32
    %dma_wait3A_393 = arith.constant 0 : i32
    %dma_wait3A_394 = tpu.memref_slice %arg6[%dma_wait3A_391, %dma_wait3A_392, %dma_wait3A_393] : memref<2x128x128xf32, #tpu.memory_space<vmem>> -> memref<1x32x128xf32, #tpu.memory_space<vmem>>
    %dma_wait3A_395 = tpu.memref_squeeze %dma_wait3A_394 : memref<1x32x128xf32, #tpu.memory_space<vmem>> -> memref<32x128xf32, #tpu.memory_space<vmem>>
    %dma_wait3A_396 = arith.constant 384 : i32
    %dma_wait3A_397 = tpu.memref_slice %arg2[%add3A_36, %dma_wait3A_396] : memref<8192x512xf32, #tpu.memory_space<hbm>> -> memref<32x128xf32, #tpu.memory_space<hbm>>
    %dma_wait3A_398 = arith.constant 96 : i32
    %dma_wait3A_399 = arith.constant 0 : i32
    %dma_wait3A_400 = tpu.memref_slice %arg6[%dma_wait3A_391, %dma_wait3A_398, %dma_wait3A_399] : memref<2x128x128xf32, #tpu.memory_space<vmem>> -> memref<1x32x128xf32, #tpu.memory_space<vmem>>
    %dma_wait3A_401 = tpu.memref_squeeze %dma_wait3A_400 : memref<1x32x128xf32, #tpu.memory_space<vmem>> -> memref<32x128xf32, #tpu.memory_space<vmem>>
    %dma_wait3A_402 = arith.constant 384 : i32
    %dma_wait3A_403 = tpu.memref_slice %arg2[%add3A_36, %dma_wait3A_402] : memref<8192x512xf32, #tpu.memory_space<hbm>> -> memref<32x128xf32, #tpu.memory_space<hbm>>
    tpu.wait_dma2 semaphore(%arg10 : memref<!tpu.dma_semaphore, #tpu.memory_space<semaphore_mem>>) src(%dma_wait3A_403 : memref<32x128xf32, #tpu.memory_space<hbm>>) dst(%dma_wait3A_401 : memref<32x128xf32, #tpu.memory_space<vmem>>)
    %dma_wait3A_404 = arith.constant 0 : i32
    %dma_wait3A_405 = arith.constant 0 : i32
    %dma_wait3A_406 = arith.constant 0 : i32
    %dma_wait3A_407 = tpu.memref_slice %arg7[%dma_wait3A_404, %dma_wait3A_405, %dma_wait3A_406] : memref<2x128x128xf32, #tpu.memory_space<vmem>> -> memref<1x32x128xf32, #tpu.memory_space<vmem>>
    %dma_wait3A_408 = tpu.memref_squeeze %dma_wait3A_407 : memref<1x32x128xf32, #tpu.memory_space<vmem>> -> memref<32x128xf32, #tpu.memory_space<vmem>>
    %dma_wait3A_409 = arith.constant 0 : i32
    %dma_wait3A_410 = tpu.memref_slice %arg3[%add3A_36, %dma_wait3A_409] : memref<8192x512xf32, #tpu.memory_space<hbm>> -> memref<32x128xf32, #tpu.memory_space<hbm>>
    %dma_wait3A_411 = arith.constant 0 : i32
    %dma_wait3A_412 = arith.constant 0 : i32
    %dma_wait3A_413 = tpu.memref_slice %arg7[%dma_wait3A_404, %dma_wait3A_411, %dma_wait3A_412] : memref<2x128x128xf32, #tpu.memory_space<vmem>> -> memref<1x32x128xf32, #tpu.memory_space<vmem>>
    %dma_wait3A_414 = tpu.memref_squeeze %dma_wait3A_413 : memref<1x32x128xf32, #tpu.memory_space<vmem>> -> memref<32x128xf32, #tpu.memory_space<vmem>>
    %dma_wait3A_415 = arith.constant 0 : i32
    %dma_wait3A_416 = tpu.memref_slice %arg3[%add3A_36, %dma_wait3A_415] : memref<8192x512xf32, #tpu.memory_space<hbm>> -> memref<32x128xf32, #tpu.memory_space<hbm>>
    tpu.wait_dma2 semaphore(%arg10 : memref<!tpu.dma_semaphore, #tpu.memory_space<semaphore_mem>>) src(%dma_wait3A_416 : memref<32x128xf32, #tpu.memory_space<hbm>>) dst(%dma_wait3A_414 : memref<32x128xf32, #tpu.memory_space<vmem>>)
    %dma_wait3A_417 = arith.constant 0 : i32
    %dma_wait3A_418 = arith.constant 32 : i32
    %dma_wait3A_419 = arith.constant 0 : i32
    %dma_wait3A_420 = tpu.memref_slice %arg7[%dma_wait3A_417, %dma_wait3A_418, %dma_wait3A_419] : memref<2x128x128xf32, #tpu.memory_space<vmem>> -> memref<1x32x128xf32, #tpu.memory_space<vmem>>
    %dma_wait3A_421 = tpu.memref_squeeze %dma_wait3A_420 : memref<1x32x128xf32, #tpu.memory_space<vmem>> -> memref<32x128xf32, #tpu.memory_space<vmem>>
    %dma_wait3A_422 = arith.constant 128 : i32
    %dma_wait3A_423 = tpu.memref_slice %arg3[%add3A_36, %dma_wait3A_422] : memref<8192x512xf32, #tpu.memory_space<hbm>> -> memref<32x128xf32, #tpu.memory_space<hbm>>
    %dma_wait3A_424 = arith.constant 32 : i32
    %dma_wait3A_425 = arith.constant 0 : i32
    %dma_wait3A_426 = tpu.memref_slice %arg7[%dma_wait3A_417, %dma_wait3A_424, %dma_wait3A_425] : memref<2x128x128xf32, #tpu.memory_space<vmem>> -> memref<1x32x128xf32, #tpu.memory_space<vmem>>
    %dma_wait3A_427 = tpu.memref_squeeze %dma_wait3A_426 : memref<1x32x128xf32, #tpu.memory_space<vmem>> -> memref<32x128xf32, #tpu.memory_space<vmem>>
    %dma_wait3A_428 = arith.constant 128 : i32
    %dma_wait3A_429 = tpu.memref_slice %arg3[%add3A_36, %dma_wait3A_428] : memref<8192x512xf32, #tpu.memory_space<hbm>> -> memref<32x128xf32, #tpu.memory_space<hbm>>
    tpu.wait_dma2 semaphore(%arg10 : memref<!tpu.dma_semaphore, #tpu.memory_space<semaphore_mem>>) src(%dma_wait3A_429 : memref<32x128xf32, #tpu.memory_space<hbm>>) dst(%dma_wait3A_427 : memref<32x128xf32, #tpu.memory_space<vmem>>)
    %dma_wait3A_430 = arith.constant 0 : i32
    %dma_wait3A_431 = arith.constant 64 : i32
    %dma_wait3A_432 = arith.constant 0 : i32
    %dma_wait3A_433 = tpu.memref_slice %arg7[%dma_wait3A_430, %dma_wait3A_431, %dma_wait3A_432] : memref<2x128x128xf32, #tpu.memory_space<vmem>> -> memref<1x32x128xf32, #tpu.memory_space<vmem>>
    %dma_wait3A_434 = tpu.memref_squeeze %dma_wait3A_433 : memref<1x32x128xf32, #tpu.memory_space<vmem>> -> memref<32x128xf32, #tpu.memory_space<vmem>>
    %dma_wait3A_435 = arith.constant 256 : i32
    %dma_wait3A_436 = tpu.memref_slice %arg3[%add3A_36, %dma_wait3A_435] : memref<8192x512xf32, #tpu.memory_space<hbm>> -> memref<32x128xf32, #tpu.memory_space<hbm>>
    %dma_wait3A_437 = arith.constant 64 : i32
    %dma_wait3A_438 = arith.constant 0 : i32
    %dma_wait3A_439 = tpu.memref_slice %arg7[%dma_wait3A_430, %dma_wait3A_437, %dma_wait3A_438] : memref<2x128x128xf32, #tpu.memory_space<vmem>> -> memref<1x32x128xf32, #tpu.memory_space<vmem>>
    %dma_wait3A_440 = tpu.memref_squeeze %dma_wait3A_439 : memref<1x32x128xf32, #tpu.memory_space<vmem>> -> memref<32x128xf32, #tpu.memory_space<vmem>>
    %dma_wait3A_441 = arith.constant 256 : i32
    %dma_wait3A_442 = tpu.memref_slice %arg3[%add3A_36, %dma_wait3A_441] : memref<8192x512xf32, #tpu.memory_space<hbm>> -> memref<32x128xf32, #tpu.memory_space<hbm>>
    tpu.wait_dma2 semaphore(%arg10 : memref<!tpu.dma_semaphore, #tpu.memory_space<semaphore_mem>>) src(%dma_wait3A_442 : memref<32x128xf32, #tpu.memory_space<hbm>>) dst(%dma_wait3A_440 : memref<32x128xf32, #tpu.memory_space<vmem>>)
    %dma_wait3A_443 = arith.constant 0 : i32
    %dma_wait3A_444 = arith.constant 96 : i32
    %dma_wait3A_445 = arith.constant 0 : i32
    %dma_wait3A_446 = tpu.memref_slice %arg7[%dma_wait3A_443, %dma_wait3A_444, %dma_wait3A_445] : memref<2x128x128xf32, #tpu.memory_space<vmem>> -> memref<1x32x128xf32, #tpu.memory_space<vmem>>
    %dma_wait3A_447 = tpu.memref_squeeze %dma_wait3A_446 : memref<1x32x128xf32, #tpu.memory_space<vmem>> -> memref<32x128xf32, #tpu.memory_space<vmem>>
    %dma_wait3A_448 = arith.constant 384 : i32
    %dma_wait3A_449 = tpu.memref_slice %arg3[%add3A_36, %dma_wait3A_448] : memref<8192x512xf32, #tpu.memory_space<hbm>> -> memref<32x128xf32, #tpu.memory_space<hbm>>
    %dma_wait3A_450 = arith.constant 96 : i32
    %dma_wait3A_451 = arith.constant 0 : i32
    %dma_wait3A_452 = tpu.memref_slice %arg7[%dma_wait3A_443, %dma_wait3A_450, %dma_wait3A_451] : memref<2x128x128xf32, #tpu.memory_space<vmem>> -> memref<1x32x128xf32, #tpu.memory_space<vmem>>
    %dma_wait3A_453 = tpu.memref_squeeze %dma_wait3A_452 : memref<1x32x128xf32, #tpu.memory_space<vmem>> -> memref<32x128xf32, #tpu.memory_space<vmem>>
    %dma_wait3A_454 = arith.constant 384 : i32
    %dma_wait3A_455 = tpu.memref_slice %arg3[%add3A_36, %dma_wait3A_454] : memref<8192x512xf32, #tpu.memory_space<hbm>> -> memref<32x128xf32, #tpu.memory_space<hbm>>
    tpu.wait_dma2 semaphore(%arg10 : memref<!tpu.dma_semaphore, #tpu.memory_space<semaphore_mem>>) src(%dma_wait3A_455 : memref<32x128xf32, #tpu.memory_space<hbm>>) dst(%dma_wait3A_453 : memref<32x128xf32, #tpu.memory_space<vmem>>)
    %dma_wait3A_456 = arith.constant 0 : i32
    %dma_wait3A_457 = arith.constant 0 : i32
    %dma_wait3A_458 = arith.constant 0 : i32
    %dma_wait3A_459 = tpu.memref_slice %arg8[%dma_wait3A_456, %dma_wait3A_457, %dma_wait3A_458] : memref<2x128x128xf32, #tpu.memory_space<vmem>> -> memref<1x32x128xf32, #tpu.memory_space<vmem>>
    %dma_wait3A_460 = tpu.memref_squeeze %dma_wait3A_459 : memref<1x32x128xf32, #tpu.memory_space<vmem>> -> memref<32x128xf32, #tpu.memory_space<vmem>>
    %dma_wait3A_461 = arith.constant 0 : i32
    %dma_wait3A_462 = tpu.memref_slice %arg4[%add3A_36, %dma_wait3A_461] : memref<8192x512xf32, #tpu.memory_space<hbm>> -> memref<32x128xf32, #tpu.memory_space<hbm>>
    %dma_wait3A_463 = arith.constant 0 : i32
    %dma_wait3A_464 = arith.constant 0 : i32
    %dma_wait3A_465 = tpu.memref_slice %arg8[%dma_wait3A_456, %dma_wait3A_463, %dma_wait3A_464] : memref<2x128x128xf32, #tpu.memory_space<vmem>> -> memref<1x32x128xf32, #tpu.memory_space<vmem>>
    %dma_wait3A_466 = tpu.memref_squeeze %dma_wait3A_465 : memref<1x32x128xf32, #tpu.memory_space<vmem>> -> memref<32x128xf32, #tpu.memory_space<vmem>>
    %dma_wait3A_467 = arith.constant 0 : i32
    %dma_wait3A_468 = tpu.memref_slice %arg4[%add3A_36, %dma_wait3A_467] : memref<8192x512xf32, #tpu.memory_space<hbm>> -> memref<32x128xf32, #tpu.memory_space<hbm>>
    tpu.wait_dma2 semaphore(%arg10 : memref<!tpu.dma_semaphore, #tpu.memory_space<semaphore_mem>>) src(%dma_wait3A_468 : memref<32x128xf32, #tpu.memory_space<hbm>>) dst(%dma_wait3A_466 : memref<32x128xf32, #tpu.memory_space<vmem>>)
    %dma_wait3A_469 = arith.constant 0 : i32
    %dma_wait3A_470 = arith.constant 32 : i32
    %dma_wait3A_471 = arith.constant 0 : i32
    %dma_wait3A_472 = tpu.memref_slice %arg8[%dma_wait3A_469, %dma_wait3A_470, %dma_wait3A_471] : memref<2x128x128xf32, #tpu.memory_space<vmem>> -> memref<1x32x128xf32, #tpu.memory_space<vmem>>
    %dma_wait3A_473 = tpu.memref_squeeze %dma_wait3A_472 : memref<1x32x128xf32, #tpu.memory_space<vmem>> -> memref<32x128xf32, #tpu.memory_space<vmem>>
    %dma_wait3A_474 = arith.constant 128 : i32
    %dma_wait3A_475 = tpu.memref_slice %arg4[%add3A_36, %dma_wait3A_474] : memref<8192x512xf32, #tpu.memory_space<hbm>> -> memref<32x128xf32, #tpu.memory_space<hbm>>
    %dma_wait3A_476 = arith.constant 32 : i32
    %dma_wait3A_477 = arith.constant 0 : i32
    %dma_wait3A_478 = tpu.memref_slice %arg8[%dma_wait3A_469, %dma_wait3A_476, %dma_wait3A_477] : memref<2x128x128xf32, #tpu.memory_space<vmem>> -> memref<1x32x128xf32, #tpu.memory_space<vmem>>
    %dma_wait3A_479 = tpu.memref_squeeze %dma_wait3A_478 : memref<1x32x128xf32, #tpu.memory_space<vmem>> -> memref<32x128xf32, #tpu.memory_space<vmem>>
    %dma_wait3A_480 = arith.constant 128 : i32
    %dma_wait3A_481 = tpu.memref_slice %arg4[%add3A_36, %dma_wait3A_480] : memref<8192x512xf32, #tpu.memory_space<hbm>> -> memref<32x128xf32, #tpu.memory_space<hbm>>
    tpu.wait_dma2 semaphore(%arg10 : memref<!tpu.dma_semaphore, #tpu.memory_space<semaphore_mem>>) src(%dma_wait3A_481 : memref<32x128xf32, #tpu.memory_space<hbm>>) dst(%dma_wait3A_479 : memref<32x128xf32, #tpu.memory_space<vmem>>)
    %dma_wait3A_482 = arith.constant 0 : i32
    %dma_wait3A_483 = arith.constant 64 : i32
    %dma_wait3A_484 = arith.constant 0 : i32
    %dma_wait3A_485 = tpu.memref_slice %arg8[%dma_wait3A_482, %dma_wait3A_483, %dma_wait3A_484] : memref<2x128x128xf32, #tpu.memory_space<vmem>> -> memref<1x32x128xf32, #tpu.memory_space<vmem>>
    %dma_wait3A_486 = tpu.memref_squeeze %dma_wait3A_485 : memref<1x32x128xf32, #tpu.memory_space<vmem>> -> memref<32x128xf32, #tpu.memory_space<vmem>>
    %dma_wait3A_487 = arith.constant 256 : i32
    %dma_wait3A_488 = tpu.memref_slice %arg4[%add3A_36, %dma_wait3A_487] : memref<8192x512xf32, #tpu.memory_space<hbm>> -> memref<32x128xf32, #tpu.memory_space<hbm>>
    %dma_wait3A_489 = arith.constant 64 : i32
    %dma_wait3A_490 = arith.constant 0 : i32
    %dma_wait3A_491 = tpu.memref_slice %arg8[%dma_wait3A_482, %dma_wait3A_489, %dma_wait3A_490] : memref<2x128x128xf32, #tpu.memory_space<vmem>> -> memref<1x32x128xf32, #tpu.memory_space<vmem>>
    %dma_wait3A_492 = tpu.memref_squeeze %dma_wait3A_491 : memref<1x32x128xf32, #tpu.memory_space<vmem>> -> memref<32x128xf32, #tpu.memory_space<vmem>>
    %dma_wait3A_493 = arith.constant 256 : i32
    %dma_wait3A_494 = tpu.memref_slice %arg4[%add3A_36, %dma_wait3A_493] : memref<8192x512xf32, #tpu.memory_space<hbm>> -> memref<32x128xf32, #tpu.memory_space<hbm>>
    tpu.wait_dma2 semaphore(%arg10 : memref<!tpu.dma_semaphore, #tpu.memory_space<semaphore_mem>>) src(%dma_wait3A_494 : memref<32x128xf32, #tpu.memory_space<hbm>>) dst(%dma_wait3A_492 : memref<32x128xf32, #tpu.memory_space<vmem>>)
    %dma_wait3A_495 = arith.constant 0 : i32
    %dma_wait3A_496 = arith.constant 96 : i32
    %dma_wait3A_497 = arith.constant 0 : i32
    %dma_wait3A_498 = tpu.memref_slice %arg8[%dma_wait3A_495, %dma_wait3A_496, %dma_wait3A_497] : memref<2x128x128xf32, #tpu.memory_space<vmem>> -> memref<1x32x128xf32, #tpu.memory_space<vmem>>
    %dma_wait3A_499 = tpu.memref_squeeze %dma_wait3A_498 : memref<1x32x128xf32, #tpu.memory_space<vmem>> -> memref<32x128xf32, #tpu.memory_space<vmem>>
    %dma_wait3A_500 = arith.constant 384 : i32
    %dma_wait3A_501 = tpu.memref_slice %arg4[%add3A_36, %dma_wait3A_500] : memref<8192x512xf32, #tpu.memory_space<hbm>> -> memref<32x128xf32, #tpu.memory_space<hbm>>
    %dma_wait3A_502 = arith.constant 96 : i32
    %dma_wait3A_503 = arith.constant 0 : i32
    %dma_wait3A_504 = tpu.memref_slice %arg8[%dma_wait3A_495, %dma_wait3A_502, %dma_wait3A_503] : memref<2x128x128xf32, #tpu.memory_space<vmem>> -> memref<1x32x128xf32, #tpu.memory_space<vmem>>
    %dma_wait3A_505 = tpu.memref_squeeze %dma_wait3A_504 : memref<1x32x128xf32, #tpu.memory_space<vmem>> -> memref<32x128xf32, #tpu.memory_space<vmem>>
    %dma_wait3A_506 = arith.constant 384 : i32
    %dma_wait3A_507 = tpu.memref_slice %arg4[%add3A_36, %dma_wait3A_506] : memref<8192x512xf32, #tpu.memory_space<hbm>> -> memref<32x128xf32, #tpu.memory_space<hbm>>
    tpu.wait_dma2 semaphore(%arg10 : memref<!tpu.dma_semaphore, #tpu.memory_space<semaphore_mem>>) src(%dma_wait3A_507 : memref<32x128xf32, #tpu.memory_space<hbm>>) dst(%dma_wait3A_505 : memref<32x128xf32, #tpu.memory_space<vmem>>)
    %scan3A = arith.constant 0 : i32
    %scan3A_508 = arith.constant 128 : i32
    %scan3A_509 = arith.addi %scan3A, %scan3A_508 : i32
    %scan3A_510 = arith.constant 1 : i32
    %scan3A_511:2 = scf.for %scan3A_686 = %scan3A to %scan3A_509 step %scan3A_510 iter_args(%scan3A_687 = %broadcast_in_dim3A_192, %scan3A_688 = %broadcast_in_dim3A_194) -> (vector<16xf32>, vector<16xf32>)  : i32 {
      %get3A = arith.constant 0 : i32
      %get3A_689 = arith.index_cast %get3A : i32 to index
      %get3A_690 = arith.index_cast %scan3A_686 : i32 to index
      %get3A_691 = arith.constant 0 : index
      %get3A_692 = tpu.vector_load %arg6[%get3A_689, %get3A_690, %get3A_691] {strides = array<i32>} : memref<2x128x128xf32, #tpu.memory_space<vmem>>, vector<1x1x16xf32>,
      %get3A_693 = vector.shape_cast %get3A_692 : vector<1x1x16xf32> to vector<16xf32>
      %get3A_694 = arith.constant 0 : i32
      %get3A_695 = arith.index_cast %get3A_694 : i32 to index
      %get3A_696 = arith.index_cast %scan3A_686 : i32 to index
      %get3A_697 = arith.constant 0 : index
      %get3A_698 = tpu.vector_load %arg7[%get3A_695, %get3A_696, %get3A_697] {strides = array<i32>} : memref<2x128x128xf32, #tpu.memory_space<vmem>>, vector<1x1x16xf32>,
      %get3A_699 = vector.shape_cast %get3A_698 : vector<1x1x16xf32> to vector<16xf32>
      %get3A_700 = arith.constant 0 : i32
      %get3A_701 = arith.index_cast %get3A_700 : i32 to index
      %get3A_702 = arith.index_cast %scan3A_686 : i32 to index
      %get3A_703 = arith.constant 0 : index
      %get3A_704 = tpu.vector_load %arg8[%get3A_701, %get3A_702, %get3A_703] {strides = array<i32>} : memref<2x128x128xf32, #tpu.memory_space<vmem>>, vector<1x1x16xf32>,
      %get3A_705 = vector.shape_cast %get3A_704 : vector<1x1x16xf32> to vector<16xf32>
      %min3A = arith.minimumf %get3A_699, %get3A_705 : vector<16xf32>
      %gt3A = arith.constant 5.000000e-01 : f32
      %gt3A_706 = vector.broadcast %gt3A : f32 to vector<16xf32>
      %gt3A_707 = arith.cmpf ogt, %min3A, %gt3A_706 : vector<16xf32>
      %jit3A_708 = arith.constant 1.000000e+00 : f32
      %jit3A_709 = arith.constant 0.000000e+00 : f32
      %broadcast_in_dim3A_710 = vector.broadcast %jit3A_708 : f32 to vector<16xf32>
      %broadcast_in_dim3A_711 = vector.broadcast %jit3A_709 : f32 to vector<16xf32>
      %select_n3A_712 = arith.select %gt3A_707, %broadcast_in_dim3A_710, %broadcast_in_dim3A_711 : vector<16xi1>, vector<16xf32>
      %neg3A = arith.constant 0.000000e+00 : f32
      %neg3A_713 = vector.broadcast %neg3A : f32 to vector<16xf32>
      %neg3A_714 = arith.subf %neg3A_713, %get3A_693 : vector<16xf32>
      %exp3A = math.exp %neg3A_714 : vector<16xf32>
      %add3A_715 = arith.constant 1.000000e+00 : f32
      %add3A_716 = vector.broadcast %add3A_715 : f32 to vector<16xf32>
      %add3A_717 = arith.addf %add3A_716, %exp3A : vector<16xf32>
      %div3A_718 = arith.constant 1.000000e+00 : f32
      %div3A_719 = vector.broadcast %div3A_718 : f32 to vector<16xf32>
      %div3A_720 = arith.divf %div3A_719, %add3A_717 : vector<16xf32>
      %mul3A_721 = arith.mulf %div3A_720, %select_n3A_712 : vector<16xf32>
      %add3A_722 = arith.addf %scan3A_687, %mul3A_721 : vector<16xf32>
      %add3A_723 = arith.addf %scan3A_688, %select_n3A_712 : vector<16xf32>
      %get3A_724 = arith.constant 0 : i32
      %get3A_725 = arith.index_cast %get3A_724 : i32 to index
      %get3A_726 = arith.index_cast %scan3A_686 : i32 to index
      %get3A_727 = arith.constant 16 : index
      %get3A_728 = tpu.vector_load %arg6[%get3A_725, %get3A_726, %get3A_727] {strides = array<i32>} : memref<2x128x128xf32, #tpu.memory_space<vmem>>, vector<1x1x16xf32>,
      %get3A_729 = vector.shape_cast %get3A_728 : vector<1x1x16xf32> to vector<16xf32>
      %get3A_730 = arith.constant 0 : i32
      %get3A_731 = arith.index_cast %get3A_730 : i32 to index
      %get3A_732 = arith.index_cast %scan3A_686 : i32 to index
      %get3A_733 = arith.constant 16 : index
      %get3A_734 = tpu.vector_load %arg7[%get3A_731, %get3A_732, %get3A_733] {strides = array<i32>} : memref<2x128x128xf32, #tpu.memory_space<vmem>>, vector<1x1x16xf32>,
      %get3A_735 = vector.shape_cast %get3A_734 : vector<1x1x16xf32> to vector<16xf32>
      %get3A_736 = arith.constant 0 : i32
      %get3A_737 = arith.index_cast %get3A_736 : i32 to index
      %get3A_738 = arith.index_cast %scan3A_686 : i32 to index
      %get3A_739 = arith.constant 16 : index
      %get3A_740 = tpu.vector_load %arg8[%get3A_737, %get3A_738, %get3A_739] {strides = array<i32>} : memref<2x128x128xf32, #tpu.memory_space<vmem>>, vector<1x1x16xf32>,
      %get3A_741 = vector.shape_cast %get3A_740 : vector<1x1x16xf32> to vector<16xf32>
      %min3A_742 = arith.minimumf %get3A_735, %get3A_741 : vector<16xf32>
      %gt3A_743 = arith.constant 5.000000e-01 : f32
      %gt3A_744 = vector.broadcast %gt3A_743 : f32 to vector<16xf32>
      %gt3A_745 = arith.cmpf ogt, %min3A_742, %gt3A_744 : vector<16xf32>
      %jit3A_746 = arith.constant 1.000000e+00 : f32
      %jit3A_747 = arith.constant 0.000000e+00 : f32
      %broadcast_in_dim3A_748 = vector.broadcast %jit3A_746 : f32 to vector<16xf32>
      %broadcast_in_dim3A_749 = vector.broadcast %jit3A_747 : f32 to vector<16xf32>
      %select_n3A_750 = arith.select %gt3A_745, %broadcast_in_dim3A_748, %broadcast_in_dim3A_749 : vector<16xi1>, vector<16xf32>
      %neg3A_751 = arith.constant 0.000000e+00 : f32
      %neg3A_752 = vector.broadcast %neg3A_751 : f32 to vector<16xf32>
      %neg3A_753 = arith.subf %neg3A_752, %get3A_729 : vector<16xf32>
      %exp3A_754 = math.exp %neg3A_753 : vector<16xf32>
      %add3A_755 = arith.constant 1.000000e+00 : f32
      %add3A_756 = vector.broadcast %add3A_755 : f32 to vector<16xf32>
      %add3A_757 = arith.addf %add3A_756, %exp3A_754 : vector<16xf32>
      %div3A_758 = arith.constant 1.000000e+00 : f32
      %div3A_759 = vector.broadcast %div3A_758 : f32 to vector<16xf32>
      %div3A_760 = arith.divf %div3A_759, %add3A_757 : vector<16xf32>
      %mul3A_761 = arith.mulf %div3A_760, %select_n3A_750 : vector<16xf32>
      %add3A_762 = arith.addf %add3A_722, %mul3A_761 : vector<16xf32>
      %add3A_763 = arith.addf %add3A_723, %select_n3A_750 : vector<16xf32>
      %get3A_764 = arith.constant 0 : i32
      %get3A_765 = arith.index_cast %get3A_764 : i32 to index
      %get3A_766 = arith.index_cast %scan3A_686 : i32 to index
      %get3A_767 = arith.constant 32 : index
      %get3A_768 = tpu.vector_load %arg6[%get3A_765, %get3A_766, %get3A_767] {strides = array<i32>} : memref<2x128x128xf32, #tpu.memory_space<vmem>>, vector<1x1x16xf32>,
      %get3A_769 = vector.shape_cast %get3A_768 : vector<1x1x16xf32> to vector<16xf32>
      %get3A_770 = arith.constant 0 : i32
      %get3A_771 = arith.index_cast %get3A_770 : i32 to index
      %get3A_772 = arith.index_cast %scan3A_686 : i32 to index
      %get3A_773 = arith.constant 32 : index
      %get3A_774 = tpu.vector_load %arg7[%get3A_771, %get3A_772, %get3A_773] {strides = array<i32>} : memref<2x128x128xf32, #tpu.memory_space<vmem>>, vector<1x1x16xf32>,
      %get3A_775 = vector.shape_cast %get3A_774 : vector<1x1x16xf32> to vector<16xf32>
      %get3A_776 = arith.constant 0 : i32
      %get3A_777 = arith.index_cast %get3A_776 : i32 to index
      %get3A_778 = arith.index_cast %scan3A_686 : i32 to index
      %get3A_779 = arith.constant 32 : index
      %get3A_780 = tpu.vector_load %arg8[%get3A_777, %get3A_778, %get3A_779] {strides = array<i32>} : memref<2x128x128xf32, #tpu.memory_space<vmem>>, vector<1x1x16xf32>,
      %get3A_781 = vector.shape_cast %get3A_780 : vector<1x1x16xf32> to vector<16xf32>
      %min3A_782 = arith.minimumf %get3A_775, %get3A_781 : vector<16xf32>
      %gt3A_783 = arith.constant 5.000000e-01 : f32
      %gt3A_784 = vector.broadcast %gt3A_783 : f32 to vector<16xf32>
      %gt3A_785 = arith.cmpf ogt, %min3A_782, %gt3A_784 : vector<16xf32>
      %jit3A_786 = arith.constant 1.000000e+00 : f32
      %jit3A_787 = arith.constant 0.000000e+00 : f32
      %broadcast_in_dim3A_788 = vector.broadcast %jit3A_786 : f32 to vector<16xf32>
      %broadcast_in_dim3A_789 = vector.broadcast %jit3A_787 : f32 to vector<16xf32>
      %select_n3A_790 = arith.select %gt3A_785, %broadcast_in_dim3A_788, %broadcast_in_dim3A_789 : vector<16xi1>, vector<16xf32>
      %neg3A_791 = arith.constant 0.000000e+00 : f32
      %neg3A_792 = vector.broadcast %neg3A_791 : f32 to vector<16xf32>
      %neg3A_793 = arith.subf %neg3A_792, %get3A_769 : vector<16xf32>
      %exp3A_794 = math.exp %neg3A_793 : vector<16xf32>
      %add3A_795 = arith.constant 1.000000e+00 : f32
      %add3A_796 = vector.broadcast %add3A_795 : f32 to vector<16xf32>
      %add3A_797 = arith.addf %add3A_796, %exp3A_794 : vector<16xf32>
      %div3A_798 = arith.constant 1.000000e+00 : f32
      %div3A_799 = vector.broadcast %div3A_798 : f32 to vector<16xf32>
      %div3A_800 = arith.divf %div3A_799, %add3A_797 : vector<16xf32>
      %mul3A_801 = arith.mulf %div3A_800, %select_n3A_790 : vector<16xf32>
      %add3A_802 = arith.addf %add3A_762, %mul3A_801 : vector<16xf32>
      %add3A_803 = arith.addf %add3A_763, %select_n3A_790 : vector<16xf32>
      %get3A_804 = arith.constant 0 : i32
      %get3A_805 = arith.index_cast %get3A_804 : i32 to index
      %get3A_806 = arith.index_cast %scan3A_686 : i32 to index
      %get3A_807 = arith.constant 48 : index
      %get3A_808 = tpu.vector_load %arg6[%get3A_805, %get3A_806, %get3A_807] {strides = array<i32>} : memref<2x128x128xf32, #tpu.memory_space<vmem>>, vector<1x1x16xf32>,
      %get3A_809 = vector.shape_cast %get3A_808 : vector<1x1x16xf32> to vector<16xf32>
      %get3A_810 = arith.constant 0 : i32
      %get3A_811 = arith.index_cast %get3A_810 : i32 to index
      %get3A_812 = arith.index_cast %scan3A_686 : i32 to index
      %get3A_813 = arith.constant 48 : index
      %get3A_814 = tpu.vector_load %arg7[%get3A_811, %get3A_812, %get3A_813] {strides = array<i32>} : memref<2x128x128xf32, #tpu.memory_space<vmem>>, vector<1x1x16xf32>,
      %get3A_815 = vector.shape_cast %get3A_814 : vector<1x1x16xf32> to vector<16xf32>
      %get3A_816 = arith.constant 0 : i32
      %get3A_817 = arith.index_cast %get3A_816 : i32 to index
      %get3A_818 = arith.index_cast %scan3A_686 : i32 to index
      %get3A_819 = arith.constant 48 : index
      %get3A_820 = tpu.vector_load %arg8[%get3A_817, %get3A_818, %get3A_819] {strides = array<i32>} : memref<2x128x128xf32, #tpu.memory_space<vmem>>, vector<1x1x16xf32>,
      %get3A_821 = vector.shape_cast %get3A_820 : vector<1x1x16xf32> to vector<16xf32>
      %min3A_822 = arith.minimumf %get3A_815, %get3A_821 : vector<16xf32>
      %gt3A_823 = arith.constant 5.000000e-01 : f32
      %gt3A_824 = vector.broadcast %gt3A_823 : f32 to vector<16xf32>
      %gt3A_825 = arith.cmpf ogt, %min3A_822, %gt3A_824 : vector<16xf32>
      %jit3A_826 = arith.constant 1.000000e+00 : f32
      %jit3A_827 = arith.constant 0.000000e+00 : f32
      %broadcast_in_dim3A_828 = vector.broadcast %jit3A_826 : f32 to vector<16xf32>
      %broadcast_in_dim3A_829 = vector.broadcast %jit3A_827 : f32 to vector<16xf32>
      %select_n3A_830 = arith.select %gt3A_825, %broadcast_in_dim3A_828, %broadcast_in_dim3A_829 : vector<16xi1>, vector<16xf32>
      %neg3A_831 = arith.constant 0.000000e+00 : f32
      %neg3A_832 = vector.broadcast %neg3A_831 : f32 to vector<16xf32>
      %neg3A_833 = arith.subf %neg3A_832, %get3A_809 : vector<16xf32>
      %exp3A_834 = math.exp %neg3A_833 : vector<16xf32>
      %add3A_835 = arith.constant 1.000000e+00 : f32
      %add3A_836 = vector.broadcast %add3A_835 : f32 to vector<16xf32>
      %add3A_837 = arith.addf %add3A_836, %exp3A_834 : vector<16xf32>
      %div3A_838 = arith.constant 1.000000e+00 : f32
      %div3A_839 = vector.broadcast %div3A_838 : f32 to vector<16xf32>
      %div3A_840 = arith.divf %div3A_839, %add3A_837 : vector<16xf32>
      %mul3A_841 = arith.mulf %div3A_840, %select_n3A_830 : vector<16xf32>
      %add3A_842 = arith.addf %add3A_802, %mul3A_841 : vector<16xf32>
      %add3A_843 = arith.addf %add3A_803, %select_n3A_830 : vector<16xf32>
      %get3A_844 = arith.constant 0 : i32
      %get3A_845 = arith.index_cast %get3A_844 : i32 to index
      %get3A_846 = arith.index_cast %scan3A_686 : i32 to index
      %get3A_847 = arith.constant 64 : index
      %get3A_848 = tpu.vector_load %arg6[%get3A_845, %get3A_846, %get3A_847] {strides = array<i32>} : memref<2x128x128xf32, #tpu.memory_space<vmem>>, vector<1x1x16xf32>,
      %get3A_849 = vector.shape_cast %get3A_848 : vector<1x1x16xf32> to vector<16xf32>
      %get3A_850 = arith.constant 0 : i32
      %get3A_851 = arith.index_cast %get3A_850 : i32 to index
      %get3A_852 = arith.index_cast %scan3A_686 : i32 to index
      %get3A_853 = arith.constant 64 : index
      %get3A_854 = tpu.vector_load %arg7[%get3A_851, %get3A_852, %get3A_853] {strides = array<i32>} : memref<2x128x128xf32, #tpu.memory_space<vmem>>, vector<1x1x16xf32>,
      %get3A_855 = vector.shape_cast %get3A_854 : vector<1x1x16xf32> to vector<16xf32>
      %get3A_856 = arith.constant 0 : i32
      %get3A_857 = arith.index_cast %get3A_856 : i32 to index
      %get3A_858 = arith.index_cast %scan3A_686 : i32 to index
      %get3A_859 = arith.constant 64 : index
      %get3A_860 = tpu.vector_load %arg8[%get3A_857, %get3A_858, %get3A_859] {strides = array<i32>} : memref<2x128x128xf32, #tpu.memory_space<vmem>>, vector<1x1x16xf32>,
      %get3A_861 = vector.shape_cast %get3A_860 : vector<1x1x16xf32> to vector<16xf32>
      %min3A_862 = arith.minimumf %get3A_855, %get3A_861 : vector<16xf32>
      %gt3A_863 = arith.constant 5.000000e-01 : f32
      %gt3A_864 = vector.broadcast %gt3A_863 : f32 to vector<16xf32>
      %gt3A_865 = arith.cmpf ogt, %min3A_862, %gt3A_864 : vector<16xf32>
      %jit3A_866 = arith.constant 1.000000e+00 : f32
      %jit3A_867 = arith.constant 0.000000e+00 : f32
      %broadcast_in_dim3A_868 = vector.broadcast %jit3A_866 : f32 to vector<16xf32>
      %broadcast_in_dim3A_869 = vector.broadcast %jit3A_867 : f32 to vector<16xf32>
      %select_n3A_870 = arith.select %gt3A_865, %broadcast_in_dim3A_868, %broadcast_in_dim3A_869 : vector<16xi1>, vector<16xf32>
      %neg3A_871 = arith.constant 0.000000e+00 : f32
      %neg3A_872 = vector.broadcast %neg3A_871 : f32 to vector<16xf32>
      %neg3A_873 = arith.subf %neg3A_872, %get3A_849 : vector<16xf32>
      %exp3A_874 = math.exp %neg3A_873 : vector<16xf32>
      %add3A_875 = arith.constant 1.000000e+00 : f32
      %add3A_876 = vector.broadcast %add3A_875 : f32 to vector<16xf32>
      %add3A_877 = arith.addf %add3A_876, %exp3A_874 : vector<16xf32>
      %div3A_878 = arith.constant 1.000000e+00 : f32
      %div3A_879 = vector.broadcast %div3A_878 : f32 to vector<16xf32>
      %div3A_880 = arith.divf %div3A_879, %add3A_877 : vector<16xf32>
      %mul3A_881 = arith.mulf %div3A_880, %select_n3A_870 : vector<16xf32>
      %add3A_882 = arith.addf %add3A_842, %mul3A_881 : vector<16xf32>
      %add3A_883 = arith.addf %add3A_843, %select_n3A_870 : vector<16xf32>
      %get3A_884 = arith.constant 0 : i32
      %get3A_885 = arith.index_cast %get3A_884 : i32 to index
      %get3A_886 = arith.index_cast %scan3A_686 : i32 to index
      %get3A_887 = arith.constant 80 : index
      %get3A_888 = tpu.vector_load %arg6[%get3A_885, %get3A_886, %get3A_887] {strides = array<i32>} : memref<2x128x128xf32, #tpu.memory_space<vmem>>, vector<1x1x16xf32>,
      %get3A_889 = vector.shape_cast %get3A_888 : vector<1x1x16xf32> to vector<16xf32>
      %get3A_890 = arith.constant 0 : i32
      %get3A_891 = arith.index_cast %get3A_890 : i32 to index
      %get3A_892 = arith.index_cast %scan3A_686 : i32 to index
      %get3A_893 = arith.constant 80 : index
      %get3A_894 = tpu.vector_load %arg7[%get3A_891, %get3A_892, %get3A_893] {strides = array<i32>} : memref<2x128x128xf32, #tpu.memory_space<vmem>>, vector<1x1x16xf32>,
      %get3A_895 = vector.shape_cast %get3A_894 : vector<1x1x16xf32> to vector<16xf32>
      %get3A_896 = arith.constant 0 : i32
      %get3A_897 = arith.index_cast %get3A_896 : i32 to index
      %get3A_898 = arith.index_cast %scan3A_686 : i32 to index
      %get3A_899 = arith.constant 80 : index
      %get3A_900 = tpu.vector_load %arg8[%get3A_897, %get3A_898, %get3A_899] {strides = array<i32>} : memref<2x128x128xf32, #tpu.memory_space<vmem>>, vector<1x1x16xf32>,
      %get3A_901 = vector.shape_cast %get3A_900 : vector<1x1x16xf32> to vector<16xf32>
      %min3A_902 = arith.minimumf %get3A_895, %get3A_901 : vector<16xf32>
      %gt3A_903 = arith.constant 5.000000e-01 : f32
      %gt3A_904 = vector.broadcast %gt3A_903 : f32 to vector<16xf32>
      %gt3A_905 = arith.cmpf ogt, %min3A_902, %gt3A_904 : vector<16xf32>
      %jit3A_906 = arith.constant 1.000000e+00 : f32
      %jit3A_907 = arith.constant 0.000000e+00 : f32
      %broadcast_in_dim3A_908 = vector.broadcast %jit3A_906 : f32 to vector<16xf32>
      %broadcast_in_dim3A_909 = vector.broadcast %jit3A_907 : f32 to vector<16xf32>
      %select_n3A_910 = arith.select %gt3A_905, %broadcast_in_dim3A_908, %broadcast_in_dim3A_909 : vector<16xi1>, vector<16xf32>
      %neg3A_911 = arith.constant 0.000000e+00 : f32
      %neg3A_912 = vector.broadcast %neg3A_911 : f32 to vector<16xf32>
      %neg3A_913 = arith.subf %neg3A_912, %get3A_889 : vector<16xf32>
      %exp3A_914 = math.exp %neg3A_913 : vector<16xf32>
      %add3A_915 = arith.constant 1.000000e+00 : f32
      %add3A_916 = vector.broadcast %add3A_915 : f32 to vector<16xf32>
      %add3A_917 = arith.addf %add3A_916, %exp3A_914 : vector<16xf32>
      %div3A_918 = arith.constant 1.000000e+00 : f32
      %div3A_919 = vector.broadcast %div3A_918 : f32 to vector<16xf32>
      %div3A_920 = arith.divf %div3A_919, %add3A_917 : vector<16xf32>
      %mul3A_921 = arith.mulf %div3A_920, %select_n3A_910 : vector<16xf32>
      %add3A_922 = arith.addf %add3A_882, %mul3A_921 : vector<16xf32>
      %add3A_923 = arith.addf %add3A_883, %select_n3A_910 : vector<16xf32>
      %get3A_924 = arith.constant 0 : i32
      %get3A_925 = arith.index_cast %get3A_924 : i32 to index
      %get3A_926 = arith.index_cast %scan3A_686 : i32 to index
      %get3A_927 = arith.constant 96 : index
      %get3A_928 = tpu.vector_load %arg6[%get3A_925, %get3A_926, %get3A_927] {strides = array<i32>} : memref<2x128x128xf32, #tpu.memory_space<vmem>>, vector<1x1x16xf32>,
      %get3A_929 = vector.shape_cast %get3A_928 : vector<1x1x16xf32> to vector<16xf32>
      %get3A_930 = arith.constant 0 : i32
      %get3A_931 = arith.index_cast %get3A_930 : i32 to index
      %get3A_932 = arith.index_cast %scan3A_686 : i32 to index
      %get3A_933 = arith.constant 96 : index
      %get3A_934 = tpu.vector_load %arg7[%get3A_931, %get3A_932, %get3A_933] {strides = array<i32>} : memref<2x128x128xf32, #tpu.memory_space<vmem>>, vector<1x1x16xf32>,
      %get3A_935 = vector.shape_cast %get3A_934 : vector<1x1x16xf32> to vector<16xf32>
      %get3A_936 = arith.constant 0 : i32
      %get3A_937 = arith.index_cast %get3A_936 : i32 to index
      %get3A_938 = arith.index_cast %scan3A_686 : i32 to index
      %get3A_939 = arith.constant 96 : index
      %get3A_940 = tpu.vector_load %arg8[%get3A_937, %get3A_938, %get3A_939] {strides = array<i32>} : memref<2x128x128xf32, #tpu.memory_space<vmem>>, vector<1x1x16xf32>,
      %get3A_941 = vector.shape_cast %get3A_940 : vector<1x1x16xf32> to vector<16xf32>
      %min3A_942 = arith.minimumf %get3A_935, %get3A_941 : vector<16xf32>
      %gt3A_943 = arith.constant 5.000000e-01 : f32
      %gt3A_944 = vector.broadcast %gt3A_943 : f32 to vector<16xf32>
      %gt3A_945 = arith.cmpf ogt, %min3A_942, %gt3A_944 : vector<16xf32>
      %jit3A_946 = arith.constant 1.000000e+00 : f32
      %jit3A_947 = arith.constant 0.000000e+00 : f32
      %broadcast_in_dim3A_948 = vector.broadcast %jit3A_946 : f32 to vector<16xf32>
      %broadcast_in_dim3A_949 = vector.broadcast %jit3A_947 : f32 to vector<16xf32>
      %select_n3A_950 = arith.select %gt3A_945, %broadcast_in_dim3A_948, %broadcast_in_dim3A_949 : vector<16xi1>, vector<16xf32>
      %neg3A_951 = arith.constant 0.000000e+00 : f32
      %neg3A_952 = vector.broadcast %neg3A_951 : f32 to vector<16xf32>
      %neg3A_953 = arith.subf %neg3A_952, %get3A_929 : vector<16xf32>
      %exp3A_954 = math.exp %neg3A_953 : vector<16xf32>
      %add3A_955 = arith.constant 1.000000e+00 : f32
      %add3A_956 = vector.broadcast %add3A_955 : f32 to vector<16xf32>
      %add3A_957 = arith.addf %add3A_956, %exp3A_954 : vector<16xf32>
      %div3A_958 = arith.constant 1.000000e+00 : f32
      %div3A_959 = vector.broadcast %div3A_958 : f32 to vector<16xf32>
      %div3A_960 = arith.divf %div3A_959, %add3A_957 : vector<16xf32>
      %mul3A_961 = arith.mulf %div3A_960, %select_n3A_950 : vector<16xf32>
      %add3A_962 = arith.addf %add3A_922, %mul3A_961 : vector<16xf32>
      %add3A_963 = arith.addf %add3A_923, %select_n3A_950 : vector<16xf32>
      %get3A_964 = arith.constant 0 : i32
      %get3A_965 = arith.index_cast %get3A_964 : i32 to index
      %get3A_966 = arith.index_cast %scan3A_686 : i32 to index
      %get3A_967 = arith.constant 112 : index
      %get3A_968 = tpu.vector_load %arg6[%get3A_965, %get3A_966, %get3A_967] {strides = array<i32>} : memref<2x128x128xf32, #tpu.memory_space<vmem>>, vector<1x1x16xf32>,
      %get3A_969 = vector.shape_cast %get3A_968 : vector<1x1x16xf32> to vector<16xf32>
      %get3A_970 = arith.constant 0 : i32
      %get3A_971 = arith.index_cast %get3A_970 : i32 to index
      %get3A_972 = arith.index_cast %scan3A_686 : i32 to index
      %get3A_973 = arith.constant 112 : index
      %get3A_974 = tpu.vector_load %arg7[%get3A_971, %get3A_972, %get3A_973] {strides = array<i32>} : memref<2x128x128xf32, #tpu.memory_space<vmem>>, vector<1x1x16xf32>,
      %get3A_975 = vector.shape_cast %get3A_974 : vector<1x1x16xf32> to vector<16xf32>
      %get3A_976 = arith.constant 0 : i32
      %get3A_977 = arith.index_cast %get3A_976 : i32 to index
      %get3A_978 = arith.index_cast %scan3A_686 : i32 to index
      %get3A_979 = arith.constant 112 : index
      %get3A_980 = tpu.vector_load %arg8[%get3A_977, %get3A_978, %get3A_979] {strides = array<i32>} : memref<2x128x128xf32, #tpu.memory_space<vmem>>, vector<1x1x16xf32>,
      %get3A_981 = vector.shape_cast %get3A_980 : vector<1x1x16xf32> to vector<16xf32>
      %min3A_982 = arith.minimumf %get3A_975, %get3A_981 : vector<16xf32>
      %gt3A_983 = arith.constant 5.000000e-01 : f32
      %gt3A_984 = vector.broadcast %gt3A_983 : f32 to vector<16xf32>
      %gt3A_985 = arith.cmpf ogt, %min3A_982, %gt3A_984 : vector<16xf32>
      %jit3A_986 = arith.constant 1.000000e+00 : f32
      %jit3A_987 = arith.constant 0.000000e+00 : f32
      %broadcast_in_dim3A_988 = vector.broadcast %jit3A_986 : f32 to vector<16xf32>
      %broadcast_in_dim3A_989 = vector.broadcast %jit3A_987 : f32 to vector<16xf32>
      %select_n3A_990 = arith.select %gt3A_985, %broadcast_in_dim3A_988, %broadcast_in_dim3A_989 : vector<16xi1>, vector<16xf32>
      %neg3A_991 = arith.constant 0.000000e+00 : f32
      %neg3A_992 = vector.broadcast %neg3A_991 : f32 to vector<16xf32>
      %neg3A_993 = arith.subf %neg3A_992, %get3A_969 : vector<16xf32>
      %exp3A_994 = math.exp %neg3A_993 : vector<16xf32>
      %add3A_995 = arith.constant 1.000000e+00 : f32
      %add3A_996 = vector.broadcast %add3A_995 : f32 to vector<16xf32>
      %add3A_997 = arith.addf %add3A_996, %exp3A_994 : vector<16xf32>
      %div3A_998 = arith.constant 1.000000e+00 : f32
      %div3A_999 = vector.broadcast %div3A_998 : f32 to vector<16xf32>
      %div3A_1000 = arith.divf %div3A_999, %add3A_997 : vector<16xf32>
      %mul3A_1001 = arith.mulf %div3A_1000, %select_n3A_990 : vector<16xf32>
      %add3A_1002 = arith.addf %add3A_962, %mul3A_1001 : vector<16xf32>
      %add3A_1003 = arith.addf %add3A_963, %select_n3A_990 : vector<16xf32>
      scf.yield %add3A_1002, %add3A_1003 : vector<16xf32>, vector<16xf32>
    }
    %scan3A_512 = arith.constant 128 : i32
    %dma_wait3A_513 = arith.constant 1 : i32
    %dma_wait3A_514 = arith.constant 0 : i32
    %dma_wait3A_515 = arith.constant 0 : i32
    %dma_wait3A_516 = tpu.memref_slice %arg6[%dma_wait3A_513, %dma_wait3A_514, %dma_wait3A_515] : memref<2x128x128xf32, #tpu.memory_space<vmem>> -> memref<1x32x128xf32, #tpu.memory_space<vmem>>
    %dma_wait3A_517 = tpu.memref_squeeze %dma_wait3A_516 : memref<1x32x128xf32, #tpu.memory_space<vmem>> -> memref<32x128xf32, #tpu.memory_space<vmem>>
    %dma_wait3A_518 = arith.constant 0 : i32
    %dma_wait3A_519 = tpu.memref_slice %arg2[%add3A_196, %dma_wait3A_518] : memref<8192x512xf32, #tpu.memory_space<hbm>> -> memref<32x128xf32, #tpu.memory_space<hbm>>
    %dma_wait3A_520 = arith.constant 0 : i32
    %dma_wait3A_521 = arith.constant 0 : i32
    %dma_wait3A_522 = tpu.memref_slice %arg6[%dma_wait3A_513, %dma_wait3A_520, %dma_wait3A_521] : memref<2x128x128xf32, #tpu.memory_space<vmem>> -> memref<1x32x128xf32, #tpu.memory_space<vmem>>
    %dma_wait3A_523 = tpu.memref_squeeze %dma_wait3A_522 : memref<1x32x128xf32, #tpu.memory_space<vmem>> -> memref<32x128xf32, #tpu.memory_space<vmem>>
    %dma_wait3A_524 = arith.constant 0 : i32
    %dma_wait3A_525 = tpu.memref_slice %arg2[%add3A_196, %dma_wait3A_524] : memref<8192x512xf32, #tpu.memory_space<hbm>> -> memref<32x128xf32, #tpu.memory_space<hbm>>
    tpu.wait_dma2 semaphore(%arg11 : memref<!tpu.dma_semaphore, #tpu.memory_space<semaphore_mem>>) src(%dma_wait3A_525 : memref<32x128xf32, #tpu.memory_space<hbm>>) dst(%dma_wait3A_523 : memref<32x128xf32, #tpu.memory_space<vmem>>)
    %dma_wait3A_526 = arith.constant 1 : i32
    %dma_wait3A_527 = arith.constant 32 : i32
    %dma_wait3A_528 = arith.constant 0 : i32
    %dma_wait3A_529 = tpu.memref_slice %arg6[%dma_wait3A_526, %dma_wait3A_527, %dma_wait3A_528] : memref<2x128x128xf32, #tpu.memory_space<vmem>> -> memref<1x32x128xf32, #tpu.memory_space<vmem>>
    %dma_wait3A_530 = tpu.memref_squeeze %dma_wait3A_529 : memref<1x32x128xf32, #tpu.memory_space<vmem>> -> memref<32x128xf32, #tpu.memory_space<vmem>>
    %dma_wait3A_531 = arith.constant 128 : i32
    %dma_wait3A_532 = tpu.memref_slice %arg2[%add3A_196, %dma_wait3A_531] : memref<8192x512xf32, #tpu.memory_space<hbm>> -> memref<32x128xf32, #tpu.memory_space<hbm>>
    %dma_wait3A_533 = arith.constant 32 : i32
    %dma_wait3A_534 = arith.constant 0 : i32
    %dma_wait3A_535 = tpu.memref_slice %arg6[%dma_wait3A_526, %dma_wait3A_533, %dma_wait3A_534] : memref<2x128x128xf32, #tpu.memory_space<vmem>> -> memref<1x32x128xf32, #tpu.memory_space<vmem>>
    %dma_wait3A_536 = tpu.memref_squeeze %dma_wait3A_535 : memref<1x32x128xf32, #tpu.memory_space<vmem>> -> memref<32x128xf32, #tpu.memory_space<vmem>>
    %dma_wait3A_537 = arith.constant 128 : i32
    %dma_wait3A_538 = tpu.memref_slice %arg2[%add3A_196, %dma_wait3A_537] : memref<8192x512xf32, #tpu.memory_space<hbm>> -> memref<32x128xf32, #tpu.memory_space<hbm>>
    tpu.wait_dma2 semaphore(%arg11 : memref<!tpu.dma_semaphore, #tpu.memory_space<semaphore_mem>>) src(%dma_wait3A_538 : memref<32x128xf32, #tpu.memory_space<hbm>>) dst(%dma_wait3A_536 : memref<32x128xf32, #tpu.memory_space<vmem>>)
    %dma_wait3A_539 = arith.constant 1 : i32
    %dma_wait3A_540 = arith.constant 64 : i32
    %dma_wait3A_541 = arith.constant 0 : i32
    %dma_wait3A_542 = tpu.memref_slice %arg6[%dma_wait3A_539, %dma_wait3A_540, %dma_wait3A_541] : memref<2x128x128xf32, #tpu.memory_space<vmem>> -> memref<1x32x128xf32, #tpu.memory_space<vmem>>
    %dma_wait3A_543 = tpu.memref_squeeze %dma_wait3A_542 : memref<1x32x128xf32, #tpu.memory_space<vmem>> -> memref<32x128xf32, #tpu.memory_space<vmem>>
    %dma_wait3A_544 = arith.constant 256 : i32
    %dma_wait3A_545 = tpu.memref_slice %arg2[%add3A_196, %dma_wait3A_544] : memref<8192x512xf32, #tpu.memory_space<hbm>> -> memref<32x128xf32, #tpu.memory_space<hbm>>
    %dma_wait3A_546 = arith.constant 64 : i32
    %dma_wait3A_547 = arith.constant 0 : i32
    %dma_wait3A_548 = tpu.memref_slice %arg6[%dma_wait3A_539, %dma_wait3A_546, %dma_wait3A_547] : memref<2x128x128xf32, #tpu.memory_space<vmem>> -> memref<1x32x128xf32, #tpu.memory_space<vmem>>
    %dma_wait3A_549 = tpu.memref_squeeze %dma_wait3A_548 : memref<1x32x128xf32, #tpu.memory_space<vmem>> -> memref<32x128xf32, #tpu.memory_space<vmem>>
    %dma_wait3A_550 = arith.constant 256 : i32
    %dma_wait3A_551 = tpu.memref_slice %arg2[%add3A_196, %dma_wait3A_550] : memref<8192x512xf32, #tpu.memory_space<hbm>> -> memref<32x128xf32, #tpu.memory_space<hbm>>
    tpu.wait_dma2 semaphore(%arg11 : memref<!tpu.dma_semaphore, #tpu.memory_space<semaphore_mem>>) src(%dma_wait3A_551 : memref<32x128xf32, #tpu.memory_space<hbm>>) dst(%dma_wait3A_549 : memref<32x128xf32, #tpu.memory_space<vmem>>)
    %dma_wait3A_552 = arith.constant 1 : i32
    %dma_wait3A_553 = arith.constant 96 : i32
    %dma_wait3A_554 = arith.constant 0 : i32
    %dma_wait3A_555 = tpu.memref_slice %arg6[%dma_wait3A_552, %dma_wait3A_553, %dma_wait3A_554] : memref<2x128x128xf32, #tpu.memory_space<vmem>> -> memref<1x32x128xf32, #tpu.memory_space<vmem>>
    %dma_wait3A_556 = tpu.memref_squeeze %dma_wait3A_555 : memref<1x32x128xf32, #tpu.memory_space<vmem>> -> memref<32x128xf32, #tpu.memory_space<vmem>>
    %dma_wait3A_557 = arith.constant 384 : i32
    %dma_wait3A_558 = tpu.memref_slice %arg2[%add3A_196, %dma_wait3A_557] : memref<8192x512xf32, #tpu.memory_space<hbm>> -> memref<32x128xf32, #tpu.memory_space<hbm>>
    %dma_wait3A_559 = arith.constant 96 : i32
    %dma_wait3A_560 = arith.constant 0 : i32
    %dma_wait3A_561 = tpu.memref_slice %arg6[%dma_wait3A_552, %dma_wait3A_559, %dma_wait3A_560] : memref<2x128x128xf32, #tpu.memory_space<vmem>> -> memref<1x32x128xf32, #tpu.memory_space<vmem>>
    %dma_wait3A_562 = tpu.memref_squeeze %dma_wait3A_561 : memref<1x32x128xf32, #tpu.memory_space<vmem>> -> memref<32x128xf32, #tpu.memory_space<vmem>>
    %dma_wait3A_563 = arith.constant 384 : i32
    %dma_wait3A_564 = tpu.memref_slice %arg2[%add3A_196, %dma_wait3A_563] : memref<8192x512xf32, #tpu.memory_space<hbm>> -> memref<32x128xf32, #tpu.memory_space<hbm>>
    tpu.wait_dma2 semaphore(%arg11 : memref<!tpu.dma_semaphore, #tpu.memory_space<semaphore_mem>>) src(%dma_wait3A_564 : memref<32x128xf32, #tpu.memory_space<hbm>>) dst(%dma_wait3A_562 : memref<32x128xf32, #tpu.memory_space<vmem>>)
    %dma_wait3A_565 = arith.constant 1 : i32
    %dma_wait3A_566 = arith.constant 0 : i32
    %dma_wait3A_567 = arith.constant 0 : i32
    %dma_wait3A_568 = tpu.memref_slice %arg7[%dma_wait3A_565, %dma_wait3A_566, %dma_wait3A_567] : memref<2x128x128xf32, #tpu.memory_space<vmem>> -> memref<1x32x128xf32, #tpu.memory_space<vmem>>
    %dma_wait3A_569 = tpu.memref_squeeze %dma_wait3A_568 : memref<1x32x128xf32, #tpu.memory_space<vmem>> -> memref<32x128xf32, #tpu.memory_space<vmem>>
    %dma_wait3A_570 = arith.constant 0 : i32
    %dma_wait3A_571 = tpu.memref_slice %arg3[%add3A_196, %dma_wait3A_570] : memref<8192x512xf32, #tpu.memory_space<hbm>> -> memref<32x128xf32, #tpu.memory_space<hbm>>
    %dma_wait3A_572 = arith.constant 0 : i32
    %dma_wait3A_573 = arith.constant 0 : i32
    %dma_wait3A_574 = tpu.memref_slice %arg7[%dma_wait3A_565, %dma_wait3A_572, %dma_wait3A_573] : memref<2x128x128xf32, #tpu.memory_space<vmem>> -> memref<1x32x128xf32, #tpu.memory_space<vmem>>
    %dma_wait3A_575 = tpu.memref_squeeze %dma_wait3A_574 : memref<1x32x128xf32, #tpu.memory_space<vmem>> -> memref<32x128xf32, #tpu.memory_space<vmem>>
    %dma_wait3A_576 = arith.constant 0 : i32
    %dma_wait3A_577 = tpu.memref_slice %arg3[%add3A_196, %dma_wait3A_576] : memref<8192x512xf32, #tpu.memory_space<hbm>> -> memref<32x128xf32, #tpu.memory_space<hbm>>
    tpu.wait_dma2 semaphore(%arg11 : memref<!tpu.dma_semaphore, #tpu.memory_space<semaphore_mem>>) src(%dma_wait3A_577 : memref<32x128xf32, #tpu.memory_space<hbm>>) dst(%dma_wait3A_575 : memref<32x128xf32, #tpu.memory_space<vmem>>)
    %dma_wait3A_578 = arith.constant 1 : i32
    %dma_wait3A_579 = arith.constant 32 : i32
    %dma_wait3A_580 = arith.constant 0 : i32
    %dma_wait3A_581 = tpu.memref_slice %arg7[%dma_wait3A_578, %dma_wait3A_579, %dma_wait3A_580] : memref<2x128x128xf32, #tpu.memory_space<vmem>> -> memref<1x32x128xf32, #tpu.memory_space<vmem>>
    %dma_wait3A_582 = tpu.memref_squeeze %dma_wait3A_581 : memref<1x32x128xf32, #tpu.memory_space<vmem>> -> memref<32x128xf32, #tpu.memory_space<vmem>>
    %dma_wait3A_583 = arith.constant 128 : i32
    %dma_wait3A_584 = tpu.memref_slice %arg3[%add3A_196, %dma_wait3A_583] : memref<8192x512xf32, #tpu.memory_space<hbm>> -> memref<32x128xf32, #tpu.memory_space<hbm>>
    %dma_wait3A_585 = arith.constant 32 : i32
    %dma_wait3A_586 = arith.constant 0 : i32
    %dma_wait3A_587 = tpu.memref_slice %arg7[%dma_wait3A_578, %dma_wait3A_585, %dma_wait3A_586] : memref<2x128x128xf32, #tpu.memory_space<vmem>> -> memref<1x32x128xf32, #tpu.memory_space<vmem>>
    %dma_wait3A_588 = tpu.memref_squeeze %dma_wait3A_587 : memref<1x32x128xf32, #tpu.memory_space<vmem>> -> memref<32x128xf32, #tpu.memory_space<vmem>>
    %dma_wait3A_589 = arith.constant 128 : i32
    %dma_wait3A_590 = tpu.memref_slice %arg3[%add3A_196, %dma_wait3A_589] : memref<8192x512xf32, #tpu.memory_space<hbm>> -> memref<32x128xf32, #tpu.memory_space<hbm>>
    tpu.wait_dma2 semaphore(%arg11 : memref<!tpu.dma_semaphore, #tpu.memory_space<semaphore_mem>>) src(%dma_wait3A_590 : memref<32x128xf32, #tpu.memory_space<hbm>>) dst(%dma_wait3A_588 : memref<32x128xf32, #tpu.memory_space<vmem>>)
    %dma_wait3A_591 = arith.constant 1 : i32
    %dma_wait3A_592 = arith.constant 64 : i32
    %dma_wait3A_593 = arith.constant 0 : i32
    %dma_wait3A_594 = tpu.memref_slice %arg7[%dma_wait3A_591, %dma_wait3A_592, %dma_wait3A_593] : memref<2x128x128xf32, #tpu.memory_space<vmem>> -> memref<1x32x128xf32, #tpu.memory_space<vmem>>
    %dma_wait3A_595 = tpu.memref_squeeze %dma_wait3A_594 : memref<1x32x128xf32, #tpu.memory_space<vmem>> -> memref<32x128xf32, #tpu.memory_space<vmem>>
    %dma_wait3A_596 = arith.constant 256 : i32
    %dma_wait3A_597 = tpu.memref_slice %arg3[%add3A_196, %dma_wait3A_596] : memref<8192x512xf32, #tpu.memory_space<hbm>> -> memref<32x128xf32, #tpu.memory_space<hbm>>
    %dma_wait3A_598 = arith.constant 64 : i32
    %dma_wait3A_599 = arith.constant 0 : i32
    %dma_wait3A_600 = tpu.memref_slice %arg7[%dma_wait3A_591, %dma_wait3A_598, %dma_wait3A_599] : memref<2x128x128xf32, #tpu.memory_space<vmem>> -> memref<1x32x128xf32, #tpu.memory_space<vmem>>
    %dma_wait3A_601 = tpu.memref_squeeze %dma_wait3A_600 : memref<1x32x128xf32, #tpu.memory_space<vmem>> -> memref<32x128xf32, #tpu.memory_space<vmem>>
    %dma_wait3A_602 = arith.constant 256 : i32
    %dma_wait3A_603 = tpu.memref_slice %arg3[%add3A_196, %dma_wait3A_602] : memref<8192x512xf32, #tpu.memory_space<hbm>> -> memref<32x128xf32, #tpu.memory_space<hbm>>
    tpu.wait_dma2 semaphore(%arg11 : memref<!tpu.dma_semaphore, #tpu.memory_space<semaphore_mem>>) src(%dma_wait3A_603 : memref<32x128xf32, #tpu.memory_space<hbm>>) dst(%dma_wait3A_601 : memref<32x128xf32, #tpu.memory_space<vmem>>)
    %dma_wait3A_604 = arith.constant 1 : i32
    %dma_wait3A_605 = arith.constant 96 : i32
    %dma_wait3A_606 = arith.constant 0 : i32
    %dma_wait3A_607 = tpu.memref_slice %arg7[%dma_wait3A_604, %dma_wait3A_605, %dma_wait3A_606] : memref<2x128x128xf32, #tpu.memory_space<vmem>> -> memref<1x32x128xf32, #tpu.memory_space<vmem>>
    %dma_wait3A_608 = tpu.memref_squeeze %dma_wait3A_607 : memref<1x32x128xf32, #tpu.memory_space<vmem>> -> memref<32x128xf32, #tpu.memory_space<vmem>>
    %dma_wait3A_609 = arith.constant 384 : i32
    %dma_wait3A_610 = tpu.memref_slice %arg3[%add3A_196, %dma_wait3A_609] : memref<8192x512xf32, #tpu.memory_space<hbm>> -> memref<32x128xf32, #tpu.memory_space<hbm>>
    %dma_wait3A_611 = arith.constant 96 : i32
    %dma_wait3A_612 = arith.constant 0 : i32
    %dma_wait3A_613 = tpu.memref_slice %arg7[%dma_wait3A_604, %dma_wait3A_611, %dma_wait3A_612] : memref<2x128x128xf32, #tpu.memory_space<vmem>> -> memref<1x32x128xf32, #tpu.memory_space<vmem>>
    %dma_wait3A_614 = tpu.memref_squeeze %dma_wait3A_613 : memref<1x32x128xf32, #tpu.memory_space<vmem>> -> memref<32x128xf32, #tpu.memory_space<vmem>>
    %dma_wait3A_615 = arith.constant 384 : i32
    %dma_wait3A_616 = tpu.memref_slice %arg3[%add3A_196, %dma_wait3A_615] : memref<8192x512xf32, #tpu.memory_space<hbm>> -> memref<32x128xf32, #tpu.memory_space<hbm>>
    tpu.wait_dma2 semaphore(%arg11 : memref<!tpu.dma_semaphore, #tpu.memory_space<semaphore_mem>>) src(%dma_wait3A_616 : memref<32x128xf32, #tpu.memory_space<hbm>>) dst(%dma_wait3A_614 : memref<32x128xf32, #tpu.memory_space<vmem>>)
    %dma_wait3A_617 = arith.constant 1 : i32
    %dma_wait3A_618 = arith.constant 0 : i32
    %dma_wait3A_619 = arith.constant 0 : i32
    %dma_wait3A_620 = tpu.memref_slice %arg8[%dma_wait3A_617, %dma_wait3A_618, %dma_wait3A_619] : memref<2x128x128xf32, #tpu.memory_space<vmem>> -> memref<1x32x128xf32, #tpu.memory_space<vmem>>
    %dma_wait3A_621 = tpu.memref_squeeze %dma_wait3A_620 : memref<1x32x128xf32, #tpu.memory_space<vmem>> -> memref<32x128xf32, #tpu.memory_space<vmem>>
    %dma_wait3A_622 = arith.constant 0 : i32
    %dma_wait3A_623 = tpu.memref_slice %arg4[%add3A_196, %dma_wait3A_622] : memref<8192x512xf32, #tpu.memory_space<hbm>> -> memref<32x128xf32, #tpu.memory_space<hbm>>
    %dma_wait3A_624 = arith.constant 0 : i32
    %dma_wait3A_625 = arith.constant 0 : i32
    %dma_wait3A_626 = tpu.memref_slice %arg8[%dma_wait3A_617, %dma_wait3A_624, %dma_wait3A_625] : memref<2x128x128xf32, #tpu.memory_space<vmem>> -> memref<1x32x128xf32, #tpu.memory_space<vmem>>
    %dma_wait3A_627 = tpu.memref_squeeze %dma_wait3A_626 : memref<1x32x128xf32, #tpu.memory_space<vmem>> -> memref<32x128xf32, #tpu.memory_space<vmem>>
    %dma_wait3A_628 = arith.constant 0 : i32
    %dma_wait3A_629 = tpu.memref_slice %arg4[%add3A_196, %dma_wait3A_628] : memref<8192x512xf32, #tpu.memory_space<hbm>> -> memref<32x128xf32, #tpu.memory_space<hbm>>
    tpu.wait_dma2 semaphore(%arg11 : memref<!tpu.dma_semaphore, #tpu.memory_space<semaphore_mem>>) src(%dma_wait3A_629 : memref<32x128xf32, #tpu.memory_space<hbm>>) dst(%dma_wait3A_627 : memref<32x128xf32, #tpu.memory_space<vmem>>)
    %dma_wait3A_630 = arith.constant 1 : i32
    %dma_wait3A_631 = arith.constant 32 : i32
    %dma_wait3A_632 = arith.constant 0 : i32
    %dma_wait3A_633 = tpu.memref_slice %arg8[%dma_wait3A_630, %dma_wait3A_631, %dma_wait3A_632] : memref<2x128x128xf32, #tpu.memory_space<vmem>> -> memref<1x32x128xf32, #tpu.memory_space<vmem>>
    %dma_wait3A_634 = tpu.memref_squeeze %dma_wait3A_633 : memref<1x32x128xf32, #tpu.memory_space<vmem>> -> memref<32x128xf32, #tpu.memory_space<vmem>>
    %dma_wait3A_635 = arith.constant 128 : i32
    %dma_wait3A_636 = tpu.memref_slice %arg4[%add3A_196, %dma_wait3A_635] : memref<8192x512xf32, #tpu.memory_space<hbm>> -> memref<32x128xf32, #tpu.memory_space<hbm>>
    %dma_wait3A_637 = arith.constant 32 : i32
    %dma_wait3A_638 = arith.constant 0 : i32
    %dma_wait3A_639 = tpu.memref_slice %arg8[%dma_wait3A_630, %dma_wait3A_637, %dma_wait3A_638] : memref<2x128x128xf32, #tpu.memory_space<vmem>> -> memref<1x32x128xf32, #tpu.memory_space<vmem>>
    %dma_wait3A_640 = tpu.memref_squeeze %dma_wait3A_639 : memref<1x32x128xf32, #tpu.memory_space<vmem>> -> memref<32x128xf32, #tpu.memory_space<vmem>>
    %dma_wait3A_641 = arith.constant 128 : i32
    %dma_wait3A_642 = tpu.memref_slice %arg4[%add3A_196, %dma_wait3A_641] : memref<8192x512xf32, #tpu.memory_space<hbm>> -> memref<32x128xf32, #tpu.memory_space<hbm>>
    tpu.wait_dma2 semaphore(%arg11 : memref<!tpu.dma_semaphore, #tpu.memory_space<semaphore_mem>>) src(%dma_wait3A_642 : memref<32x128xf32, #tpu.memory_space<hbm>>) dst(%dma_wait3A_640 : memref<32x128xf32, #tpu.memory_space<vmem>>)
    %dma_wait3A_643 = arith.constant 1 : i32
    %dma_wait3A_644 = arith.constant 64 : i32
    %dma_wait3A_645 = arith.constant 0 : i32
    %dma_wait3A_646 = tpu.memref_slice %arg8[%dma_wait3A_643, %dma_wait3A_644, %dma_wait3A_645] : memref<2x128x128xf32, #tpu.memory_space<vmem>> -> memref<1x32x128xf32, #tpu.memory_space<vmem>>
    %dma_wait3A_647 = tpu.memref_squeeze %dma_wait3A_646 : memref<1x32x128xf32, #tpu.memory_space<vmem>> -> memref<32x128xf32, #tpu.memory_space<vmem>>
    %dma_wait3A_648 = arith.constant 256 : i32
    %dma_wait3A_649 = tpu.memref_slice %arg4[%add3A_196, %dma_wait3A_648] : memref<8192x512xf32, #tpu.memory_space<hbm>> -> memref<32x128xf32, #tpu.memory_space<hbm>>
    %dma_wait3A_650 = arith.constant 64 : i32
    %dma_wait3A_651 = arith.constant 0 : i32
    %dma_wait3A_652 = tpu.memref_slice %arg8[%dma_wait3A_643, %dma_wait3A_650, %dma_wait3A_651] : memref<2x128x128xf32, #tpu.memory_space<vmem>> -> memref<1x32x128xf32, #tpu.memory_space<vmem>>
    %dma_wait3A_653 = tpu.memref_squeeze %dma_wait3A_652 : memref<1x32x128xf32, #tpu.memory_space<vmem>> -> memref<32x128xf32, #tpu.memory_space<vmem>>
    %dma_wait3A_654 = arith.constant 256 : i32
    %dma_wait3A_655 = tpu.memref_slice %arg4[%add3A_196, %dma_wait3A_654] : memref<8192x512xf32, #tpu.memory_space<hbm>> -> memref<32x128xf32, #tpu.memory_space<hbm>>
    tpu.wait_dma2 semaphore(%arg11 : memref<!tpu.dma_semaphore, #tpu.memory_space<semaphore_mem>>) src(%dma_wait3A_655 : memref<32x128xf32, #tpu.memory_space<hbm>>) dst(%dma_wait3A_653 : memref<32x128xf32, #tpu.memory_space<vmem>>)
    %dma_wait3A_656 = arith.constant 1 : i32
    %dma_wait3A_657 = arith.constant 96 : i32
    %dma_wait3A_658 = arith.constant 0 : i32
    %dma_wait3A_659 = tpu.memref_slice %arg8[%dma_wait3A_656, %dma_wait3A_657, %dma_wait3A_658] : memref<2x128x128xf32, #tpu.memory_space<vmem>> -> memref<1x32x128xf32, #tpu.memory_space<vmem>>
    %dma_wait3A_660 = tpu.memref_squeeze %dma_wait3A_659 : memref<1x32x128xf32, #tpu.memory_space<vmem>> -> memref<32x128xf32, #tpu.memory_space<vmem>>
    %dma_wait3A_661 = arith.constant 384 : i32
    %dma_wait3A_662 = tpu.memref_slice %arg4[%add3A_196, %dma_wait3A_661] : memref<8192x512xf32, #tpu.memory_space<hbm>> -> memref<32x128xf32, #tpu.memory_space<hbm>>
    %dma_wait3A_663 = arith.constant 96 : i32
    %dma_wait3A_664 = arith.constant 0 : i32
    %dma_wait3A_665 = tpu.memref_slice %arg8[%dma_wait3A_656, %dma_wait3A_663, %dma_wait3A_664] : memref<2x128x128xf32, #tpu.memory_space<vmem>> -> memref<1x32x128xf32, #tpu.memory_space<vmem>>
    %dma_wait3A_666 = tpu.memref_squeeze %dma_wait3A_665 : memref<1x32x128xf32, #tpu.memory_space<vmem>> -> memref<32x128xf32, #tpu.memory_space<vmem>>
    %dma_wait3A_667 = arith.constant 384 : i32
    %dma_wait3A_668 = tpu.memref_slice %arg4[%add3A_196, %dma_wait3A_667] : memref<8192x512xf32, #tpu.memory_space<hbm>> -> memref<32x128xf32, #tpu.memory_space<hbm>>
    tpu.wait_dma2 semaphore(%arg11 : memref<!tpu.dma_semaphore, #tpu.memory_space<semaphore_mem>>) src(%dma_wait3A_668 : memref<32x128xf32, #tpu.memory_space<hbm>>) dst(%dma_wait3A_666 : memref<32x128xf32, #tpu.memory_space<vmem>>)
    %scan3A_669 = arith.constant 0 : i32
    %scan3A_670 = arith.constant 128 : i32
    %scan3A_671 = arith.addi %scan3A_669, %scan3A_670 : i32
    %scan3A_672 = arith.constant 1 : i32
    %scan3A_673:2 = scf.for %scan3A_686 = %scan3A_669 to %scan3A_671 step %scan3A_672 iter_args(%scan3A_687 = %scan3A_511#0, %scan3A_688 = %scan3A_511#1) -> (vector<16xf32>, vector<16xf32>)  : i32 {
      %get3A = arith.constant 1 : i32
      %get3A_689 = arith.index_cast %get3A : i32 to index
      %get3A_690 = arith.index_cast %scan3A_686 : i32 to index
      %get3A_691 = arith.constant 0 : index
      %get3A_692 = tpu.vector_load %arg6[%get3A_689, %get3A_690, %get3A_691] {strides = array<i32>} : memref<2x128x128xf32, #tpu.memory_space<vmem>>, vector<1x1x16xf32>,
      %get3A_693 = vector.shape_cast %get3A_692 : vector<1x1x16xf32> to vector<16xf32>
      %get3A_694 = arith.constant 1 : i32
      %get3A_695 = arith.index_cast %get3A_694 : i32 to index
      %get3A_696 = arith.index_cast %scan3A_686 : i32 to index
      %get3A_697 = arith.constant 0 : index
      %get3A_698 = tpu.vector_load %arg7[%get3A_695, %get3A_696, %get3A_697] {strides = array<i32>} : memref<2x128x128xf32, #tpu.memory_space<vmem>>, vector<1x1x16xf32>,
      %get3A_699 = vector.shape_cast %get3A_698 : vector<1x1x16xf32> to vector<16xf32>
      %get3A_700 = arith.constant 1 : i32
      %get3A_701 = arith.index_cast %get3A_700 : i32 to index
      %get3A_702 = arith.index_cast %scan3A_686 : i32 to index
      %get3A_703 = arith.constant 0 : index
      %get3A_704 = tpu.vector_load %arg8[%get3A_701, %get3A_702, %get3A_703] {strides = array<i32>} : memref<2x128x128xf32, #tpu.memory_space<vmem>>, vector<1x1x16xf32>,
      %get3A_705 = vector.shape_cast %get3A_704 : vector<1x1x16xf32> to vector<16xf32>
      %min3A = arith.minimumf %get3A_699, %get3A_705 : vector<16xf32>
      %gt3A = arith.constant 5.000000e-01 : f32
      %gt3A_706 = vector.broadcast %gt3A : f32 to vector<16xf32>
      %gt3A_707 = arith.cmpf ogt, %min3A, %gt3A_706 : vector<16xf32>
      %jit3A_708 = arith.constant 1.000000e+00 : f32
      %jit3A_709 = arith.constant 0.000000e+00 : f32
      %broadcast_in_dim3A_710 = vector.broadcast %jit3A_708 : f32 to vector<16xf32>
      %broadcast_in_dim3A_711 = vector.broadcast %jit3A_709 : f32 to vector<16xf32>
      %select_n3A_712 = arith.select %gt3A_707, %broadcast_in_dim3A_710, %broadcast_in_dim3A_711 : vector<16xi1>, vector<16xf32>
      %neg3A = arith.constant 0.000000e+00 : f32
      %neg3A_713 = vector.broadcast %neg3A : f32 to vector<16xf32>
      %neg3A_714 = arith.subf %neg3A_713, %get3A_693 : vector<16xf32>
      %exp3A = math.exp %neg3A_714 : vector<16xf32>
      %add3A_715 = arith.constant 1.000000e+00 : f32
      %add3A_716 = vector.broadcast %add3A_715 : f32 to vector<16xf32>
      %add3A_717 = arith.addf %add3A_716, %exp3A : vector<16xf32>
      %div3A_718 = arith.constant 1.000000e+00 : f32
      %div3A_719 = vector.broadcast %div3A_718 : f32 to vector<16xf32>
      %div3A_720 = arith.divf %div3A_719, %add3A_717 : vector<16xf32>
      %mul3A_721 = arith.mulf %div3A_720, %select_n3A_712 : vector<16xf32>
      %add3A_722 = arith.addf %scan3A_687, %mul3A_721 : vector<16xf32>
      %add3A_723 = arith.addf %scan3A_688, %select_n3A_712 : vector<16xf32>
      %get3A_724 = arith.constant 1 : i32
      %get3A_725 = arith.index_cast %get3A_724 : i32 to index
      %get3A_726 = arith.index_cast %scan3A_686 : i32 to index
      %get3A_727 = arith.constant 16 : index
      %get3A_728 = tpu.vector_load %arg6[%get3A_725, %get3A_726, %get3A_727] {strides = array<i32>} : memref<2x128x128xf32, #tpu.memory_space<vmem>>, vector<1x1x16xf32>,
      %get3A_729 = vector.shape_cast %get3A_728 : vector<1x1x16xf32> to vector<16xf32>
      %get3A_730 = arith.constant 1 : i32
      %get3A_731 = arith.index_cast %get3A_730 : i32 to index
      %get3A_732 = arith.index_cast %scan3A_686 : i32 to index
      %get3A_733 = arith.constant 16 : index
      %get3A_734 = tpu.vector_load %arg7[%get3A_731, %get3A_732, %get3A_733] {strides = array<i32>} : memref<2x128x128xf32, #tpu.memory_space<vmem>>, vector<1x1x16xf32>,
      %get3A_735 = vector.shape_cast %get3A_734 : vector<1x1x16xf32> to vector<16xf32>
      %get3A_736 = arith.constant 1 : i32
      %get3A_737 = arith.index_cast %get3A_736 : i32 to index
      %get3A_738 = arith.index_cast %scan3A_686 : i32 to index
      %get3A_739 = arith.constant 16 : index
      %get3A_740 = tpu.vector_load %arg8[%get3A_737, %get3A_738, %get3A_739] {strides = array<i32>} : memref<2x128x128xf32, #tpu.memory_space<vmem>>, vector<1x1x16xf32>,
      %get3A_741 = vector.shape_cast %get3A_740 : vector<1x1x16xf32> to vector<16xf32>
      %min3A_742 = arith.minimumf %get3A_735, %get3A_741 : vector<16xf32>
      %gt3A_743 = arith.constant 5.000000e-01 : f32
      %gt3A_744 = vector.broadcast %gt3A_743 : f32 to vector<16xf32>
      %gt3A_745 = arith.cmpf ogt, %min3A_742, %gt3A_744 : vector<16xf32>
      %jit3A_746 = arith.constant 1.000000e+00 : f32
      %jit3A_747 = arith.constant 0.000000e+00 : f32
      %broadcast_in_dim3A_748 = vector.broadcast %jit3A_746 : f32 to vector<16xf32>
      %broadcast_in_dim3A_749 = vector.broadcast %jit3A_747 : f32 to vector<16xf32>
      %select_n3A_750 = arith.select %gt3A_745, %broadcast_in_dim3A_748, %broadcast_in_dim3A_749 : vector<16xi1>, vector<16xf32>
      %neg3A_751 = arith.constant 0.000000e+00 : f32
      %neg3A_752 = vector.broadcast %neg3A_751 : f32 to vector<16xf32>
      %neg3A_753 = arith.subf %neg3A_752, %get3A_729 : vector<16xf32>
      %exp3A_754 = math.exp %neg3A_753 : vector<16xf32>
      %add3A_755 = arith.constant 1.000000e+00 : f32
      %add3A_756 = vector.broadcast %add3A_755 : f32 to vector<16xf32>
      %add3A_757 = arith.addf %add3A_756, %exp3A_754 : vector<16xf32>
      %div3A_758 = arith.constant 1.000000e+00 : f32
      %div3A_759 = vector.broadcast %div3A_758 : f32 to vector<16xf32>
      %div3A_760 = arith.divf %div3A_759, %add3A_757 : vector<16xf32>
      %mul3A_761 = arith.mulf %div3A_760, %select_n3A_750 : vector<16xf32>
      %add3A_762 = arith.addf %add3A_722, %mul3A_761 : vector<16xf32>
      %add3A_763 = arith.addf %add3A_723, %select_n3A_750 : vector<16xf32>
      %get3A_764 = arith.constant 1 : i32
      %get3A_765 = arith.index_cast %get3A_764 : i32 to index
      %get3A_766 = arith.index_cast %scan3A_686 : i32 to index
      %get3A_767 = arith.constant 32 : index
      %get3A_768 = tpu.vector_load %arg6[%get3A_765, %get3A_766, %get3A_767] {strides = array<i32>} : memref<2x128x128xf32, #tpu.memory_space<vmem>>, vector<1x1x16xf32>,
      %get3A_769 = vector.shape_cast %get3A_768 : vector<1x1x16xf32> to vector<16xf32>
      %get3A_770 = arith.constant 1 : i32
      %get3A_771 = arith.index_cast %get3A_770 : i32 to index
      %get3A_772 = arith.index_cast %scan3A_686 : i32 to index
      %get3A_773 = arith.constant 32 : index
      %get3A_774 = tpu.vector_load %arg7[%get3A_771, %get3A_772, %get3A_773] {strides = array<i32>} : memref<2x128x128xf32, #tpu.memory_space<vmem>>, vector<1x1x16xf32>,
      %get3A_775 = vector.shape_cast %get3A_774 : vector<1x1x16xf32> to vector<16xf32>
      %get3A_776 = arith.constant 1 : i32
      %get3A_777 = arith.index_cast %get3A_776 : i32 to index
      %get3A_778 = arith.index_cast %scan3A_686 : i32 to index
      %get3A_779 = arith.constant 32 : index
      %get3A_780 = tpu.vector_load %arg8[%get3A_777, %get3A_778, %get3A_779] {strides = array<i32>} : memref<2x128x128xf32, #tpu.memory_space<vmem>>, vector<1x1x16xf32>,
      %get3A_781 = vector.shape_cast %get3A_780 : vector<1x1x16xf32> to vector<16xf32>
      %min3A_782 = arith.minimumf %get3A_775, %get3A_781 : vector<16xf32>
      %gt3A_783 = arith.constant 5.000000e-01 : f32
      %gt3A_784 = vector.broadcast %gt3A_783 : f32 to vector<16xf32>
      %gt3A_785 = arith.cmpf ogt, %min3A_782, %gt3A_784 : vector<16xf32>
      %jit3A_786 = arith.constant 1.000000e+00 : f32
      %jit3A_787 = arith.constant 0.000000e+00 : f32
      %broadcast_in_dim3A_788 = vector.broadcast %jit3A_786 : f32 to vector<16xf32>
      %broadcast_in_dim3A_789 = vector.broadcast %jit3A_787 : f32 to vector<16xf32>
      %select_n3A_790 = arith.select %gt3A_785, %broadcast_in_dim3A_788, %broadcast_in_dim3A_789 : vector<16xi1>, vector<16xf32>
      %neg3A_791 = arith.constant 0.000000e+00 : f32
      %neg3A_792 = vector.broadcast %neg3A_791 : f32 to vector<16xf32>
      %neg3A_793 = arith.subf %neg3A_792, %get3A_769 : vector<16xf32>
      %exp3A_794 = math.exp %neg3A_793 : vector<16xf32>
      %add3A_795 = arith.constant 1.000000e+00 : f32
      %add3A_796 = vector.broadcast %add3A_795 : f32 to vector<16xf32>
      %add3A_797 = arith.addf %add3A_796, %exp3A_794 : vector<16xf32>
      %div3A_798 = arith.constant 1.000000e+00 : f32
      %div3A_799 = vector.broadcast %div3A_798 : f32 to vector<16xf32>
      %div3A_800 = arith.divf %div3A_799, %add3A_797 : vector<16xf32>
      %mul3A_801 = arith.mulf %div3A_800, %select_n3A_790 : vector<16xf32>
      %add3A_802 = arith.addf %add3A_762, %mul3A_801 : vector<16xf32>
      %add3A_803 = arith.addf %add3A_763, %select_n3A_790 : vector<16xf32>
      %get3A_804 = arith.constant 1 : i32
      %get3A_805 = arith.index_cast %get3A_804 : i32 to index
      %get3A_806 = arith.index_cast %scan3A_686 : i32 to index
      %get3A_807 = arith.constant 48 : index
      %get3A_808 = tpu.vector_load %arg6[%get3A_805, %get3A_806, %get3A_807] {strides = array<i32>} : memref<2x128x128xf32, #tpu.memory_space<vmem>>, vector<1x1x16xf32>,
      %get3A_809 = vector.shape_cast %get3A_808 : vector<1x1x16xf32> to vector<16xf32>
      %get3A_810 = arith.constant 1 : i32
      %get3A_811 = arith.index_cast %get3A_810 : i32 to index
      %get3A_812 = arith.index_cast %scan3A_686 : i32 to index
      %get3A_813 = arith.constant 48 : index
      %get3A_814 = tpu.vector_load %arg7[%get3A_811, %get3A_812, %get3A_813] {strides = array<i32>} : memref<2x128x128xf32, #tpu.memory_space<vmem>>, vector<1x1x16xf32>,
      %get3A_815 = vector.shape_cast %get3A_814 : vector<1x1x16xf32> to vector<16xf32>
      %get3A_816 = arith.constant 1 : i32
      %get3A_817 = arith.index_cast %get3A_816 : i32 to index
      %get3A_818 = arith.index_cast %scan3A_686 : i32 to index
      %get3A_819 = arith.constant 48 : index
      %get3A_820 = tpu.vector_load %arg8[%get3A_817, %get3A_818, %get3A_819] {strides = array<i32>} : memref<2x128x128xf32, #tpu.memory_space<vmem>>, vector<1x1x16xf32>,
      %get3A_821 = vector.shape_cast %get3A_820 : vector<1x1x16xf32> to vector<16xf32>
      %min3A_822 = arith.minimumf %get3A_815, %get3A_821 : vector<16xf32>
      %gt3A_823 = arith.constant 5.000000e-01 : f32
      %gt3A_824 = vector.broadcast %gt3A_823 : f32 to vector<16xf32>
      %gt3A_825 = arith.cmpf ogt, %min3A_822, %gt3A_824 : vector<16xf32>
      %jit3A_826 = arith.constant 1.000000e+00 : f32
      %jit3A_827 = arith.constant 0.000000e+00 : f32
      %broadcast_in_dim3A_828 = vector.broadcast %jit3A_826 : f32 to vector<16xf32>
      %broadcast_in_dim3A_829 = vector.broadcast %jit3A_827 : f32 to vector<16xf32>
      %select_n3A_830 = arith.select %gt3A_825, %broadcast_in_dim3A_828, %broadcast_in_dim3A_829 : vector<16xi1>, vector<16xf32>
      %neg3A_831 = arith.constant 0.000000e+00 : f32
      %neg3A_832 = vector.broadcast %neg3A_831 : f32 to vector<16xf32>
      %neg3A_833 = arith.subf %neg3A_832, %get3A_809 : vector<16xf32>
      %exp3A_834 = math.exp %neg3A_833 : vector<16xf32>
      %add3A_835 = arith.constant 1.000000e+00 : f32
      %add3A_836 = vector.broadcast %add3A_835 : f32 to vector<16xf32>
      %add3A_837 = arith.addf %add3A_836, %exp3A_834 : vector<16xf32>
      %div3A_838 = arith.constant 1.000000e+00 : f32
      %div3A_839 = vector.broadcast %div3A_838 : f32 to vector<16xf32>
      %div3A_840 = arith.divf %div3A_839, %add3A_837 : vector<16xf32>
      %mul3A_841 = arith.mulf %div3A_840, %select_n3A_830 : vector<16xf32>
      %add3A_842 = arith.addf %add3A_802, %mul3A_841 : vector<16xf32>
      %add3A_843 = arith.addf %add3A_803, %select_n3A_830 : vector<16xf32>
      %get3A_844 = arith.constant 1 : i32
      %get3A_845 = arith.index_cast %get3A_844 : i32 to index
      %get3A_846 = arith.index_cast %scan3A_686 : i32 to index
      %get3A_847 = arith.constant 64 : index
      %get3A_848 = tpu.vector_load %arg6[%get3A_845, %get3A_846, %get3A_847] {strides = array<i32>} : memref<2x128x128xf32, #tpu.memory_space<vmem>>, vector<1x1x16xf32>,
      %get3A_849 = vector.shape_cast %get3A_848 : vector<1x1x16xf32> to vector<16xf32>
      %get3A_850 = arith.constant 1 : i32
      %get3A_851 = arith.index_cast %get3A_850 : i32 to index
      %get3A_852 = arith.index_cast %scan3A_686 : i32 to index
      %get3A_853 = arith.constant 64 : index
      %get3A_854 = tpu.vector_load %arg7[%get3A_851, %get3A_852, %get3A_853] {strides = array<i32>} : memref<2x128x128xf32, #tpu.memory_space<vmem>>, vector<1x1x16xf32>,
      %get3A_855 = vector.shape_cast %get3A_854 : vector<1x1x16xf32> to vector<16xf32>
      %get3A_856 = arith.constant 1 : i32
      %get3A_857 = arith.index_cast %get3A_856 : i32 to index
      %get3A_858 = arith.index_cast %scan3A_686 : i32 to index
      %get3A_859 = arith.constant 64 : index
      %get3A_860 = tpu.vector_load %arg8[%get3A_857, %get3A_858, %get3A_859] {strides = array<i32>} : memref<2x128x128xf32, #tpu.memory_space<vmem>>, vector<1x1x16xf32>,
      %get3A_861 = vector.shape_cast %get3A_860 : vector<1x1x16xf32> to vector<16xf32>
      %min3A_862 = arith.minimumf %get3A_855, %get3A_861 : vector<16xf32>
      %gt3A_863 = arith.constant 5.000000e-01 : f32
      %gt3A_864 = vector.broadcast %gt3A_863 : f32 to vector<16xf32>
      %gt3A_865 = arith.cmpf ogt, %min3A_862, %gt3A_864 : vector<16xf32>
      %jit3A_866 = arith.constant 1.000000e+00 : f32
      %jit3A_867 = arith.constant 0.000000e+00 : f32
      %broadcast_in_dim3A_868 = vector.broadcast %jit3A_866 : f32 to vector<16xf32>
      %broadcast_in_dim3A_869 = vector.broadcast %jit3A_867 : f32 to vector<16xf32>
      %select_n3A_870 = arith.select %gt3A_865, %broadcast_in_dim3A_868, %broadcast_in_dim3A_869 : vector<16xi1>, vector<16xf32>
      %neg3A_871 = arith.constant 0.000000e+00 : f32
      %neg3A_872 = vector.broadcast %neg3A_871 : f32 to vector<16xf32>
      %neg3A_873 = arith.subf %neg3A_872, %get3A_849 : vector<16xf32>
      %exp3A_874 = math.exp %neg3A_873 : vector<16xf32>
      %add3A_875 = arith.constant 1.000000e+00 : f32
      %add3A_876 = vector.broadcast %add3A_875 : f32 to vector<16xf32>
      %add3A_877 = arith.addf %add3A_876, %exp3A_874 : vector<16xf32>
      %div3A_878 = arith.constant 1.000000e+00 : f32
      %div3A_879 = vector.broadcast %div3A_878 : f32 to vector<16xf32>
      %div3A_880 = arith.divf %div3A_879, %add3A_877 : vector<16xf32>
      %mul3A_881 = arith.mulf %div3A_880, %select_n3A_870 : vector<16xf32>
      %add3A_882 = arith.addf %add3A_842, %mul3A_881 : vector<16xf32>
      %add3A_883 = arith.addf %add3A_843, %select_n3A_870 : vector<16xf32>
      %get3A_884 = arith.constant 1 : i32
      %get3A_885 = arith.index_cast %get3A_884 : i32 to index
      %get3A_886 = arith.index_cast %scan3A_686 : i32 to index
      %get3A_887 = arith.constant 80 : index
      %get3A_888 = tpu.vector_load %arg6[%get3A_885, %get3A_886, %get3A_887] {strides = array<i32>} : memref<2x128x128xf32, #tpu.memory_space<vmem>>, vector<1x1x16xf32>,
      %get3A_889 = vector.shape_cast %get3A_888 : vector<1x1x16xf32> to vector<16xf32>
      %get3A_890 = arith.constant 1 : i32
      %get3A_891 = arith.index_cast %get3A_890 : i32 to index
      %get3A_892 = arith.index_cast %scan3A_686 : i32 to index
      %get3A_893 = arith.constant 80 : index
      %get3A_894 = tpu.vector_load %arg7[%get3A_891, %get3A_892, %get3A_893] {strides = array<i32>} : memref<2x128x128xf32, #tpu.memory_space<vmem>>, vector<1x1x16xf32>,
      %get3A_895 = vector.shape_cast %get3A_894 : vector<1x1x16xf32> to vector<16xf32>
      %get3A_896 = arith.constant 1 : i32
      %get3A_897 = arith.index_cast %get3A_896 : i32 to index
      %get3A_898 = arith.index_cast %scan3A_686 : i32 to index
      %get3A_899 = arith.constant 80 : index
      %get3A_900 = tpu.vector_load %arg8[%get3A_897, %get3A_898, %get3A_899] {strides = array<i32>} : memref<2x128x128xf32, #tpu.memory_space<vmem>>, vector<1x1x16xf32>,
      %get3A_901 = vector.shape_cast %get3A_900 : vector<1x1x16xf32> to vector<16xf32>
      %min3A_902 = arith.minimumf %get3A_895, %get3A_901 : vector<16xf32>
      %gt3A_903 = arith.constant 5.000000e-01 : f32
      %gt3A_904 = vector.broadcast %gt3A_903 : f32 to vector<16xf32>
      %gt3A_905 = arith.cmpf ogt, %min3A_902, %gt3A_904 : vector<16xf32>
      %jit3A_906 = arith.constant 1.000000e+00 : f32
      %jit3A_907 = arith.constant 0.000000e+00 : f32
      %broadcast_in_dim3A_908 = vector.broadcast %jit3A_906 : f32 to vector<16xf32>
      %broadcast_in_dim3A_909 = vector.broadcast %jit3A_907 : f32 to vector<16xf32>
      %select_n3A_910 = arith.select %gt3A_905, %broadcast_in_dim3A_908, %broadcast_in_dim3A_909 : vector<16xi1>, vector<16xf32>
      %neg3A_911 = arith.constant 0.000000e+00 : f32
      %neg3A_912 = vector.broadcast %neg3A_911 : f32 to vector<16xf32>
      %neg3A_913 = arith.subf %neg3A_912, %get3A_889 : vector<16xf32>
      %exp3A_914 = math.exp %neg3A_913 : vector<16xf32>
      %add3A_915 = arith.constant 1.000000e+00 : f32
      %add3A_916 = vector.broadcast %add3A_915 : f32 to vector<16xf32>
      %add3A_917 = arith.addf %add3A_916, %exp3A_914 : vector<16xf32>
      %div3A_918 = arith.constant 1.000000e+00 : f32
      %div3A_919 = vector.broadcast %div3A_918 : f32 to vector<16xf32>
      %div3A_920 = arith.divf %div3A_919, %add3A_917 : vector<16xf32>
      %mul3A_921 = arith.mulf %div3A_920, %select_n3A_910 : vector<16xf32>
      %add3A_922 = arith.addf %add3A_882, %mul3A_921 : vector<16xf32>
      %add3A_923 = arith.addf %add3A_883, %select_n3A_910 : vector<16xf32>
      %get3A_924 = arith.constant 1 : i32
      %get3A_925 = arith.index_cast %get3A_924 : i32 to index
      %get3A_926 = arith.index_cast %scan3A_686 : i32 to index
      %get3A_927 = arith.constant 96 : index
      %get3A_928 = tpu.vector_load %arg6[%get3A_925, %get3A_926, %get3A_927] {strides = array<i32>} : memref<2x128x128xf32, #tpu.memory_space<vmem>>, vector<1x1x16xf32>,
      %get3A_929 = vector.shape_cast %get3A_928 : vector<1x1x16xf32> to vector<16xf32>
      %get3A_930 = arith.constant 1 : i32
      %get3A_931 = arith.index_cast %get3A_930 : i32 to index
      %get3A_932 = arith.index_cast %scan3A_686 : i32 to index
      %get3A_933 = arith.constant 96 : index
      %get3A_934 = tpu.vector_load %arg7[%get3A_931, %get3A_932, %get3A_933] {strides = array<i32>} : memref<2x128x128xf32, #tpu.memory_space<vmem>>, vector<1x1x16xf32>,
      %get3A_935 = vector.shape_cast %get3A_934 : vector<1x1x16xf32> to vector<16xf32>
      %get3A_936 = arith.constant 1 : i32
      %get3A_937 = arith.index_cast %get3A_936 : i32 to index
      %get3A_938 = arith.index_cast %scan3A_686 : i32 to index
      %get3A_939 = arith.constant 96 : index
      %get3A_940 = tpu.vector_load %arg8[%get3A_937, %get3A_938, %get3A_939] {strides = array<i32>} : memref<2x128x128xf32, #tpu.memory_space<vmem>>, vector<1x1x16xf32>,
      %get3A_941 = vector.shape_cast %get3A_940 : vector<1x1x16xf32> to vector<16xf32>
      %min3A_942 = arith.minimumf %get3A_935, %get3A_941 : vector<16xf32>
      %gt3A_943 = arith.constant 5.000000e-01 : f32
      %gt3A_944 = vector.broadcast %gt3A_943 : f32 to vector<16xf32>
      %gt3A_945 = arith.cmpf ogt, %min3A_942, %gt3A_944 : vector<16xf32>
      %jit3A_946 = arith.constant 1.000000e+00 : f32
      %jit3A_947 = arith.constant 0.000000e+00 : f32
      %broadcast_in_dim3A_948 = vector.broadcast %jit3A_946 : f32 to vector<16xf32>
      %broadcast_in_dim3A_949 = vector.broadcast %jit3A_947 : f32 to vector<16xf32>
      %select_n3A_950 = arith.select %gt3A_945, %broadcast_in_dim3A_948, %broadcast_in_dim3A_949 : vector<16xi1>, vector<16xf32>
      %neg3A_951 = arith.constant 0.000000e+00 : f32
      %neg3A_952 = vector.broadcast %neg3A_951 : f32 to vector<16xf32>
      %neg3A_953 = arith.subf %neg3A_952, %get3A_929 : vector<16xf32>
      %exp3A_954 = math.exp %neg3A_953 : vector<16xf32>
      %add3A_955 = arith.constant 1.000000e+00 : f32
      %add3A_956 = vector.broadcast %add3A_955 : f32 to vector<16xf32>
      %add3A_957 = arith.addf %add3A_956, %exp3A_954 : vector<16xf32>
      %div3A_958 = arith.constant 1.000000e+00 : f32
      %div3A_959 = vector.broadcast %div3A_958 : f32 to vector<16xf32>
      %div3A_960 = arith.divf %div3A_959, %add3A_957 : vector<16xf32>
      %mul3A_961 = arith.mulf %div3A_960, %select_n3A_950 : vector<16xf32>
      %add3A_962 = arith.addf %add3A_922, %mul3A_961 : vector<16xf32>
      %add3A_963 = arith.addf %add3A_923, %select_n3A_950 : vector<16xf32>
      %get3A_964 = arith.constant 1 : i32
      %get3A_965 = arith.index_cast %get3A_964 : i32 to index
      %get3A_966 = arith.index_cast %scan3A_686 : i32 to index
      %get3A_967 = arith.constant 112 : index
      %get3A_968 = tpu.vector_load %arg6[%get3A_965, %get3A_966, %get3A_967] {strides = array<i32>} : memref<2x128x128xf32, #tpu.memory_space<vmem>>, vector<1x1x16xf32>,
      %get3A_969 = vector.shape_cast %get3A_968 : vector<1x1x16xf32> to vector<16xf32>
      %get3A_970 = arith.constant 1 : i32
      %get3A_971 = arith.index_cast %get3A_970 : i32 to index
      %get3A_972 = arith.index_cast %scan3A_686 : i32 to index
      %get3A_973 = arith.constant 112 : index
      %get3A_974 = tpu.vector_load %arg7[%get3A_971, %get3A_972, %get3A_973] {strides = array<i32>} : memref<2x128x128xf32, #tpu.memory_space<vmem>>, vector<1x1x16xf32>,
      %get3A_975 = vector.shape_cast %get3A_974 : vector<1x1x16xf32> to vector<16xf32>
      %get3A_976 = arith.constant 1 : i32
      %get3A_977 = arith.index_cast %get3A_976 : i32 to index
      %get3A_978 = arith.index_cast %scan3A_686 : i32 to index
      %get3A_979 = arith.constant 112 : index
      %get3A_980 = tpu.vector_load %arg8[%get3A_977, %get3A_978, %get3A_979] {strides = array<i32>} : memref<2x128x128xf32, #tpu.memory_space<vmem>>, vector<1x1x16xf32>,
      %get3A_981 = vector.shape_cast %get3A_980 : vector<1x1x16xf32> to vector<16xf32>
      %min3A_982 = arith.minimumf %get3A_975, %get3A_981 : vector<16xf32>
      %gt3A_983 = arith.constant 5.000000e-01 : f32
      %gt3A_984 = vector.broadcast %gt3A_983 : f32 to vector<16xf32>
      %gt3A_985 = arith.cmpf ogt, %min3A_982, %gt3A_984 : vector<16xf32>
      %jit3A_986 = arith.constant 1.000000e+00 : f32
      %jit3A_987 = arith.constant 0.000000e+00 : f32
      %broadcast_in_dim3A_988 = vector.broadcast %jit3A_986 : f32 to vector<16xf32>
      %broadcast_in_dim3A_989 = vector.broadcast %jit3A_987 : f32 to vector<16xf32>
      %select_n3A_990 = arith.select %gt3A_985, %broadcast_in_dim3A_988, %broadcast_in_dim3A_989 : vector<16xi1>, vector<16xf32>
      %neg3A_991 = arith.constant 0.000000e+00 : f32
      %neg3A_992 = vector.broadcast %neg3A_991 : f32 to vector<16xf32>
      %neg3A_993 = arith.subf %neg3A_992, %get3A_969 : vector<16xf32>
      %exp3A_994 = math.exp %neg3A_993 : vector<16xf32>
      %add3A_995 = arith.constant 1.000000e+00 : f32
      %add3A_996 = vector.broadcast %add3A_995 : f32 to vector<16xf32>
      %add3A_997 = arith.addf %add3A_996, %exp3A_994 : vector<16xf32>
      %div3A_998 = arith.constant 1.000000e+00 : f32
      %div3A_999 = vector.broadcast %div3A_998 : f32 to vector<16xf32>
      %div3A_1000 = arith.divf %div3A_999, %add3A_997 : vector<16xf32>
      %mul3A_1001 = arith.mulf %div3A_1000, %select_n3A_990 : vector<16xf32>
      %add3A_1002 = arith.addf %add3A_962, %mul3A_1001 : vector<16xf32>
      %add3A_1003 = arith.addf %add3A_963, %select_n3A_990 : vector<16xf32>
      scf.yield %add3A_1002, %add3A_1003 : vector<16xf32>, vector<16xf32>
    }
    %scan3A_674 = arith.constant 128 : i32
    %swap3A = arith.constant 0 : i32
    %swap3A_675 = arith.index_cast %swap3A : i32 to index
    %swap3A_676 = arith.constant 0 : index
    %swap3A_677 = tpu.vector_load %arg9[%swap3A_675, %swap3A_676] {strides = array<i32>} : memref<2x16xf32, #tpu.memory_space<vmem>>, vector<1x16xf32>,
    %swap3A_678 = vector.shape_cast %swap3A_677 : vector<1x16xf32> to vector<16xf32>
    %swap3A_679 = vector.shape_cast %scan3A_673#0 : vector<16xf32> to vector<1x16xf32>
    tpu.vector_store %arg9[%swap3A_675, %swap3A_676], %swap3A_679 {strides = array<i32>} : memref<2x16xf32, #tpu.memory_space<vmem>>, vector<1x16xf32>,
    %swap3A_680 = arith.constant 1 : i32
    %swap3A_681 = arith.index_cast %swap3A_680 : i32 to index
    %swap3A_682 = arith.constant 0 : index
    %swap3A_683 = tpu.vector_load %arg9[%swap3A_681, %swap3A_682] {strides = array<i32>} : memref<2x16xf32, #tpu.memory_space<vmem>>, vector<1x16xf32>,
    %swap3A_684 = vector.shape_cast %swap3A_683 : vector<1x16xf32> to vector<16xf32>
    %swap3A_685 = vector.shape_cast %scan3A_673#1 : vector<16xf32> to vector<1x16xf32>
    tpu.vector_store %arg9[%swap3A_681, %swap3A_682], %swap3A_685 {strides = array<i32>} : memref<2x16xf32, #tpu.memory_space<vmem>>, vector<1x16xf32>,
    "tpu.region"() ({
      %run_scoped3A = tpu.sem_alloc : memref<!tpu.dma_semaphore, #tpu.memory_space<semaphore_mem>>
      %dma_start3A_686 = arith.constant 0 : i32
      %dma_start3A_687 = arith.constant 0 : i32
      %dma_start3A_688 = tpu.memref_slice %arg5[%select_n3A_34, %select_n3A, %dma_start3A_686, %dma_start3A_687] : memref<8x4x2x16xf32, #tpu.memory_space<hbm>> -> memref<1x1x2x16xf32, #tpu.memory_space<hbm>>
      %dma_start3A_689 = tpu.memref_squeeze %dma_start3A_688 : memref<1x1x2x16xf32, #tpu.memory_space<hbm>> -> memref<2x16xf32, #tpu.memory_space<hbm>>
      %dma_start3A_690 = arith.constant 0 : i32
      %dma_start3A_691 = arith.constant 0 : i32
      %dma_start3A_692 = tpu.memref_slice %arg5[%select_n3A_34, %select_n3A, %dma_start3A_690, %dma_start3A_691] : memref<8x4x2x16xf32, #tpu.memory_space<hbm>> -> memref<1x1x2x16xf32, #tpu.memory_space<hbm>>
      %dma_start3A_693 = tpu.memref_squeeze %dma_start3A_692 : memref<1x1x2x16xf32, #tpu.memory_space<hbm>> -> memref<2x16xf32, #tpu.memory_space<hbm>>
      tpu.enqueue_dma source(%arg9 : memref<2x16xf32, #tpu.memory_space<vmem>>) target(%dma_start3A_693 : memref<2x16xf32, #tpu.memory_space<hbm>>) target_semaphore(%run_scoped3A : memref<!tpu.dma_semaphore, #tpu.memory_space<semaphore_mem>>)
      %dma_wait3A_694 = arith.constant 0 : i32
      %dma_wait3A_695 = arith.constant 0 : i32
      %dma_wait3A_696 = tpu.memref_slice %arg5[%select_n3A_34, %select_n3A, %dma_wait3A_694, %dma_wait3A_695] : memref<8x4x2x16xf32, #tpu.memory_space<hbm>> -> memref<1x1x2x16xf32, #tpu.memory_space<hbm>>
      %dma_wait3A_697 = tpu.memref_squeeze %dma_wait3A_696 : memref<1x1x2x16xf32, #tpu.memory_space<hbm>> -> memref<2x16xf32, #tpu.memory_space<hbm>>
      %dma_wait3A_698 = arith.constant 0 : i32
      %dma_wait3A_699 = arith.constant 0 : i32
      %dma_wait3A_700 = tpu.memref_slice %arg5[%select_n3A_34, %select_n3A, %dma_wait3A_698, %dma_wait3A_699] : memref<8x4x2x16xf32, #tpu.memory_space<hbm>> -> memref<1x1x2x16xf32, #tpu.memory_space<hbm>>
      %dma_wait3A_701 = tpu.memref_squeeze %dma_wait3A_700 : memref<1x1x2x16xf32, #tpu.memory_space<hbm>> -> memref<2x16xf32, #tpu.memory_space<hbm>>
      tpu.wait_dma2 semaphore(%run_scoped3A : memref<!tpu.dma_semaphore, #tpu.memory_space<semaphore_mem>>) src(%arg9 : memref<2x16xf32, #tpu.memory_space<vmem>>) dst(%dma_wait3A_701 : memref<2x16xf32, #tpu.memory_space<hbm>>)
      tpu.yield
    }) : () -> ()
    return
  }
}

module attributes {stable_mosaic.version = 14 : i64} {
  func.func @_tc_body(%arg0: i32, %arg1: memref<16xf32, #tpu.memory_space<smem>>, %arg2: memref<4x512x512xf32, #tpu.memory_space<vmem>>, %arg3: memref<4x512x512xf32, #tpu.memory_space<vmem>>, %arg4: memref<4x512x512xf32, #tpu.memory_space<vmem>>, %arg5: memref<1x1xf32, #tpu.memory_space<vmem>>) attributes {dimension_semantics = [#tpu.dimension_semantics<arbitrary>], iteration_bounds = array<i64: 3>, scalar_prefetch = 0 : i64, scratch_operands = 0 : i64, tpu.core_type = #tpu.core_type<tc>, window_params = [{transform_indices = @transform_0, window_bounds = array<i64: 16>}, {transform_indices = @transform_1, window_bounds = array<i64: 4, 512, 512>}, {transform_indices = @transform_2, window_bounds = array<i64: 4, 512, 512>}, {transform_indices = @transform_3, window_bounds = array<i64: 4, 512, 512>}, {pipeline_mode = #tpu.pipeline_mode<synchronous>, transform_indices = @transform_4, window_bounds = array<i64: 1, 1>}]} {
    %get3A = arith.constant 0 : index
    %get3A_0 = arith.constant 0 : index
    %get3A_1 = arith.constant 0 : index
    %get3A_2 = vector.load %arg3[%get3A, %get3A_0, %get3A_1] : memref<4x512x512xf32, #tpu.memory_space<vmem>>, vector<4x512x512xf32>
    %gt3A = arith.constant 5.000000e-01 : f32
    %gt3A_3 = vector.broadcast %gt3A : f32 to vector<4x512x512xf32>
    %gt3A_4 = arith.cmpf ogt, %get3A_2, %gt3A_3 : vector<4x512x512xf32>
    %get3A_5 = arith.constant 0 : index
    %get3A_6 = arith.constant 0 : index
    %get3A_7 = arith.constant 0 : index
    %get3A_8 = vector.load %arg4[%get3A_5, %get3A_6, %get3A_7] : memref<4x512x512xf32, #tpu.memory_space<vmem>>, vector<4x512x512xf32>
    %gt3A_9 = arith.constant 5.000000e-01 : f32
    %gt3A_10 = vector.broadcast %gt3A_9 : f32 to vector<4x512x512xf32>
    %gt3A_11 = arith.cmpf ogt, %get3A_8, %gt3A_10 : vector<4x512x512xf32>
    %and3A = arith.andi %gt3A_4, %gt3A_11 : vector<4x512x512xi1>
    %convert_element_type3A = arith.extui %and3A : vector<4x512x512xi1> to vector<4x512x512xi32>
    %convert_element_type3A_12 = arith.sitofp %convert_element_type3A : vector<4x512x512xi32> to vector<4x512x512xf32>
    %get3A_13 = arith.constant 0 : index
    %get3A_14 = arith.constant 0 : index
    %get3A_15 = arith.constant 0 : index
    %get3A_16 = vector.load %arg2[%get3A_13, %get3A_14, %get3A_15] : memref<4x512x512xf32, #tpu.memory_space<vmem>>, vector<4x512x512xf32>
    %logistic3A = arith.negf %get3A_16 : vector<4x512x512xf32>
    %logistic3A_17 = math.exp %logistic3A : vector<4x512x512xf32>
    %logistic3A_18 = arith.constant 1.000000e+00 : f32
    %logistic3A_19 = vector.broadcast %logistic3A_18 : f32 to vector<4x512x512xf32>
    %logistic3A_20 = arith.addf %logistic3A_19, %logistic3A_17 : vector<4x512x512xf32>
    %logistic3A_21 = arith.divf %logistic3A_19, %logistic3A_20 : vector<4x512x512xf32>
    %mul3A = arith.mulf %logistic3A_21, %convert_element_type3A_12 : vector<4x512x512xf32>
    %slice3A = vector.extract_strided_slice %mul3A {offsets = [0, 0, 0], sizes = [1, 512, 512], strides = [1, 1, 1]} : vector<4x512x512xf32> to vector<1x512x512xf32>
    %squeeze3A = vector.shape_cast %slice3A : vector<1x512x512xf32> to vector<512x512xf32>
    %reduce_sum3A = vector.shape_cast %squeeze3A : vector<512x512xf32> to vector<1x512x512xf32>
    %reduce_sum3A_22 = arith.constant dense<0.000000e+00> : vector<1xf32>
    %reduce_sum3A_23 = vector.multi_reduction <add>, %reduce_sum3A, %reduce_sum3A_22 [1, 2] : vector<1x512x512xf32> to vector<1xf32>
    %reduce_sum3A_24 = vector.shape_cast %reduce_sum3A_23 : vector<1xf32> to vector<1x1x1xf32>
    %reduce_sum3A_25 = vector.extract %reduce_sum3A_24[0, 0, 0] : f32 from vector<1x1x1xf32>
    %slice3A_26 = vector.extract_strided_slice %convert_element_type3A_12 {offsets = [0, 0, 0], sizes = [1, 512, 512], strides = [1, 1, 1]} : vector<4x512x512xf32> to vector<1x512x512xf32>
    %squeeze3A_27 = vector.shape_cast %slice3A_26 : vector<1x512x512xf32> to vector<512x512xf32>
    %reduce_sum3A_28 = vector.shape_cast %squeeze3A_27 : vector<512x512xf32> to vector<1x512x512xf32>
    %reduce_sum3A_29 = arith.constant dense<0.000000e+00> : vector<1xf32>
    %reduce_sum3A_30 = vector.multi_reduction <add>, %reduce_sum3A_28, %reduce_sum3A_29 [1, 2] : vector<1x512x512xf32> to vector<1xf32>
    %reduce_sum3A_31 = vector.shape_cast %reduce_sum3A_30 : vector<1xf32> to vector<1x1x1xf32>
    %reduce_sum3A_32 = vector.extract %reduce_sum3A_31[0, 0, 0] : f32 from vector<1x1x1xf32>
    %div3A = arith.divf %reduce_sum3A_25, %reduce_sum3A_32 : f32
    %mul3A_33 = arith.constant 4 : i32
    %mul3A_34 = arith.muli %arg0, %mul3A_33 : i32
    %add3A = arith.constant 0 : i32
    %add3A_35 = arith.addi %mul3A_34, %add3A : i32
    %get3A_36 = arith.index_cast %add3A_35 : i32 to index
    %get3A_37 = memref.load %arg1[%get3A_36] : memref<16xf32, #tpu.memory_space<smem>>
    %neg3A = arith.constant 0.000000e+00 : f32
    %neg3A_38 = arith.subf %neg3A, %get3A_37 : f32
    %log3A = math.log %div3A : f32
    %mul3A_39 = arith.mulf %neg3A_38, %log3A : f32
    %sub3A = arith.constant 1.000000e+00 : f32
    %sub3A_40 = arith.subf %sub3A, %get3A_37 : f32
    %sub3A_41 = arith.constant 1.000000e+00 : f32
    %sub3A_42 = arith.subf %sub3A_41, %div3A : f32
    %log3A_43 = math.log %sub3A_42 : f32
    %mul3A_44 = arith.mulf %sub3A_40, %log3A_43 : f32
    %sub3A_45 = arith.subf %mul3A_39, %mul3A_44 : f32
    %add3A_46 = arith.constant 0.000000e+00 : f32
    %add3A_47 = arith.addf %add3A_46, %sub3A_45 : f32
    %slice3A_48 = vector.extract_strided_slice %mul3A {offsets = [1, 0, 0], sizes = [1, 512, 512], strides = [1, 1, 1]} : vector<4x512x512xf32> to vector<1x512x512xf32>
    %squeeze3A_49 = vector.shape_cast %slice3A_48 : vector<1x512x512xf32> to vector<512x512xf32>
    %reduce_sum3A_50 = vector.shape_cast %squeeze3A_49 : vector<512x512xf32> to vector<1x512x512xf32>
    %reduce_sum3A_51 = arith.constant dense<0.000000e+00> : vector<1xf32>
    %reduce_sum3A_52 = vector.multi_reduction <add>, %reduce_sum3A_50, %reduce_sum3A_51 [1, 2] : vector<1x512x512xf32> to vector<1xf32>
    %reduce_sum3A_53 = vector.shape_cast %reduce_sum3A_52 : vector<1xf32> to vector<1x1x1xf32>
    %reduce_sum3A_54 = vector.extract %reduce_sum3A_53[0, 0, 0] : f32 from vector<1x1x1xf32>
    %slice3A_55 = vector.extract_strided_slice %convert_element_type3A_12 {offsets = [1, 0, 0], sizes = [1, 512, 512], strides = [1, 1, 1]} : vector<4x512x512xf32> to vector<1x512x512xf32>
    %squeeze3A_56 = vector.shape_cast %slice3A_55 : vector<1x512x512xf32> to vector<512x512xf32>
    %reduce_sum3A_57 = vector.shape_cast %squeeze3A_56 : vector<512x512xf32> to vector<1x512x512xf32>
    %reduce_sum3A_58 = arith.constant dense<0.000000e+00> : vector<1xf32>
    %reduce_sum3A_59 = vector.multi_reduction <add>, %reduce_sum3A_57, %reduce_sum3A_58 [1, 2] : vector<1x512x512xf32> to vector<1xf32>
    %reduce_sum3A_60 = vector.shape_cast %reduce_sum3A_59 : vector<1xf32> to vector<1x1x1xf32>
    %reduce_sum3A_61 = vector.extract %reduce_sum3A_60[0, 0, 0] : f32 from vector<1x1x1xf32>
    %div3A_62 = arith.divf %reduce_sum3A_54, %reduce_sum3A_61 : f32
    %mul3A_63 = arith.constant 4 : i32
    %mul3A_64 = arith.muli %arg0, %mul3A_63 : i32
    %add3A_65 = arith.constant 1 : i32
    %add3A_66 = arith.addi %mul3A_64, %add3A_65 : i32
    %get3A_67 = arith.index_cast %add3A_66 : i32 to index
    %get3A_68 = memref.load %arg1[%get3A_67] : memref<16xf32, #tpu.memory_space<smem>>
    %neg3A_69 = arith.constant 0.000000e+00 : f32
    %neg3A_70 = arith.subf %neg3A_69, %get3A_68 : f32
    %log3A_71 = math.log %div3A_62 : f32
    %mul3A_72 = arith.mulf %neg3A_70, %log3A_71 : f32
    %sub3A_73 = arith.constant 1.000000e+00 : f32
    %sub3A_74 = arith.subf %sub3A_73, %get3A_68 : f32
    %sub3A_75 = arith.constant 1.000000e+00 : f32
    %sub3A_76 = arith.subf %sub3A_75, %div3A_62 : f32
    %log3A_77 = math.log %sub3A_76 : f32
    %mul3A_78 = arith.mulf %sub3A_74, %log3A_77 : f32
    %sub3A_79 = arith.subf %mul3A_72, %mul3A_78 : f32
    %add3A_80 = arith.addf %add3A_47, %sub3A_79 : f32
    %slice3A_81 = vector.extract_strided_slice %mul3A {offsets = [2, 0, 0], sizes = [1, 512, 512], strides = [1, 1, 1]} : vector<4x512x512xf32> to vector<1x512x512xf32>
    %squeeze3A_82 = vector.shape_cast %slice3A_81 : vector<1x512x512xf32> to vector<512x512xf32>
    %reduce_sum3A_83 = vector.shape_cast %squeeze3A_82 : vector<512x512xf32> to vector<1x512x512xf32>
    %reduce_sum3A_84 = arith.constant dense<0.000000e+00> : vector<1xf32>
    %reduce_sum3A_85 = vector.multi_reduction <add>, %reduce_sum3A_83, %reduce_sum3A_84 [1, 2] : vector<1x512x512xf32> to vector<1xf32>
    %reduce_sum3A_86 = vector.shape_cast %reduce_sum3A_85 : vector<1xf32> to vector<1x1x1xf32>
    %reduce_sum3A_87 = vector.extract %reduce_sum3A_86[0, 0, 0] : f32 from vector<1x1x1xf32>
    %slice3A_88 = vector.extract_strided_slice %convert_element_type3A_12 {offsets = [2, 0, 0], sizes = [1, 512, 512], strides = [1, 1, 1]} : vector<4x512x512xf32> to vector<1x512x512xf32>
    %squeeze3A_89 = vector.shape_cast %slice3A_88 : vector<1x512x512xf32> to vector<512x512xf32>
    %reduce_sum3A_90 = vector.shape_cast %squeeze3A_89 : vector<512x512xf32> to vector<1x512x512xf32>
    %reduce_sum3A_91 = arith.constant dense<0.000000e+00> : vector<1xf32>
    %reduce_sum3A_92 = vector.multi_reduction <add>, %reduce_sum3A_90, %reduce_sum3A_91 [1, 2] : vector<1x512x512xf32> to vector<1xf32>
    %reduce_sum3A_93 = vector.shape_cast %reduce_sum3A_92 : vector<1xf32> to vector<1x1x1xf32>
    %reduce_sum3A_94 = vector.extract %reduce_sum3A_93[0, 0, 0] : f32 from vector<1x1x1xf32>
    %div3A_95 = arith.divf %reduce_sum3A_87, %reduce_sum3A_94 : f32
    %mul3A_96 = arith.constant 4 : i32
    %mul3A_97 = arith.muli %arg0, %mul3A_96 : i32
    %add3A_98 = arith.constant 2 : i32
    %add3A_99 = arith.addi %mul3A_97, %add3A_98 : i32
    %get3A_100 = arith.index_cast %add3A_99 : i32 to index
    %get3A_101 = memref.load %arg1[%get3A_100] : memref<16xf32, #tpu.memory_space<smem>>
    %neg3A_102 = arith.constant 0.000000e+00 : f32
    %neg3A_103 = arith.subf %neg3A_102, %get3A_101 : f32
    %log3A_104 = math.log %div3A_95 : f32
    %mul3A_105 = arith.mulf %neg3A_103, %log3A_104 : f32
    %sub3A_106 = arith.constant 1.000000e+00 : f32
    %sub3A_107 = arith.subf %sub3A_106, %get3A_101 : f32
    %sub3A_108 = arith.constant 1.000000e+00 : f32
    %sub3A_109 = arith.subf %sub3A_108, %div3A_95 : f32
    %log3A_110 = math.log %sub3A_109 : f32
    %mul3A_111 = arith.mulf %sub3A_107, %log3A_110 : f32
    %sub3A_112 = arith.subf %mul3A_105, %mul3A_111 : f32
    %add3A_113 = arith.addf %add3A_80, %sub3A_112 : f32
    %slice3A_114 = vector.extract_strided_slice %mul3A {offsets = [3, 0, 0], sizes = [1, 512, 512], strides = [1, 1, 1]} : vector<4x512x512xf32> to vector<1x512x512xf32>
    %squeeze3A_115 = vector.shape_cast %slice3A_114 : vector<1x512x512xf32> to vector<512x512xf32>
    %reduce_sum3A_116 = vector.shape_cast %squeeze3A_115 : vector<512x512xf32> to vector<1x512x512xf32>
    %reduce_sum3A_117 = arith.constant dense<0.000000e+00> : vector<1xf32>
    %reduce_sum3A_118 = vector.multi_reduction <add>, %reduce_sum3A_116, %reduce_sum3A_117 [1, 2] : vector<1x512x512xf32> to vector<1xf32>
    %reduce_sum3A_119 = vector.shape_cast %reduce_sum3A_118 : vector<1xf32> to vector<1x1x1xf32>
    %reduce_sum3A_120 = vector.extract %reduce_sum3A_119[0, 0, 0] : f32 from vector<1x1x1xf32>
    %slice3A_121 = vector.extract_strided_slice %convert_element_type3A_12 {offsets = [3, 0, 0], sizes = [1, 512, 512], strides = [1, 1, 1]} : vector<4x512x512xf32> to vector<1x512x512xf32>
    %squeeze3A_122 = vector.shape_cast %slice3A_121 : vector<1x512x512xf32> to vector<512x512xf32>
    %reduce_sum3A_123 = vector.shape_cast %squeeze3A_122 : vector<512x512xf32> to vector<1x512x512xf32>
    %reduce_sum3A_124 = arith.constant dense<0.000000e+00> : vector<1xf32>
    %reduce_sum3A_125 = vector.multi_reduction <add>, %reduce_sum3A_123, %reduce_sum3A_124 [1, 2] : vector<1x512x512xf32> to vector<1xf32>
    %reduce_sum3A_126 = vector.shape_cast %reduce_sum3A_125 : vector<1xf32> to vector<1x1x1xf32>
    %reduce_sum3A_127 = vector.extract %reduce_sum3A_126[0, 0, 0] : f32 from vector<1x1x1xf32>
    %div3A_128 = arith.divf %reduce_sum3A_120, %reduce_sum3A_127 : f32
    %mul3A_129 = arith.constant 4 : i32
    %mul3A_130 = arith.muli %arg0, %mul3A_129 : i32
    %add3A_131 = arith.constant 3 : i32
    %add3A_132 = arith.addi %mul3A_130, %add3A_131 : i32
    %get3A_133 = arith.index_cast %add3A_132 : i32 to index
    %get3A_134 = memref.load %arg1[%get3A_133] : memref<16xf32, #tpu.memory_space<smem>>
    %neg3A_135 = arith.constant 0.000000e+00 : f32
    %neg3A_136 = arith.subf %neg3A_135, %get3A_134 : f32
    %log3A_137 = math.log %div3A_128 : f32
    %mul3A_138 = arith.mulf %neg3A_136, %log3A_137 : f32
    %sub3A_139 = arith.constant 1.000000e+00 : f32
    %sub3A_140 = arith.subf %sub3A_139, %get3A_134 : f32
    %sub3A_141 = arith.constant 1.000000e+00 : f32
    %sub3A_142 = arith.subf %sub3A_141, %div3A_128 : f32
    %log3A_143 = math.log %sub3A_142 : f32
    %mul3A_144 = arith.mulf %sub3A_140, %log3A_143 : f32
    %sub3A_145 = arith.subf %mul3A_138, %mul3A_144 : f32
    %add3A_146 = arith.addf %add3A_113, %sub3A_145 : f32
    %eq3A = arith.constant 0 : i32
    %eq3A_147 = arith.cmpi eq, %arg0, %eq3A : i32
    %convert_element_type3A_148 = arith.extui %eq3A_147 : i1 to i32
    %cond3A = arith.constant 0 : i32
    %cond3A_149 = arith.cmpi ne, %convert_element_type3A_148, %cond3A : i32
    scf.if %cond3A_149 {
      %broadcast_in_dim3A = arith.constant 0.000000e+00 : f32
      %broadcast_in_dim3A_157 = vector.broadcast %broadcast_in_dim3A : f32 to vector<1x1xf32>
      %swap3A_158 = arith.constant 0 : index
      %swap3A_159 = arith.constant 0 : index
      %swap3A_160 = vector.load %arg5[%swap3A_158, %swap3A_159] : memref<1x1xf32, #tpu.memory_space<vmem>>, vector<1x1xf32>
      tpu.vector_store %arg5[%swap3A_158, %swap3A_159], %broadcast_in_dim3A_157 {strides = array<i32>} : memref<1x1xf32, #tpu.memory_space<vmem>>, vector<1x1xf32>,
    } else {
    }
    %get3A_150 = arith.constant 0 : index
    %get3A_151 = arith.constant 0 : index
    %get3A_152 = vector.load %arg5[%get3A_150, %get3A_151] : memref<1x1xf32, #tpu.memory_space<vmem>>, vector<1x1xf32>
    %add3A_153 = vector.broadcast %add3A_146 : f32 to vector<1x1xf32>
    %add3A_154 = arith.addf %get3A_152, %add3A_153 : vector<1x1xf32>
    %swap3A = arith.constant 0 : index
    %swap3A_155 = arith.constant 0 : index
    %swap3A_156 = vector.load %arg5[%swap3A, %swap3A_155] : memref<1x1xf32, #tpu.memory_space<vmem>>, vector<1x1xf32>
    tpu.vector_store %arg5[%swap3A, %swap3A_155], %add3A_154 {strides = array<i32>} : memref<1x1xf32, #tpu.memory_space<vmem>>, vector<1x1xf32>,
    return
  }
  func.func @transform_0(%arg0: i32) -> i32 {
    %c0_i32 = arith.constant 0 : i32
    %c0_i32_0 = arith.constant 0 : i32
    return %c0_i32 : i32
  }
  func.func @transform_1(%arg0: i32) -> (i32, i32, i32) {
    %c0_i32 = arith.constant 0 : i32
    %c0_i32_0 = arith.constant 0 : i32
    %c0_i32_1 = arith.constant 0 : i32
    return %arg0, %c0_i32, %c0_i32_0 : i32, i32, i32
  }
  func.func @transform_2(%arg0: i32) -> (i32, i32, i32) {
    %c0_i32 = arith.constant 0 : i32
    %c0_i32_0 = arith.constant 0 : i32
    %c0_i32_1 = arith.constant 0 : i32
    return %arg0, %c0_i32, %c0_i32_0 : i32, i32, i32
  }
  func.func @transform_3(%arg0: i32) -> (i32, i32, i32) {
    %c0_i32 = arith.constant 0 : i32
    %c0_i32_0 = arith.constant 0 : i32
    %c0_i32_1 = arith.constant 0 : i32
    return %arg0, %c0_i32, %c0_i32_0 : i32, i32, i32
  }
  func.func @transform_4(%arg0: i32) -> (i32, i32) {
    %c0_i32 = arith.constant 0 : i32
    %c0_i32_0 = arith.constant 0 : i32
    %c0_i32_1 = arith.constant 0 : i32
    return %c0_i32, %c0_i32_0 : i32, i32
  }
}

module attributes {stable_mosaic.version = 14 : i64} {
  func.func @_combine_body(%arg0: memref<4x1xf32, #tpu.memory_space<vmem>>, %arg1: memref<1x1xf32, #tpu.memory_space<vmem>>, %arg2: memref<8x4x2x16xf32, #tpu.memory_space<vmem>>, %arg3: memref<1x1xf32, #tpu.memory_space<vmem>>) attributes {dimension_semantics = [], scalar_prefetch = 0 : i64, scratch_operands = 0 : i64, tpu.core_type = #tpu.core_type<tc>} {
    %get3A = arith.constant 0 : index
    %get3A_0 = arith.constant 0 : index
    %get3A_1 = arith.constant 0 : index
    %get3A_2 = arith.constant 0 : index
    %get3A_3 = vector.load %arg2[%get3A, %get3A_0, %get3A_1, %get3A_2] : memref<8x4x2x16xf32, #tpu.memory_space<vmem>>, vector<8x4x2x16xf32>
    %reduce_sum3A = arith.constant dense<0.000000e+00> : vector<4x2x16xf32>
    %reduce_sum3A_4 = vector.multi_reduction <add>, %get3A_3, %reduce_sum3A [0] : vector<8x4x2x16xf32> to vector<4x2x16xf32>
    %reduce_sum3A_5 = arith.constant dense<0.000000e+00> : vector<4x2xf32>
    %reduce_sum3A_6 = vector.multi_reduction <add>, %reduce_sum3A_4, %reduce_sum3A_5 [2] : vector<4x2x16xf32> to vector<4x2xf32>
    %slice3A = vector.extract_strided_slice %reduce_sum3A_6 {offsets = [0, 0], sizes = [4, 1], strides = [1, 1]} : vector<4x2xf32> to vector<4x1xf32>
    %slice3A_7 = vector.extract_strided_slice %reduce_sum3A_6 {offsets = [0, 1], sizes = [4, 1], strides = [1, 1]} : vector<4x2xf32> to vector<4x1xf32>
    %div3A = arith.divf %slice3A, %slice3A_7 : vector<4x1xf32>
    %get3A_8 = arith.constant 0 : index
    %get3A_9 = arith.constant 0 : index
    %get3A_10 = vector.load %arg0[%get3A_8, %get3A_9] : memref<4x1xf32, #tpu.memory_space<vmem>>, vector<4x1xf32>
    %neg3A = arith.constant 0.000000e+00 : f32
    %neg3A_11 = vector.broadcast %neg3A : f32 to vector<4x1xf32>
    %neg3A_12 = arith.subf %neg3A_11, %get3A_10 : vector<4x1xf32>
    %log3A = math.log %div3A : vector<4x1xf32>
    %mul3A = arith.mulf %neg3A_12, %log3A : vector<4x1xf32>
    %sub3A = arith.constant 1.000000e+00 : f32
    %sub3A_13 = vector.broadcast %sub3A : f32 to vector<4x1xf32>
    %sub3A_14 = arith.subf %sub3A_13, %get3A_10 : vector<4x1xf32>
    %sub3A_15 = arith.constant 1.000000e+00 : f32
    %sub3A_16 = vector.broadcast %sub3A_15 : f32 to vector<4x1xf32>
    %sub3A_17 = arith.subf %sub3A_16, %div3A : vector<4x1xf32>
    %log3A_18 = math.log %sub3A_17 : vector<4x1xf32>
    %mul3A_19 = arith.mulf %sub3A_14, %log3A_18 : vector<4x1xf32>
    %sub3A_20 = arith.subf %mul3A, %mul3A_19 : vector<4x1xf32>
    %get3A_21 = arith.constant 0 : index
    %get3A_22 = arith.constant 0 : index
    %get3A_23 = vector.load %arg1[%get3A_21, %get3A_22] : memref<1x1xf32, #tpu.memory_space<vmem>>, vector<1x1xf32>
    %reduce_sum3A_24 = vector.shape_cast %sub3A_20 : vector<4x1xf32> to vector<1x4x1xf32>
    %reduce_sum3A_25 = arith.constant dense<0.000000e+00> : vector<1xf32>
    %reduce_sum3A_26 = vector.multi_reduction <add>, %reduce_sum3A_24, %reduce_sum3A_25 [1, 2] : vector<1x4x1xf32> to vector<1xf32>
    %reduce_sum3A_27 = vector.shape_cast %reduce_sum3A_26 : vector<1xf32> to vector<1x1x1xf32>
    %reduce_sum3A_28 = vector.extract %reduce_sum3A_27[0, 0, 0] : f32 from vector<1x1x1xf32>
    %reshape3A = vector.broadcast %reduce_sum3A_28 : f32 to vector<1x1xf32>
    %add3A = arith.addf %get3A_23, %reshape3A : vector<1x1xf32>
    %swap3A = arith.constant 0 : index
    %swap3A_29 = arith.constant 0 : index
    %swap3A_30 = vector.load %arg3[%swap3A, %swap3A_29] : memref<1x1xf32, #tpu.memory_space<vmem>>, vector<1x1xf32>
    tpu.vector_store %arg3[%swap3A, %swap3A_29], %add3A {strides = array<i32>} : memref<1x1xf32, #tpu.memory_space<vmem>>, vector<1x1xf32>,
    return
  }
}

</mosaic_0001>

<sc_bundles>
// kernel: kernel.5.cloned.1.call-start
scs
__scs_entry_jumppad:
0x0: {  	(pc) =	sbr.rel $0x88, $3  }
0x1: {  	(tag) =	ssettag $0x0;
	lr =	simm.s32 $0x1  }
0x2: {  	[smem:$0x3F9D] =	sst lr;
	_ =	strace $0xD0000000  }
0x3: {  	_ = 	snop  }
0x4: {  	_ = 	snop  }
0x5: {  	_ = 	snop  }
0x6: {  	_ = 	snop  }
0x7: {  	_ = 	snop  }
__scs_overlays_trampoline_lowered:
0x8: {  	[smem:$0x3FAC] =	sst s0  }
0x9: {  	[smem:$0x3FAD] =	sst s1  }
0xa: {  	[smem:$0x3FAE] =	sst s2  }
0xb: {  	[smem:$0x3FAF] =	sst s3  }
0xc: {  	[smem:$0x3FB0] =	sst s4  }
0xd: {  	[smem:$0x3FB1] =	sst s5  }
0xe: {  	[smem:$0x3FB2] =	sst s6  }
0xf: {  	[smem:$0x3FB3] =	sst s7  }
0x10: {  	[smem:$0x3FB4] =	sst s8  }
0x11: {  	[smem:$0x3FB5] =	sst s9;
	s0 =	simm.s32 @!p0 $0x0  }
0x12: {  	s1 =	sld [smem:$0x3F9B];
	s0 =	simm.s32 @p0 $0x1  }
0x13: {  	[smem:$0x3FB6] =	sst s0;
	s0 =	simm.s32 @!p1 $0x0  }
0x14: {  	s2 =	sld [smem:$0x3F9A];
	s0 =	simm.s32 @p1 $0x1  }
0x15: {  	[smem:$0x3FB7] =	sst s0;
	s0 =	simm.s32 @!p2 $0x0  }
0x16: {  	s3 =	sld [smem:$0x3FDB];
	s0 =	simm.s32 @p2 $0x1  }
0x17: {  	s4 =	simm.s32 $0x1BF5;
	[smem:$0x3FB9] =	sst s0  }
0x18: {  	s0 =	sld [smem:$0x3F9C];
	_ =	swait.ge [sflag:s4], $0x0  }
0x19: {  	s7 =	sld [smem:$0x3F9D]  }
0x1a: {  	s8 =	sadd.s32 $0xFFFFE003, lr  }
0x1b: {  	s9 =	sadd.s32 $0xFFFFFEF7, lr;
	s5 =	simm.s32 $0xFFFFFFFF;
	p2 =	slt.u32 s8, $0xFFFFF086  }
0x1c: {  	p1 =	slt.u32 s9, $0xF7A;
	s5 =	simm.s32 @!p2 $0x0  }
0x1d: {  	s5 =	simm.s32 @p1 $0x1;
	p0 =	seq.s32 s7, s2  }
0x1e: {  	s7 =	smul.u32 @!p0 $0xF7A, s2;
	p2 =	seq.s32 @!p0 s5, $0x0  }
0x1f: {  	s9 =	smul.u32 $0xF7A, s1;
	s8 =	simm.s32 @!p0 $0x1BF5;
	p2 =	por !p2, p0  }
0x20: {  	[sflag:s8] =	ssyncset.s32 @!p0 $0xFFFFF086;
	s6 =	sadd.s32 @!p0 s3, s7;
	s7 =	simm.s32 @!p0 $0x108  }
0x21: {  	s3 =	sadd.s32 s3, s9;
	s6 =	sadd.s32 @!p0 $0x88, s6;
	s7 =	simm.s32 @p2 $0x1082  }
0x22: {  	[simem:s7], [sflag:s8] =	dma.local @!p0 [hbm:s6], $0xF7A  }
0x23: {  	s9 =	sor.u32 $0xD0000000, s2;
	s6 =	simm.s32 $0x108;
	_ =	swait.ge @!p0 [sflag:s8], $0x0  }
0x24: {  	s3 =	sadd.s32 $0x88, s3;
	s6 =	simm.s32 @!p1 $0x1082;
	[sflag:s4] =	ssyncset.s32 $0xFFFFF086  }
0x25: {  	[simem:s6], [sflag:s4] =	dma.local [hbm:s3], $0xF7A  }
0x26: {  	[smem:$0x3F9D] =	sst s1;
	(tag) =	ssettag s2;
	_ =	strace s9  }
0x27: {  	s1 =	sld [smem:$0x3FAD]  }
0x28: {  	s2 =	sld [smem:$0x3FAE]  }
0x29: {  	s4 =	sld [smem:$0x3FB0]  }
0x2a: {  	p0 =	seq.s32 s5, $0x0;
	s5 =	sld [smem:$0x3FB1]  }
0x2b: {  	s6 =	sld [smem:$0x3FB2]  }
0x2c: {  	s7 =	sld [smem:$0x3FB3]  }
0x2d: {  	s3 =	simm.s32 $0x108;
	s8 =	sld [smem:$0x3FB4]  }
0x2e: {  	s3 =	simm.s32 @!p0 $0x1082;
	s9 =	sld [smem:$0x3FB5]  }
0x2f: {  	lr =	sadd.s32 s0, s3;
	s0 =	sld [smem:$0x3FAC]  }
0x30: {  	s3 =	sld [smem:$0x3FAF]  }
0x31: {  	[smem:$0x3FB8] =	sst s10  }
0x32: {  	s10 =	sld [smem:$0x3FB6];
	_ =	sdelay $0x3  }
0x33: {  	p0 =	seq.s32 s10, $0x1;
	s10 =	sld [smem:$0x3FB8];
	_ =	sdelay $0x3  }
0x34: {  	[smem:$0x3FB8] =	sst s10  }
0x35: {  	s10 =	sld [smem:$0x3FB7];
	_ =	sdelay $0x3  }
0x36: {  	p1 =	seq.s32 s10, $0x1;
	s10 =	sld [smem:$0x3FB8];
	_ =	sdelay $0x3  }
0x37: {  	[smem:$0x3FB8] =	sst s10  }
0x38: {  	s10 =	sld [smem:$0x3FB9]  }
0x39: {  	_ = 	snop;
	(pc) =	sbr.ind lr, $3  }
0x3a: {  	_ = 	snop  }
0x3b: {  	_ = 	snop  }
0x3c: {  	p2 =	seq.s32 s10, $0x1;
	s10 =	sld [smem:$0x3FB8]  }
0x3d: {  	_ =	shalt  }
0x3e: {  	_ =	shalt  }
0x3f: {  	_ =	shalt  }
0x40: {  	_ =	shalt  }
0x41: {  	_ =	shalt  }
0x42: {  	_ =	shalt  }
0x43: {  	_ =	shalt  }
0x44: {  	_ =	shalt  }
0x45: {  	_ =	shalt  }
0x46: {  	_ =	shalt  }
0x47: {  	_ =	shalt  }
0x48: {  	_ =	shalt  }
0x49: {  	_ =	shalt  }
0x4a: {  	_ =	shalt  }
0x4b: {  	_ =	shalt  }
0x4c: {  	_ =	shalt  }
0x4d: {  	_ =	shalt  }
0x4e: {  	_ =	shalt  }
0x4f: {  	_ =	shalt  }
0x50: {  	_ =	shalt  }
0x51: {  	_ =	shalt  }
0x52: {  	_ =	shalt  }
0x53: {  	_ =	shalt  }
0x54: {  	_ =	shalt  }
0x55: {  	_ =	shalt  }
0x56: {  	_ =	shalt  }
0x57: {  	_ =	shalt  }
0x58: {  	_ =	shalt  }
0x59: {  	_ =	shalt  }
0x5a: {  	_ =	shalt  }
0x5b: {  	_ =	shalt  }
0x5c: {  	_ =	shalt  }
0x5d: {  	_ =	shalt  }
0x5e: {  	_ =	shalt  }
0x5f: {  	_ =	shalt  }
0x60: {  	_ =	shalt  }
0x61: {  	_ =	shalt  }
0x62: {  	_ =	shalt  }
0x63: {  	_ =	shalt  }
0x64: {  	_ =	shalt  }
0x65: {  	_ =	shalt  }
0x66: {  	_ =	shalt  }
0x67: {  	_ =	shalt  }
0x68: {  	_ =	shalt  }
0x69: {  	_ =	shalt  }
0x6a: {  	_ =	shalt  }
0x6b: {  	_ =	shalt  }
0x6c: {  	_ =	shalt  }
0x6d: {  	_ =	shalt  }
0x6e: {  	_ =	shalt  }
0x6f: {  	_ =	shalt  }
0x70: {  	_ =	shalt  }
0x71: {  	_ =	shalt  }
0x72: {  	_ =	shalt  }
0x73: {  	_ =	shalt  }
0x74: {  	_ =	shalt  }
0x75: {  	_ =	shalt  }
0x76: {  	_ =	shalt  }
0x77: {  	_ =	shalt  }
0x78: {  	_ =	shalt  }
0x79: {  	_ =	shalt  }
0x7a: {  	_ =	shalt  }
0x7b: {  	_ =	shalt  }
0x7c: {  	_ =	shalt  }
0x7d: {  	_ =	shalt  }
0x7e: {  	_ =	shalt  }
0x7f: {  	_ =	shalt  }
0x80: {  	_ =	shalt  }
0x81: {  	_ =	shalt  }
0x82: {  	_ =	shalt  }
0x83: {  	_ =	shalt  }
0x84: {  	_ =	shalt  }
0x85: {  	_ =	shalt  }
0x86: {  	_ =	shalt  }
0x87: {  	_ =	shalt  }
.Lfunc_end0:
.L_simem_size_0:
called_computation_lowered:
.L_overlay_start_0:
0x88: {  	s2 =	sld [smem:$0x3FD9]  }
0x89: {  	s3 =	sld [smem:$0x3FFE];
	_ =	sdelay $0x1  }
0x8a: {  	s1 =	srdreg.scid  }
0x8b: {  	s0 =	sand.u32 $0x1, s1  }
0x8c: {  	s17 =	sshll.u32 s0, $0xA;
	s2 =	sadd.s32 s3, s2  }
0x8d: {  	s2 =	sadd.s32 s2, s17  }
0x8e: {  	[smem:$0x3FC4] =	sst s2  }
0x8f: {  	_ = 	snop  }
0x90: {  	s2 =	sld [smem:$0x3FC9]  }
0x91: {  	s18 =	sld [smem:$0x3FC8]  }
0x92: {  	s4 =	sld [smem:$0x3FC7];
	(tm) =	ssettm $0x1  }
0x93: {  	s5 =	sld [smem:$0x3FFB];
	_ =	sdelay $0x3  }
0x94: {  	_ =	strace s5  }
0x95: {  	s5 =	sld [smem:$0x3FFC];
	_ =	sdelay $0x3  }
0x96: {  	_ =	strace s5  }
0x97: {  	s5 =	sld [smem:$0x3FFD];
	_ =	sdelay $0x3  }
0x98: {  	_ =	strace s5  }
0x99: {  	_ =	strace $0x8FFFFFFF  }
0x9a: {  	s19 =	sld [smem:$0x3FDB];
	_ =	sdelay $0x1  }
0x9b: {  	s6 =	simm.s32 $_scs_section_size  }
0x9c: {  	s7 =	simm.s32 $_size__tile_overlayer_lowered;
	s8 =	simm.s32 $_tile_overlayer_lowered  }
0x9d: {  	s22 =	simm.s32 $0x1BFF;
	s21 =	sshll.u32 s8, $0x1;
	s5 =	sadd.s32 s6, s19  }
0x9e: {  	s9 =	simm.s32 $0x0;
	s20 =	sshll.u32 s7, $0x1;
	s7 =	sadd.s32 s21, s5  }
0x9f: {  	[timem:s9], [sflag:s22] =	dma.local [hbm:s7], s20  }
0xa0: {  	_ =	swait.ge [sflag:s22], s20  }
0xa1: {  	s6 =	ssub.s32 $0x0, s20;
	[sflag:s22] =	ssyncset.done $0x0  }
0xa2: {  	[sflag:s22] =	ssyncadd.s32 s6;
	_ =	sdelay $0x1  }
0xa3: {  	s23 =	simm.s32 $0x1B8B  }
0xa4: {  	_ =	swait.ge [sflag:s23], $0x1  }
0xa5: {  	[sflag:s23] =	ssyncset.done $0x0  }
0xa6: {  	s25 =	simm.s32 $0x1B8E;
	s24 =	sld [smem:$0x3FFE];
	[sflag:s23] =	ssyncadd.s32 $0xFFFFFFFF  }
0xa7: {  	s26 =	simm.s32 $execute0_lowered;
	[smem:$0x3FD2] =	sst s25  }
0xa8: {  	s7 =	sshll.u32 s26, $0x1;
	_ =	strace $0x80000046;
	[dreg:$0x1] =	wrdreg $0xFFFFFFFF  }
0xa9: {  	s28 =	simm.s32 $_size_execute0_lowered;
	s5 =	sadd.s32 s5, s7;
	[dreg:$0x0] =	wrdreg $0x0  }
0xaa: {  	s7 =	sshll.u32 s28, $0x1;
	[dreg:$0x2] =	wrdreg s5  }
0xab: {  	[dreg:$0x3] =	wrdreg s7  }
0xac: {  	[dreg:$0x4] =	wrdreg $0xC0  }
0xad: {  	_ =	task [dreg:s9], $0x5FFFF  }
0xae: {  	[dreg:$0x1] =	wrdreg $0xFFFFFFFF  }
0xaf: {  	[dreg:$0x0] =	wrdreg $0x60  }
0xb0: {  	[dreg:$0x2] =	wrdreg s2  }
0xb1: {  	[dreg:$0x3] =	wrdreg s18  }
0xb2: {  	[dreg:$0x4] =	wrdreg s4  }
0xb3: {  	[dreg:$0x5] =	wrdreg s24  }
0xb4: {  	[dreg:$0x6] =	wrdreg $0x9  }
0xb5: {  	_ =	task.clear_ibuf [dreg:s9], $0x7FFFF;
	_ =	strace $0x90000046  }
0xb6: {  	s29 =	simm.s32 $0x9;
	_ =	strace $0x80000048  }
0xb7: {  	_ =	swait.ge [sflag:s29], $0x1  }
0xb8: {  	[sflag:s29] =	ssyncadd.s32 $0xFFFFFFFF  }
0xb9: {  	_ =	strace $0x90000048  }
0xba: {  	_ =	sfence  }
0xbb: {  	s30 =	sld [smem:$0x0];
	_ =	sdelay $0x2  }
0xbc: {  	s31 =	sshll.u32 s1, $0xD;
	s1 =	sshrl.u32 s1, $0x2  }
0xbd: {  	s3 =	sand.u32 $0x4000, s31;
	s1 =	sadd.s32 s1, s30  }
0xbe: {  	s0 =	sor.u32 s3, s0;
	s1 =	sshll.u32 s1, $0x11  }
0xbf: {  	s0 =	sor.u32 s1, s0  }
0xc0: {  	s0 =	sadd.s32 $0x8F2B, s0  }
0xc1: {  	[sflag:s0] =	ssyncadd.remote.s32 $0x1  }
0xc2: {  	_ =	sfence.sel $0xFFFF  }
0xc3: {  	[dreg:$0x0] =	wrdreg $0xFFFFFFFF;
	(pc) =	sbr.abs _section_cstart, $3  }
0xc4: {  	[dreg:$0x1] =	wrdreg $0xFFFFFFFF  }
0xc5: {  	_ =	task.clear_ibuf [dreg:s9], $0x2FFFF;
	_ =	strace $0x9FFFFFFF  }
0xc6: {  	(tm) =	ssettm $0x7FFFFFFF  }
0xc7: {  	_ =	shalt  }
tec
execute0_lowered:
.L_overlay_start_1:
0x0: {  	(tag) =	ssettag $0x1  }
0x1: {  	s0 =	rddreg [dreg:$0x0]  }
0x2: {  	s1 =	rddreg [dreg:$0x1]  }
0x3: {  	s2 =	rddreg [dreg:$0x2]  }
0x4: {  	s3 =	rddreg [dreg:$0x3]  }
0x5: {  	s6 =	stileid.u32;
	s4 =	srdreg.scid  }
0x6: {  	s7 =	simm.s32 $0x0;
	s30 =	simm.s32 $0x400;
	s31 =	simm.s32 $0x1000  }
0x7: {  	s4 =	sand.u32 $0x1, s4;
	s5 =	sshll.u32 s6, $0x1;
	[smem:$0x7FF] =	sst s7  }
0x8: {  	s22 =	sshll.u32 s6, $0x3;
	s15 =	sor.u32 s4, s5;
	s4 =	ssub.s32 $0x2, s4  }
0x9: {  	s5 =	sand.u32 $0x60, s22;
	s17 =	sshll.u32 s15, $0xC;
	s23 =	sshrl.u32 s4, $0x1  }
0xa: {  	s3 =	sadd.s32 s5, s3;
	s16 =	sshll.u32 s15, $0x7;
	s10 =	sor.u32 $0x60000, s17  }
0xb: {  	s4 =	ssub.s32 s4, s23;
	s11 =	sor.u32 $0x60080, s17;
	s12 =	sor.u32 $0x60100, s17  }
0xc: {  	s13 =	sor.u32 $0x60180, s17;
	s19 =	sor.u32 $0x60800, s17;
	s16 =	sand.u32 $0x380, s16  }
0xd: {  	s24 =	sadd.s32 s0, s10;
	s25 =	sadd.s32 s0, s11;
	s26 =	sadd.s32 s0, s12  }
0xe: {  	s5 =	sadd.s32 s0, s13;
	s6 =	sadd.s32 s1, s10;
	s7 =	sadd.s32 s1, s11  }
0xf: {  	s8 =	sadd.s32 s1, s12;
	s9 =	sadd.s32 s1, s13;
	s10 =	sadd.s32 s2, s10  }
0x10: {  	s11 =	sadd.s32 s2, s11;
	s12 =	sadd.s32 s2, s12;
	s13 =	sadd.s32 s2, s13  }
0x11: {  	s14 =	sadd.s32 s0, s19;
	s3 =	sadd.s32 s16, s3;
	[dreg:$0x5] =	wrdreg s24  }
0x12: {  	s18 =	sadd.s32 s1, s19;
	s23 =	sadd.s32 s2, s19;
	[dreg:$0x6] =	wrdreg s25  }
0x13: {  	s29 =	smax.u32 s4, $0x1;
	s19 =	simm.s32 $0x1;
	[dreg:$0x7] =	wrdreg s26  }
0x14: {  	s24 =	sor.u32 $0x60880, s17;
	s25 =	sor.u32 $0x60900, s17;
	s26 =	sor.u32 $0x60980, s17  }
0x15: {  	s28 =	sadd.s32 $0xA00, s3;
	s3 =	simm.s32 $0x0;
	s15 =	sadd.s32 s0, s24  }
0x16: {  	s16 =	sadd.s32 s0, s25;
	s17 =	sadd.s32 s0, s26;
	s20 =	sadd.s32 s1, s24  }
0x17: {  	s21 =	sadd.s32 s1, s25;
	s22 =	sadd.s32 s1, s26;
	s24 =	sadd.s32 s2, s24  }
0x18: {  	s25 =	sadd.s32 s2, s25;
	s26 =	sadd.s32 s2, s26;
	_ =	strace $0x80000047  }
0x19: {  	v0 =	vimm.f32 $0.0e+00;
	s0 =	simm.s32 $0x2;
	s1 =	simm.s32 $0x3;
	s2 =	simm.s32 $0x0  }
.LBB2_1:
0x1a: {  	s4 =	rddreg [dreg:$0x5]  }
0x1b: {  	[tilespmem:s3], [sflag:$0x1] =	stream.strided.gather [hbm4b:s4+s30], $0x1000, s31, s30, $0x38;
	[tilespmem:$0x18100] =	vst v63  }
0x1c: {  	s4 =	rddreg [dreg:$0x6]  }
0x1d: {  	[tilespmem:s31], [sflag:$0x1] =	stream.strided.gather [hbm4b:s4+s30], $0x1000, s31, s30, $0x38;
	[tilespmem:$0x18100] =	vst v63  }
0x1e: {  	s3 =	rddreg [dreg:$0x7];
	s4 =	simm.s32 $0x2000  }
0x1f: {  	[tilespmem:s4], [sflag:$0x1] =	stream.strided.gather [hbm4b:s3+s30], $0x1000, s31, s30, $0x38;
	[tilespmem:$0x18100] =	vst v63  }
0x20: {  	s4 =	simm.s32 $0x3000  }
0x21: {  	[tilespmem:s4], [sflag:$0x1] =	stream.strided.gather [hbm4b:s5+s30], $0x1000, s31, s30, $0x38;
	[tilespmem:$0x18100] =	vst v63  }
0x22: {  	s4 =	simm.s32 $0x8000  }
0x23: {  	[tilespmem:s4], [sflag:$0x1] =	stream.strided.gather [hbm4b:s6+s30], $0x1000, s31, s30, $0x38;
	[tilespmem:$0x18100] =	vst v63  }
0x24: {  	s4 =	simm.s32 $0x9000  }
0x25: {  	[tilespmem:s4], [sflag:$0x1] =	stream.strided.gather [hbm4b:s7+s30], $0x1000, s31, s30, $0x38;
	[tilespmem:$0x18100] =	vst v63  }
0x26: {  	s4 =	simm.s32 $0xA000  }
0x27: {  	[tilespmem:s4], [sflag:$0x1] =	stream.strided.gather [hbm4b:s8+s30], $0x1000, s31, s30, $0x38;
	[tilespmem:$0x18100] =	vst v63  }
0x28: {  	s4 =	simm.s32 $0xB000  }
0x29: {  	[tilespmem:s4], [sflag:$0x1] =	stream.strided.gather [hbm4b:s9+s30], $0x1000, s31, s30, $0x38;
	[tilespmem:$0x18100] =	vst v63  }
0x2a: {  	s4 =	simm.s32 $0x10000  }
0x2b: {  	[tilespmem:s4], [sflag:$0x1] =	stream.strided.gather [hbm4b:s10+s30], $0x1000, s31, s30, $0x38;
	[tilespmem:$0x18100] =	vst v63  }
0x2c: {  	s4 =	simm.s32 $0x11000  }
0x2d: {  	[tilespmem:s4], [sflag:$0x1] =	stream.strided.gather [hbm4b:s11+s30], $0x1000, s31, s30, $0x38;
	[tilespmem:$0x18100] =	vst v63  }
0x2e: {  	s4 =	simm.s32 $0x12000  }
0x2f: {  	[tilespmem:s4], [sflag:$0x1] =	stream.strided.gather [hbm4b:s12+s30], $0x1000, s31, s30, $0x38;
	[tilespmem:$0x18100] =	vst v63  }
0x30: {  	s4 =	simm.s32 $0x13000  }
0x31: {  	[tilespmem:s4], [sflag:$0x1] =	stream.strided.gather [hbm4b:s13+s30], $0x1000, s31, s30, $0x38;
	[tilespmem:$0x18100] =	vst v63  }
0x32: {  	s4 =	simm.s32 $0x4000  }
0x33: {  	[tilespmem:s4], [sflag:$0x2] =	stream.strided.gather [hbm4b:s14+s30], $0x1000, s31, s30, $0x38;
	[tilespmem:$0x18100] =	vst v63  }
0x34: {  	s4 =	simm.s32 $0x5000  }
0x35: {  	[tilespmem:s4], [sflag:$0x2] =	stream.strided.gather [hbm4b:s15+s30], $0x1000, s31, s30, $0x38;
	[tilespmem:$0x18100] =	vst v63  }
0x36: {  	s4 =	simm.s32 $0x6000  }
0x37: {  	[tilespmem:s4], [sflag:$0x2] =	stream.strided.gather [hbm4b:s16+s30], $0x1000, s31, s30, $0x38;
	[tilespmem:$0x18100] =	vst v63  }
0x38: {  	s4 =	simm.s32 $0x7000  }
0x39: {  	[tilespmem:s4], [sflag:$0x2] =	stream.strided.gather [hbm4b:s17+s30], $0x1000, s31, s30, $0x38;
	[tilespmem:$0x18100] =	vst v63  }
0x3a: {  	s4 =	simm.s32 $0xC000  }
0x3b: {  	[tilespmem:s4], [sflag:$0x2] =	stream.strided.gather [hbm4b:s18+s30], $0x1000, s31, s30, $0x38;
	[tilespmem:$0x18100] =	vst v63  }
0x3c: {  	s4 =	simm.s32 $0xD000  }
0x3d: {  	[tilespmem:s4], [sflag:$0x2] =	stream.strided.gather [hbm4b:s20+s30], $0x1000, s31, s30, $0x38;
	[tilespmem:$0x18100] =	vst v63  }
0x3e: {  	s4 =	simm.s32 $0xE000  }
0x3f: {  	[tilespmem:s4], [sflag:$0x2] =	stream.strided.gather [hbm4b:s21+s30], $0x1000, s31, s30, $0x38;
	[tilespmem:$0x18100] =	vst v63  }
0x40: {  	s4 =	simm.s32 $0xF000  }
0x41: {  	[tilespmem:s4], [sflag:$0x2] =	stream.strided.gather [hbm4b:s22+s30], $0x1000, s31, s30, $0x38;
	[tilespmem:$0x18100] =	vst v63  }
0x42: {  	s4 =	simm.s32 $0x14000  }
0x43: {  	[tilespmem:s4], [sflag:$0x2] =	stream.strided.gather [hbm4b:s23+s30], $0x1000, s31, s30, $0x38;
	[tilespmem:$0x18100] =	vst v63  }
0x44: {  	s4 =	simm.s32 $0x15000  }
0x45: {  	[tilespmem:s4], [sflag:$0x2] =	stream.strided.gather [hbm4b:s24+s30], $0x1000, s31, s30, $0x38;
	[tilespmem:$0x18100] =	vst v63  }
0x46: {  	s4 =	simm.s32 $0x16000  }
0x47: {  	[tilespmem:s4], [sflag:$0x2] =	stream.strided.gather [hbm4b:s25+s30], $0x1000, s31, s30, $0x38;
	[tilespmem:$0x18100] =	vst v63  }
0x48: {  	s4 =	simm.s32 $0x17000  }
0x49: {  	[tilespmem:s4], [sflag:$0x2] =	stream.strided.gather [hbm4b:s26+s30], $0x1000, s31, s30, $0x38;
	[tilespmem:$0x18100] =	vst v63  }
0x4a: {  	_ =	swait.ge [sflag:s19], $0x1000  }
0x4b: {  	[sflag:s19] =	ssyncset.done $0x0  }
0x4c: {  	[sflag:s19] =	ssyncadd.s32 $0xFFFFF000  }
0x4d: {  	_ =	swait.ge [sflag:s19], $0x1000  }
0x4e: {  	[sflag:s19] =	ssyncset.done $0x0  }
0x4f: {  	[sflag:s19] =	ssyncadd.s32 $0xFFFFF000  }
0x50: {  	_ =	swait.ge [sflag:s19], $0x1000  }
0x51: {  	[sflag:s19] =	ssyncset.done $0x0  }
0x52: {  	[sflag:s19] =	ssyncadd.s32 $0xFFFFF000  }
0x53: {  	_ =	swait.ge [sflag:s19], $0x1000  }
0x54: {  	[sflag:s19] =	ssyncset.done $0x0  }
0x55: {  	[sflag:s19] =	ssyncadd.s32 $0xFFFFF000  }
0x56: {  	_ =	swait.ge [sflag:s19], $0x1000  }
0x57: {  	[sflag:s19] =	ssyncset.done $0x0  }
0x58: {  	[sflag:s19] =	ssyncadd.s32 $0xFFFFF000  }
0x59: {  	_ =	swait.ge [sflag:s19], $0x1000  }
0x5a: {  	[sflag:s19] =	ssyncset.done $0x0  }
0x5b: {  	[sflag:s19] =	ssyncadd.s32 $0xFFFFF000  }
0x5c: {  	_ =	swait.ge [sflag:s19], $0x1000  }
0x5d: {  	[sflag:s19] =	ssyncset.done $0x0  }
0x5e: {  	[sflag:s19] =	ssyncadd.s32 $0xFFFFF000  }
0x5f: {  	_ =	swait.ge [sflag:s19], $0x1000  }
0x60: {  	[sflag:s19] =	ssyncset.done $0x0  }
0x61: {  	[sflag:s19] =	ssyncadd.s32 $0xFFFFF000  }
0x62: {  	_ =	swait.ge [sflag:s19], $0x1000  }
0x63: {  	[sflag:s19] =	ssyncset.done $0x0  }
0x64: {  	[sflag:s19] =	ssyncadd.s32 $0xFFFFF000  }
0x65: {  	_ =	swait.ge [sflag:s19], $0x1000  }
0x66: {  	[sflag:s19] =	ssyncset.done $0x0  }
0x67: {  	[sflag:s19] =	ssyncadd.s32 $0xFFFFF000  }
0x68: {  	_ =	swait.ge [sflag:s19], $0x1000  }
0x69: {  	[sflag:s19] =	ssyncset.done $0x0  }
0x6a: {  	[sflag:s19] =	ssyncadd.s32 $0xFFFFF000  }
0x6b: {  	_ =	swait.ge [sflag:s19], $0x1000  }
0x6c: {  	[sflag:s19] =	ssyncset.done $0x0  }
0x6d: {  	s4 =	simm.s32 $0x0;
	[sflag:s19] =	ssyncadd.s32 $0xFFFFF000  }
0x6e: {  	v1 =	vld [tilespmem:s4+$0x50]  }
0x6f: {  	v2 =	vld [tilespmem:s4+$0x40]  }
0x70: {  	v3 =	vld [tilespmem:s4+$0x30]  }
0x71: {  	v4 =	vld [tilespmem:s4+$0x20]  }
0x72: {  	v5 =	vld [tilespmem:s4+$0x10]  }
0x73: {  	v6 =	vld [tilespmem:s4+$0x0]  }
0x74: {  	v7 =	vld [tilespmem:s4+$0x8070]  }
0x75: {  	v8 =	vld [tilespmem:s4+$0x10070]  }
0x76: {  	v9 =	vld [tilespmem:s4+$0x8060]  }
0x77: {  	v10 =	vld [tilespmem:s4+$0x10060]  }
0x78: {  	v11 =	vld [tilespmem:s4+$0x8050]  }
0x79: {  	v12 =	vld [tilespmem:s4+$0x10050];
	v6 =	vsub.f32 $0.0e+00, v6  }
0x7a: {  	v13 =	vld [tilespmem:s4+$0x8040]  }
0x7b: {  	v14 =	vld [tilespmem:s4+$0x10040];
	v5 =	vsub.f32 $0.0e+00, v5;
	v6 =	vmul.f32 $1.442695020e+00, v6  }
0x7c: {  	v15 =	vld [tilespmem:s4+$0x8030];
	v4 =	vsub.f32 $0.0e+00, v4  }
0x7d: {  	v16 =	vld [tilespmem:s4+$0x10030];
	v3 =	vsub.f32 $0.0e+00, v3;
	v5 =	vmul.f32 $1.442695020e+00, v5;
	(erf) = vpow2.f32 v6  }
0x7e: {  	v17 =	vld [tilespmem:s4+$0x10020];
	v4 =	vmul.f32 $1.442695020e+00, v4  }
0x7f: {  	v3 =	vmul.f32 $1.442695020e+00, v3;
	(erf) = vpow2.f32 v5;
	v5 =	vld [tilespmem:s4+$0x60]  }
0x80: {  	v18 =	vld [tilespmem:s4+$0x8010];
	v2 =	vsub.f32 $0.0e+00, v2;
	(erf) = vpow2.f32 v4  }
0x81: {  	s3 =	simm.s32 $0x80;
	v4 =	vld [tilespmem:s4+$0x70];
	(erf) = vpow2.f32 v3  }
0x82: {  	v22 =	vld [tilespmem:s3+$0x40];
	v1 =	vsub.f32 $0.0e+00, v1;
	v2 =	vmul.f32 $1.442695020e+00, v2  }
0x83: {  	v20 =	vld [tilespmem:s4+$0x8000]  }
0x84: {  	v23 =	vld [tilespmem:s3+$0x30];
	v1 =	vmul.f32 $1.442695020e+00, v1;
	v3 =	vsub.f32 $0.0e+00, v5  }
0x85: {  	v26 =	vld [tilespmem:s3+$0x10];
	v25 =	vmin.f32 v9, v10;
	(erf) = vpow2.f32 v2  }
0x86: {  	(erf) = vpow2.f32 v1;
	v5 =	vld [tilespmem:s3+$0x50];
	v4 =	vsub.f32 $0.0e+00, v4;
	v3 =	vmul.f32 $1.442695020e+00, v3;
	v2 =	vpop (erf)  }
0x87: {  	v27 =	vmin.f32 v11, v12;
	v9 =	vsub.f32 $0.0e+00, v22;
	v6 =	vld [tilespmem:s4+$0x8020];
	v2 =	vadd.f32 $1.000000000e+00, v2  }
0x88: {  	v21 =	vld [tilespmem:s4+$0x10000];
	v1 =	vmin.f32 v7, v8;
	v4 =	vmul.f32 $1.442695020e+00, v4;
	v7 =	vpop (erf);
	(erf) = vpow2.f32 v3  }
0x89: {  	v28 =	vld [tilespmem:s3+$0x0];
	v10 =	vsub.f32 $0.0e+00, v23;
	v7 =	vadd.f32 $1.000000000e+00, v7;
	v8 =	vpop (erf);
	(erf) = vrcp.f32 v2  }
0x8a: {  	v19 =	vld [tilespmem:s4+$0x10010];
	v12 =	vsub.f32 $0.0e+00, v26;
	v11 =	vpop (erf);
	(erf) = vpow2.f32 v4;
	v4 =	vadd.f32 $1.000000000e+00, v8  }
0x8b: {  	v24 =	vld [tilespmem:s3+$0x20];
	(erf) = vrcp.f32 v7;
	v7 =	vsub.f32 $0.0e+00, v5;
	v5 =	vadd.f32 $1.000000000e+00, v11  }
0x8c: {  	vm2 =	vgt.f32 v27, $5.000000000e-01;
	vm1 =	vgt.f32 v25, $5.000000000e-01;
	v6 =	vmin.f32 v6, v17  }
0x8d: {  	vm0 =	vgt.f32 v1, $5.000000000e-01;
	v3 =	vmin.f32 v15, v16;
	(erf) = vrcp.f32 v4  }
0x8e: {  	v2 =	vmin.f32 v13, v14;
	v14 =	vmin.f32 v20, v21;
	v13 =	vsub.f32 $0.0e+00, v28;
	v4 =	vpop (erf)  }
0x8f: {  	v8 =	vmin.f32 v18, v19;
	(erf) = vrcp.f32 v5;
	v4 =	vadd.f32 $1.000000000e+00, v4;
	v5 =	vpop (erf)  }
0x90: {  	vm3 =	vgt.f32 v14, $5.000000000e-01;
	v11 =	vsub.f32 $0.0e+00, v24;
	v14 =	vadd.f32 $1.000000000e+00, v5  }
0x91: {  	s4 =	simm.s32 $0x400;
	v1 =	vld [tilespmem:s3+$0x8070];
	v15 =	vpop (erf);
	v5 =	vimm.f32 $0.0e+00;
	(erf) = vrcp.f32 v4;
	v4 =	vimm.f32 $0.0e+00  }
.LBB2_2:
0x92: {  	p0 =	sne.s32 s4, $0xFE00;
	v16 =	vld [tilespmem:s3+$0x10070];
	v17 =	vsel vm3, $0x3F800000, v0;
	vm3 =	vgt.f32 v6, $5.000000000e-01;
	v6 =	vadd.f32 $1.000000000e+00, v15;
	v15 =	vpop (erf)  }
0x93: {  	vm4 =	vgt.f32 v8, $5.000000000e-01;
	v18 =	vld [tilespmem:s3+$0x8060];
	v15 =	vmul.f32 v17, v15;
	(erf) = vrcp.f32 v14;
	v8 =	vpop (erf)  }
0x94: {  	v19 =	vsel vm4, $0x3F800000, v0;
	v14 =	vld [tilespmem:s3+$0x10060];
	v8 =	vadd.f32 $1.000000000e+00, v8;
	v20 =	vpop (erf);
	(erf) = vrcp.f32 v6  }
0x95: {  	v4 =	vadd.f32 v17, v4;
	v6 =	vld [tilespmem:s3+$0x8050];
	v5 =	vadd.f32 v15, v5;
	v15 =	vmul.f32 v19, v20  }
0x96: {  	v20 =	vsel vm3, $0x3F800000, v0;
	vm3 =	vgt.f32 v3, $5.000000000e-01;
	v17 =	vld [tilespmem:s3+$0x10050];
	v3 =	vpop (erf);
	(erf) = vrcp.f32 v8  }
0x97: {  	v4 =	vadd.f32 v19, v4;
	v8 =	vld [tilespmem:s3+$0x8040];
	v5 =	vadd.f32 v15, v5;
	v3 =	vmul.f32 v20, v3  }
0x98: {  	v13 =	vmul.f32 $1.442695020e+00, v13;
	v19 =	vsel vm3, $0x3F800000, v0;
	vm3 =	vgt.f32 v2, $5.000000000e-01;
	v15 =	vld [tilespmem:s3+$0x10040];
	v2 =	vpop (erf)  }
0x99: {  	v4 =	vadd.f32 v20, v4;
	v21 =	vld [tilespmem:s3+$0x8030];
	v3 =	vadd.f32 v3, v5;
	v2 =	vmul.f32 v19, v2  }
0x9a: {  	v5 =	vmul.f32 $1.442695020e+00, v12;
	v12 =	vld [tilespmem:s3+$0x10030];
	(erf) = vpow2.f32 v13;
	v13 =	vsel vm3, $0x3F800000, v0;
	v20 =	vpop (erf)  }
0x9b: {  	v22 =	vld [tilespmem:s3+$0x8020];
	v2 =	vadd.f32 v2, v3;
	v3 =	vadd.f32 v19, v4;
	v4 =	vmul.f32 v13, v20  }
0x9c: {  	v11 =	vmul.f32 $1.442695020e+00, v11;
	v19 =	vld [tilespmem:s3+$0x10020];
	(erf) = vpow2.f32 v5;
	v5 =	vsel vm2, $0x3F800000, v0;
	v20 =	vpop (erf)  }
0x9d: {  	v23 =	vld [tilespmem:s3+$0x60];
	v2 =	vadd.f32 v4, v2;
	v3 =	vadd.f32 v13, v3;
	v4 =	vmul.f32 v5, v20;
	v13 =	vpop (erf)  }
0x9e: {  	v10 =	vmul.f32 $1.442695020e+00, v10;
	v20 =	vld [tilespmem:s3+$0x8010];
	(erf) = vpow2.f32 v11;
	v11 =	vsel vm1, $0x3F800000, v0  }
0x9f: {  	v24 =	vld [tilespmem:s3+$0x70];
	v2 =	vadd.f32 v4, v2;
	v3 =	vadd.f32 v5, v3;
	v4 =	vmul.f32 v11, v13;
	v5 =	vpop (erf)  }
0xa0: {  	v9 =	vmul.f32 $1.442695020e+00, v9;
	v13 =	vld [tilespmem:s3+$0x10010];
	(erf) = vpow2.f32 v10;
	v10 =	vsel vm0, $0x3F800000, v0  }
0xa1: {  	v25 =	vld [tilespmem:s3+$0x8000];
	v2 =	vadd.f32 v4, v2;
	v3 =	vadd.f32 v11, v3;
	v4 =	vmul.f32 v10, v5  }
0xa2: {  	v7 =	vmul.f32 $1.442695020e+00, v7;
	v26 =	vld [tilespmem:s3+$0x10000];
	s3 =	sshra.s32 s4, $0x2;
	v11 =	vsub.f32 $0.0e+00, v23  }
0xa3: {  	v23 =	vld [tilespmem:s3+$0x50];
	v27 =	vpop (erf);
	(erf) = vpow2.f32 v9;
	v5 =	vadd.f32 v4, v2;
	v4 =	vadd.f32 v10, v3  }
0xa4: {  	v9 =	vld [tilespmem:s3+$0x40];
	v2 =	vmul.f32 $1.442695020e+00, v11;
	v3 =	vsub.f32 $0.0e+00, v24  }
0xa5: {  	v1 =	vmin.f32 v1, v16;
	v27 =	vadd.f32 $1.000000000e+00, v27;
	v10 =	vld [tilespmem:s3+$0x30];
	v16 =	vpop (erf);
	(erf) = vpow2.f32 v7  }
0xa6: {  	v14 =	vmin.f32 v18, v14;
	v24 =	vld [tilespmem:s3+$0x20];
	v7 =	vmul.f32 $1.442695020e+00, v3;
	(erf) = vpow2.f32 v2  }
0xa7: {  	v17 =	vmin.f32 v6, v17;
	v16 =	vadd.f32 $1.000000000e+00, v16;
	v18 =	vld [tilespmem:s3+$0x10];
	(erf) = vrcp.f32 v27;
	v11 =	vpop (erf)  }
0xa8: {  	v3 =	vmin.f32 v21, v12;
	v2 =	vmin.f32 v8, v15;
	v27 =	vld [tilespmem:s3+$0x0];
	(erf) = vpow2.f32 v7  }
0xa9: {  	v6 =	vmin.f32 v22, v19;
	v11 =	vadd.f32 $1.000000000e+00, v11;
	(erf) = vrcp.f32 v16;
	v12 =	vpop (erf)  }
0xaa: {  	v8 =	vmin.f32 v20, v13;
	v7 =	vsub.f32 $0.0e+00, v23;
	v9 =	vsub.f32 $0.0e+00, v9  }
.Ltmp0:
0xab: {  	v10 =	vsub.f32 $0.0e+00, v10;
	v15 =	vadd.f32 $1.000000000e+00, v12;
	(erf) = vrcp.f32 v11;
	(pc) =	sbr.rel @p0 .LBB2_2-.Ltmp0, $4  }
0xac: {  	v16 =	vmin.f32 v25, v26;
	v11 =	vsub.f32 $0.0e+00, v24;
	v12 =	vsub.f32 $0.0e+00, v18;
	v18 =	vpop (erf)  }
0xad: {  	v13 =	vsub.f32 $0.0e+00, v27;
	v18 =	vadd.f32 $1.000000000e+00, v18;
	(erf) = vrcp.f32 v15  }
0xae: {  	vm2 =	vgt.f32 v17, $5.000000000e-01;
	vm1 =	vgt.f32 v14, $5.000000000e-01;
	vm0 =	vgt.f32 v1, $5.000000000e-01;
	v14 =	vpop (erf)  }
0xaf: {  	s4 =	sadd.s32 $0x200, s4;
	vm3 =	vgt.f32 v16, $5.000000000e-01;
	v1 =	vld [tilespmem:s3+$0x8070];
	v14 =	vadd.f32 $1.000000000e+00, v14;
	(erf) = vrcp.f32 v18;
	v15 =	vpop (erf)  }
0xb0: {  	v16 =	vpop (erf)  }
0xb1: {  	v15 =	vadd.f32 $1.000000000e+00, v15;
	v17 =	vpop (erf)  }
0xb2: {  	(erf) = vrcp.f32 v14;
	v14 =	vadd.f32 $1.000000000e+00, v17  }
0xb3: {  	v13 =	vmul.f32 $1.442695020e+00, v13;
	(erf) = vrcp.f32 v15  }
0xb4: {  	(erf) = vrcp.f32 v14  }
0xb5: {  	(erf) = vpow2.f32 v13;
	_ =	sdelay $0x1  }
0xb6: {  	v12 =	vmul.f32 $1.442695020e+00, v12;
	v14 =	vld [tilespmem:s3+$0x60];
	v13 =	vpop (erf)  }
0xb7: {  	v15 =	vpop (erf)  }
0xb8: {  	v18 =	vld [tilespmem:s3+$0x70];
	v17 =	vpop (erf)  }
0xb9: {  	v11 =	vmul.f32 $1.442695020e+00, v11;
	v10 =	vmul.f32 $1.442695020e+00, v10;
	v19 =	vpop (erf)  }
0xba: {  	(erf) = vpow2.f32 v12;
	v12 =	vpop (erf)  }
0xbb: {  	v9 =	vmul.f32 $1.442695020e+00, v9;
	(erf) = vpow2.f32 v11;
	v11 =	vsub.f32 $0.0e+00, v14;
	v20 =	vpop (erf)  }
0xbc: {  	v7 =	vmul.f32 $1.442695020e+00, v7;
	(erf) = vpow2.f32 v10;
	v14 =	vpop (erf)  }
0xbd: {  	(erf) = vpow2.f32 v9;
	v9 =	vmul.f32 $1.442695020e+00, v11;
	v11 =	vsub.f32 $0.0e+00, v18;
	v10 =	vpop (erf)  }
0xbe: {  	(erf) = vpow2.f32 v7;
	v10 =	vadd.f32 $1.000000000e+00, v10  }
0xbf: {  	v7 =	vmul.f32 $1.442695020e+00, v11;
	(erf) = vpow2.f32 v9  }
0xc0: {  	(erf) = vrcp.f32 v10  }
0xc1: {  	(erf) = vpow2.f32 v7;
	_ =	sdelay $0x1  }
0xc2: {  	v7 =	vpop (erf)  }
0xc3: {  	v9 =	vpop (erf)  }
0xc4: {  	v7 =	vadd.f32 $1.000000000e+00, v7;
	v10 =	vpop (erf)  }
0xc5: {  	v9 =	vadd.f32 $1.000000000e+00, v9;
	v11 =	vpop (erf)  }
0xc6: {  	(erf) = vrcp.f32 v7;
	v7 =	vadd.f32 $1.000000000e+00, v10;
	v10 =	vpop (erf)  }
0xc7: {  	(erf) = vrcp.f32 v9;
	v9 =	vadd.f32 $1.000000000e+00, v11;
	v11 =	vpop (erf)  }
0xc8: {  	v46 =	vld [tilespmem:s3+$0x10070];
	(erf) = vrcp.f32 v7;
	v7 =	vadd.f32 $1.000000000e+00, v10;
	v22 =	vpop (erf)  }
0xc9: {  	v21 =	vld [tilespmem:s3+$0x8060];
	(erf) = vrcp.f32 v9;
	v9 =	vadd.f32 $1.000000000e+00, v11;
	v10 =	vpop (erf)  }
0xca: {  	v23 =	vld [tilespmem:s3+$0x10060];
	(erf) = vrcp.f32 v7;
	v7 =	vadd.f32 $1.000000000e+00, v10  }
0xcb: {  	v24 =	vld [tilespmem:s3+$0x10050];
	(erf) = vrcp.f32 v9  }
0xcc: {  	v25 =	vld [tilespmem:s3+$0x8040];
	(erf) = vrcp.f32 v7  }
0xcd: {  	v26 =	vld [tilespmem:s3+$0x10040]  }
0xce: {  	v27 =	vld [tilespmem:s3+$0x8030]  }
0xcf: {  	v28 =	vld [tilespmem:s3+$0x10030];
	v29 =	vpop (erf)  }
0xd0: {  	v30 =	vld [tilespmem:s3+$0x8020];
	v31 =	vpop (erf)  }
0xd1: {  	v32 =	vld [tilespmem:s3+$0x10020];
	v33 =	vpop (erf)  }
0xd2: {  	v34 =	vld [tilespmem:s3+$0x8010];
	v35 =	vpop (erf)  }
0xd3: {  	v36 =	vld [tilespmem:s3+$0x10010];
	v10 =	vpop (erf)  }
0xd4: {  	v37 =	vld [tilespmem:s3+$0x8000];
	v9 =	vpop (erf)  }
0xd5: {  	v38 =	vld [tilespmem:s3+$0x10000];
	v7 =	vpop (erf)  }
0xd6: {  	v11 =	vld [tilespmem:s3+$0x8050];
	_ =	swait.ge [sflag:s0], $0x1000  }
0xd7: {  	[sflag:s0] =	ssyncset.done $0x0  }
0xd8: {  	[sflag:s0] =	ssyncadd.s32 $0xFFFFF000  }
0xd9: {  	_ =	swait.ge [sflag:s0], $0x1000  }
0xda: {  	[sflag:s0] =	ssyncset.done $0x0  }
0xdb: {  	[sflag:s0] =	ssyncadd.s32 $0xFFFFF000  }
0xdc: {  	_ =	swait.ge [sflag:s0], $0x1000  }
0xdd: {  	[sflag:s0] =	ssyncset.done $0x0  }
0xde: {  	[sflag:s0] =	ssyncadd.s32 $0xFFFFF000  }
0xdf: {  	_ =	swait.ge [sflag:s0], $0x1000  }
0xe0: {  	[sflag:s0] =	ssyncset.done $0x0  }
0xe1: {  	[sflag:s0] =	ssyncadd.s32 $0xFFFFF000  }
0xe2: {  	_ =	swait.ge [sflag:s0], $0x1000  }
0xe3: {  	[sflag:s0] =	ssyncset.done $0x0  }
0xe4: {  	[sflag:s0] =	ssyncadd.s32 $0xFFFFF000  }
0xe5: {  	_ =	swait.ge [sflag:s0], $0x1000  }
0xe6: {  	[sflag:s0] =	ssyncset.done $0x0  }
0xe7: {  	v39 =	vsel vm3, $0x3F800000, v0;
	[sflag:s0] =	ssyncadd.s32 $0xFFFFF000  }
0xe8: {  	vm3 =	vgt.f32 v8, $5.000000000e-01;
	v16 =	vmul.f32 v39, v16;
	_ =	swait.ge [sflag:s0], $0x1000  }
0xe9: {  	v8 =	vsel vm3, $0x3F800000, v0;
	[sflag:s0] =	ssyncset.done $0x0  }
0xea: {  	vm3 =	vgt.f32 v6, $5.000000000e-01;
	v5 =	vadd.f32 v16, v5;
	v6 =	vmul.f32 v8, v13;
	[sflag:s0] =	ssyncadd.s32 $0xFFFFF000  }
0xeb: {  	v4 =	vadd.f32 v39, v4;
	v13 =	vsel vm3, $0x3F800000, v0;
	_ =	swait.ge [sflag:s0], $0x1000  }
0xec: {  	vm3 =	vgt.f32 v3, $5.000000000e-01;
	v3 =	vadd.f32 v6, v5;
	v5 =	vmul.f32 v13, v15;
	[sflag:s0] =	ssyncset.done $0x0  }
0xed: {  	v4 =	vadd.f32 v8, v4;
	v6 =	vsel vm3, $0x3F800000, v0;
	[sflag:s0] =	ssyncadd.s32 $0xFFFFF000  }
0xee: {  	vm3 =	vgt.f32 v2, $5.000000000e-01;
	v2 =	vadd.f32 v5, v3;
	v3 =	vmul.f32 v6, v17;
	_ =	swait.ge [sflag:s0], $0x1000  }
0xef: {  	v4 =	vadd.f32 v13, v4;
	v5 =	vsel vm3, $0x3F800000, v0;
	[sflag:s0] =	ssyncset.done $0x0  }
0xf0: {  	v2 =	vadd.f32 v3, v2;
	v3 =	vmul.f32 v5, v19;
	[sflag:s0] =	ssyncadd.s32 $0xFFFFF000  }
0xf1: {  	v4 =	vadd.f32 v6, v4;
	v6 =	vsel vm2, $0x3F800000, v0;
	_ =	swait.ge [sflag:s0], $0x1000  }
0xf2: {  	v2 =	vadd.f32 v3, v2;
	v3 =	vmul.f32 v6, v12;
	[sflag:s0] =	ssyncset.done $0x0  }
0xf3: {  	v4 =	vadd.f32 v5, v4;
	v5 =	vsel vm1, $0x3F800000, v0;
	[sflag:s0] =	ssyncadd.s32 $0xFFFFF000  }
0xf4: {  	v2 =	vadd.f32 v3, v2;
	v3 =	vmul.f32 v5, v20;
	_ =	swait.ge [sflag:s0], $0x1000  }
0xf5: {  	v4 =	vadd.f32 v6, v4;
	v6 =	vsel vm0, $0x3F800000, v0;
	[sflag:s0] =	ssyncset.done $0x0  }
0xf6: {  	v2 =	vadd.f32 v3, v2;
	v3 =	vmul.f32 v6, v14;
	[sflag:s0] =	ssyncadd.s32 $0xFFFFF000  }
0xf7: {  	v4 =	vadd.f32 v5, v4;
	_ =	swait.ge [sflag:s0], $0x1000  }
0xf8: {  	v1 =	vmin.f32 v1, v46;
	v2 =	vadd.f32 v3, v2;
	v3 =	vmin.f32 v37, v38;
	[sflag:s0] =	ssyncset.done $0x0  }
0xf9: {  	s4 =	simm.s32 $0x0;
	v47 =	vmin.f32 v30, v32;
	v4 =	vadd.f32 v6, v4;
	vm0 =	vgt.f32 v3, $5.000000000e-01;
	[sflag:s0] =	ssyncadd.s32 $0xFFFFF000  }
0xfa: {  	v51 =	vmin.f32 v25, v26;
	v13 =	vmin.f32 v34, v36;
	v14 =	vsel vm0, $0x3F800000, v0;
	v8 =	vld [tilespmem:s4+$0x4050]  }
0xfb: {  	v17 =	vmin.f32 v27, v28;
	vm0 =	vgt.f32 v13, $5.000000000e-01;
	v4 =	vadd.f32 v14, v4;
	v5 =	vld [tilespmem:s4+$0x4040]  }
0xfc: {  	v48 =	vsel vm0, $0x3F800000, v0;
	vm0 =	vgt.f32 v47, $5.000000000e-01;
	v16 =	vmul.f32 v14, v22;
	v12 =	vld [tilespmem:s4+$0x4030]  }
0xfd: {  	vm2 =	vgt.f32 v1, $5.000000000e-01;
	v4 =	vadd.f32 v48, v4;
	v14 =	vsel vm0, $0x3F800000, v0;
	v13 =	vld [tilespmem:s4+$0x4000]  }
0xfe: {  	v11 =	vmin.f32 v11, v24;
	v2 =	vadd.f32 v16, v2;
	v16 =	vmul.f32 v48, v29;
	v3 =	vld [tilespmem:s4+$0x4020]  }
0xff: {  	vm0 =	vgt.f32 v17, $5.000000000e-01;
	v4 =	vadd.f32 v14, v4;
	vm1 =	vgt.f32 v11, $5.000000000e-01;
	v15 =	vld [tilespmem:s4+$0x4010]  }
0x100: {  	v11 =	vsel vm0, $0x3F800000, v0;
	v2 =	vadd.f32 v16, v2;
	v16 =	vmul.f32 v14, v31;
	v49 =	vld [tilespmem:s4+$0xC070]  }
0x101: {  	v6 =	vmin.f32 v21, v23;
	vm0 =	vgt.f32 v51, $5.000000000e-01;
	v4 =	vadd.f32 v11, v4;
	v50 =	vld [tilespmem:s4+$0x14070]  }
0x102: {  	v2 =	vadd.f32 v16, v2;
	v16 =	vmul.f32 v11, v33;
	v52 =	vld [tilespmem:s4+$0xC060];
	v13 =	vsub.f32 $0.0e+00, v13  }
0x103: {  	v1 =	vsel vm1, $0x3F800000, v0;
	v14 =	vsel vm0, $0x3F800000, v0;
	vm0 =	vgt.f32 v6, $5.000000000e-01;
	v17 =	vld [tilespmem:s4+$0x14060]  }
0x104: {  	v6 =	vmul.f32 v14, v35;
	v2 =	vadd.f32 v16, v2;
	v53 =	vld [tilespmem:s4+$0xC050];
	v13 =	vmul.f32 $1.442695020e+00, v13  }
0x105: {  	v4 =	vadd.f32 v14, v4;
	v10 =	vmul.f32 v1, v10;
	v54 =	vld [tilespmem:s4+$0x14050]  }
0x106: {  	v2 =	vadd.f32 v6, v2;
	v55 =	vld [tilespmem:s4+$0xC040];
	v11 =	vsub.f32 $0.0e+00, v15;
	(erf) = vpow2.f32 v13  }
0x107: {  	v16 =	vld [tilespmem:s4+$0x14040];
	v3 =	vsub.f32 $0.0e+00, v3  }
0x108: {  	v1 =	vadd.f32 v1, v4;
	v2 =	vadd.f32 v10, v2;
	v56 =	vld [tilespmem:s4+$0x14030];
	v6 =	vmul.f32 $1.442695020e+00, v11  }
0x109: {  	v14 =	vld [tilespmem:s4+$0x14020];
	v12 =	vsub.f32 $0.0e+00, v12;
	v3 =	vmul.f32 $1.442695020e+00, v3;
	v13 =	vsel vm0, $0x3F800000, v0  }
0x10a: {  	v10 =	vsel vm2, $0x3F800000, v0;
	(erf) = vpow2.f32 v6;
	v6 =	vld [tilespmem:s4+$0x4060];
	v9 =	vmul.f32 v13, v9  }
0x10b: {  	v57 =	vld [tilespmem:s4+$0xC010];
	v12 =	vmul.f32 $1.442695020e+00, v12;
	v1 =	vadd.f32 v13, v1;
	(erf) = vpow2.f32 v3  }
0x10c: {  	v4 =	vmul.f32 v10, v7;
	v5 =	vsub.f32 $0.0e+00, v5;
	v3 =	vld [tilespmem:s4+$0x4070];
	v2 =	vadd.f32 v9, v2  }
0x10d: {  	v58 =	vld [tilespmem:s4+$0x14010];
	v7 =	vsub.f32 $0.0e+00, v8;
	(erf) = vpow2.f32 v12  }
0x10e: {  	v59 =	vld [tilespmem:s4+$0xC000];
	v8 =	vmul.f32 $1.442695020e+00, v5;
	v5 =	vadd.f32 v4, v2  }
0x10f: {  	s3 =	simm.s32 $0x80;
	v60 =	vld [tilespmem:s4+$0x14000];
	v2 =	vmul.f32 $1.442695020e+00, v7;
	v9 =	vsub.f32 $0.0e+00, v6;
	v6 =	vadd.f32 v10, v1;
	v1 =	vpop (erf)  }
0x110: {  	v61 =	vld [tilespmem:s3+$0x4020];
	(erf) = vpow2.f32 v8;
	v1 =	vadd.f32 $1.000000000e+00, v1  }
0x111: {  	v11 =	vld [tilespmem:s4+$0xC020];
	v3 =	vsub.f32 $0.0e+00, v3;
	v7 =	vmul.f32 $1.442695020e+00, v9  }
0x112: {  	v62 =	vld [tilespmem:s3+$0x4010];
	v18 =	vmin.f32 v49, v50;
	(erf) = vpow2.f32 v2  }
0x113: {  	v15 =	vld [tilespmem:s4+$0xC030];
	v17 =	vmin.f32 v52, v17;
	v3 =	vmul.f32 $1.442695020e+00, v3;
	v2 =	vpop (erf);
	(erf) = vpow2.f32 v7  }
0x114: {  	v19 =	vmin.f32 v53, v54;
	v8 =	vld [tilespmem:s3+$0x4040];
	v2 =	vadd.f32 $1.000000000e+00, v2;
	(erf) = vrcp.f32 v1;
	v1 =	vpop (erf)  }
0x115: {  	vm2 =	vgt.f32 v19, $5.000000000e-01;
	v4 =	vld [tilespmem:s3+$0x4050];
	(erf) = vpow2.f32 v3;
	v1 =	vadd.f32 $1.000000000e+00, v1  }
0x116: {  	vm1 =	vgt.f32 v17, $5.000000000e-01;
	v12 =	vmin.f32 v11, v14;
	v10 =	vld [tilespmem:s3+$0x4030];
	(erf) = vrcp.f32 v2;
	v11 =	vpop (erf)  }
0x117: {  	v63 =	vld [tilespmem:s3+$0x4000];
	vm0 =	vgt.f32 v18, $5.000000000e-01;
	v13 =	vmin.f32 v57, v58;
	v14 =	vadd.f32 $1.000000000e+00, v11  }
0x118: {  	v9 =	vmin.f32 v15, v56;
	v15 =	vmin.f32 v59, v60;
	(erf) = vrcp.f32 v1  }
0x119: {  	v7 =	vmin.f32 v55, v16;
	v3 =	vsub.f32 $0.0e+00, v8;
	v8 =	vsub.f32 $0.0e+00, v61;
	v1 =	vpop (erf)  }
0x11a: {  	v2 =	vsub.f32 $0.0e+00, v4;
	(erf) = vrcp.f32 v14;
	v16 =	vadd.f32 $1.000000000e+00, v1  }
0x11b: {  	vm3 =	vgt.f32 v15, $5.000000000e-01;
	v4 =	vsub.f32 $0.0e+00, v10;
	v10 =	vsub.f32 $0.0e+00, v62;
	v14 =	vpop (erf)  }
0x11c: {  	s4 =	simm.s32 $0x400;
	v11 =	vsub.f32 $0.0e+00, v63;
	v1 =	vld [tilespmem:s3+$0xC070];
	v14 =	vadd.f32 $1.000000000e+00, v14;
	v15 =	vpop (erf);
	(erf) = vrcp.f32 v16  }
.LBB2_4:
0x11d: {  	p0 =	sne.s32 s4, $0xFE00;
	v16 =	vld [tilespmem:s3+$0x14070];
	v17 =	vsel vm3, $0x3F800000, v0;
	vm3 =	vgt.f32 v12, $5.000000000e-01;
	v12 =	vadd.f32 $1.000000000e+00, v15;
	v15 =	vpop (erf)  }
0x11e: {  	vm4 =	vgt.f32 v13, $5.000000000e-01;
	v18 =	vld [tilespmem:s3+$0xC060];
	v15 =	vmul.f32 v17, v15;
	(erf) = vrcp.f32 v14;
	v13 =	vpop (erf)  }
0x11f: {  	v19 =	vsel vm4, $0x3F800000, v0;
	v14 =	vld [tilespmem:s3+$0x14060];
	v13 =	vadd.f32 $1.000000000e+00, v13;
	v20 =	vpop (erf);
	(erf) = vrcp.f32 v12  }
0x120: {  	v6 =	vadd.f32 v17, v6;
	v12 =	vld [tilespmem:s3+$0xC050];
	v5 =	vadd.f32 v15, v5;
	v15 =	vmul.f32 v19, v20  }
0x121: {  	v20 =	vsel vm3, $0x3F800000, v0;
	vm3 =	vgt.f32 v9, $5.000000000e-01;
	v17 =	vld [tilespmem:s3+$0x14050];
	v9 =	vpop (erf);
	(erf) = vrcp.f32 v13  }
0x122: {  	v6 =	vadd.f32 v19, v6;
	v13 =	vld [tilespmem:s3+$0xC040];
	v5 =	vadd.f32 v15, v5;
	v9 =	vmul.f32 v20, v9  }
0x123: {  	v11 =	vmul.f32 $1.442695020e+00, v11;
	v19 =	vsel vm3, $0x3F800000, v0;
	vm3 =	vgt.f32 v7, $5.000000000e-01;
	v15 =	vld [tilespmem:s3+$0x14040];
	v7 =	vpop (erf)  }
0x124: {  	v6 =	vadd.f32 v20, v6;
	v21 =	vld [tilespmem:s3+$0xC030];
	v5 =	vadd.f32 v9, v5;
	v7 =	vmul.f32 v19, v7  }
0x125: {  	v9 =	vmul.f32 $1.442695020e+00, v10;
	v10 =	vld [tilespmem:s3+$0x14030];
	(erf) = vpow2.f32 v11;
	v11 =	vsel vm3, $0x3F800000, v0;
	v20 =	vpop (erf)  }
0x126: {  	v6 =	vadd.f32 v19, v6;
	v22 =	vld [tilespmem:s3+$0xC020];
	v5 =	vadd.f32 v7, v5;
	v7 =	vmul.f32 v11, v20  }
0x127: {  	v8 =	vmul.f32 $1.442695020e+00, v8;
	v19 =	vld [tilespmem:s3+$0x14020];
	(erf) = vpow2.f32 v9;
	v9 =	vsel vm2, $0x3F800000, v0;
	v20 =	vpop (erf)  }
0x128: {  	v6 =	vadd.f32 v11, v6;
	v23 =	vld [tilespmem:s3+$0x4060];
	v5 =	vadd.f32 v7, v5;
	v7 =	vmul.f32 v9, v20;
	v11 =	vpop (erf)  }
0x129: {  	v4 =	vmul.f32 $1.442695020e+00, v4;
	v20 =	vld [tilespmem:s3+$0xC010];
	(erf) = vpow2.f32 v8;
	v8 =	vsel vm1, $0x3F800000, v0  }
0x12a: {  	v6 =	vadd.f32 v9, v6;
	v24 =	vld [tilespmem:s3+$0x4070];
	v5 =	vadd.f32 v7, v5;
	v7 =	vmul.f32 v8, v11;
	v9 =	vpop (erf)  }
0x12b: {  	v3 =	vmul.f32 $1.442695020e+00, v3;
	v11 =	vld [tilespmem:s3+$0x14010];
	(erf) = vpow2.f32 v4;
	v4 =	vsel vm0, $0x3F800000, v0  }
0x12c: {  	v6 =	vadd.f32 v8, v6;
	v25 =	vld [tilespmem:s3+$0xC000];
	v5 =	vadd.f32 v7, v5;
	v7 =	vmul.f32 v4, v9  }
0x12d: {  	v2 =	vmul.f32 $1.442695020e+00, v2;
	v26 =	vld [tilespmem:s3+$0x14000];
	s3 =	sshra.s32 s4, $0x2;
	v8 =	vsub.f32 $0.0e+00, v23  }
0x12e: {  	v6 =	vadd.f32 v4, v6;
	v23 =	vld [tilespmem:s3+$0x4050];
	v9 =	vpop (erf);
	(erf) = vpow2.f32 v3;
	v5 =	vadd.f32 v7, v5  }
0x12f: {  	v3 =	vld [tilespmem:s3+$0x4040];
	v4 =	vmul.f32 $1.442695020e+00, v8;
	v7 =	vsub.f32 $0.0e+00, v24  }
0x130: {  	v1 =	vmin.f32 v1, v16;
	v9 =	vadd.f32 $1.000000000e+00, v9;
	v8 =	vld [tilespmem:s3+$0x4030];
	v16 =	vpop (erf);
	(erf) = vpow2.f32 v2  }
0x131: {  	v14 =	vmin.f32 v18, v14;
	v24 =	vld [tilespmem:s3+$0x4020];
	v2 =	vmul.f32 $1.442695020e+00, v7;
	(erf) = vpow2.f32 v4  }
0x132: {  	v4 =	vadd.f32 $1.000000000e+00, v16;
	v16 =	vmin.f32 v12, v17;
	v18 =	vld [tilespmem:s3+$0x4010];
	(erf) = vrcp.f32 v9;
	v17 =	vpop (erf)  }
0x133: {  	v7 =	vmin.f32 v13, v15;
	v9 =	vmin.f32 v21, v10;
	v27 =	vld [tilespmem:s3+$0x4000];
	(erf) = vpow2.f32 v2  }
0x134: {  	v12 =	vmin.f32 v22, v19;
	v10 =	vadd.f32 $1.000000000e+00, v17;
	(erf) = vrcp.f32 v4;
	v15 =	vpop (erf)  }
0x135: {  	v13 =	vmin.f32 v20, v11;
	v2 =	vsub.f32 $0.0e+00, v23;
	v3 =	vsub.f32 $0.0e+00, v3  }
.Ltmp1:
0x136: {  	v4 =	vsub.f32 $0.0e+00, v8;
	v15 =	vadd.f32 $1.000000000e+00, v15;
	(erf) = vrcp.f32 v10;
	(pc) =	sbr.rel @p0 .LBB2_4-.Ltmp1, $4  }
0x137: {  	v17 =	vmin.f32 v25, v26;
	v8 =	vsub.f32 $0.0e+00, v24;
	v10 =	vsub.f32 $0.0e+00, v18;
	v18 =	vpop (erf)  }
0x138: {  	v11 =	vsub.f32 $0.0e+00, v27;
	v18 =	vadd.f32 $1.000000000e+00, v18;
	(erf) = vrcp.f32 v15  }
0x139: {  	vm1 =	vgt.f32 v14, $5.000000000e-01;
	vm0 =	vgt.f32 v1, $5.000000000e-01;
	vm2 =	vgt.f32 v16, $5.000000000e-01;
	v14 =	vpop (erf)  }
0x13a: {  	s4 =	sadd.s32 $0x200, s4;
	vm3 =	vgt.f32 v17, $5.000000000e-01;
	v1 =	vld [tilespmem:s3+$0xC070];
	v14 =	vadd.f32 $1.000000000e+00, v14;
	(erf) = vrcp.f32 v18;
	v15 =	vpop (erf)  }
0x13b: {  	v41 =	vpop (erf)  }
0x13c: {  	v16 =	vsel vm3, $0x3F800000, v0;
	v40 =	vadd.f32 $1.000000000e+00, v15;
	vm4 =	vgt.f32 v13, $5.000000000e-01;
	v42 =	vpop (erf)  }
0x13d: {  	v11 =	vmul.f32 $1.442695020e+00, v11;
	(erf) = vrcp.f32 v14;
	v13 =	vadd.f32 $1.000000000e+00, v42  }
0x13e: {  	vm15 =	vgt.f32 v12, $5.000000000e-01;
	v10 =	vmul.f32 $1.442695020e+00, v10;
	(erf) = vrcp.f32 v40  }
0x13f: {  	vm6 =	vgt.f32 v9, $5.000000000e-01;
	v8 =	vmul.f32 $1.442695020e+00, v8;
	v44 =	vpop (erf);
	(erf) = vrcp.f32 v13  }
0x140: {  	vm7 =	vgt.f32 v7, $5.000000000e-01;
	v4 =	vmul.f32 $1.442695020e+00, v4;
	v46 =	vpop (erf);
	(erf) = vpow2.f32 v11  }
0x141: {  	v3 =	vmul.f32 $1.442695020e+00, v3;
	v56 =	vsel vm2, $0x3F800000, v0;
	v2 =	vmul.f32 $1.442695020e+00, v2  }
0x142: {  	v49 =	vld [tilespmem:s3+$0x4060];
	v61 =	vsel vm1, $0x3F800000, v0;
	v15 =	vmul.f32 v16, v41;
	v48 =	vpop (erf);
	(erf) = vpow2.f32 v10  }
0x143: {  	v24 =	vsel vm0, $0x3F800000, v0;
	v43 =	vsel vm4, $0x3F800000, v0;
	v6 =	vadd.f32 v16, v6  }
0x144: {  	v53 =	vld [tilespmem:s3+$0x4070];
	v5 =	vadd.f32 v15, v5;
	v12 =	vmul.f32 v43, v44;
	(erf) = vpow2.f32 v8  }
0x145: {  	v45 =	vsel vm15, $0x3F800000, v0;
	v47 =	vsel vm6, $0x3F800000, v0;
	v6 =	vadd.f32 v43, v6;
	v52 =	vpop (erf)  }
0x146: {  	v22 =	vld [tilespmem:s3+$0xC000];
	v5 =	vadd.f32 v12, v5;
	v9 =	vmul.f32 v45, v46;
	v54 =	vpop (erf);
	(erf) = vpow2.f32 v4  }
0x147: {  	v25 =	vld [tilespmem:s3+$0x14000];
	v51 =	vsel vm7, $0x3F800000, v0;
	v6 =	vadd.f32 v45, v6;
	v10 =	vsub.f32 $0.0e+00, v49;
	v57 =	vpop (erf)  }
0x148: {  	v5 =	vadd.f32 v9, v5;
	v50 =	vmul.f32 v47, v48;
	v58 =	vpop (erf);
	(erf) = vpow2.f32 v3  }
0x149: {  	v55 =	vadd.f32 v47, v6;
	v8 =	vsub.f32 $0.0e+00, v53;
	v10 =	vmul.f32 $1.442695020e+00, v10;
	v59 =	vpop (erf)  }
0x14a: {  	v12 =	vmul.f32 v51, v52;
	(erf) = vpow2.f32 v2;
	v9 =	vadd.f32 $1.000000000e+00, v59  }
0x14b: {  	v26 =	vld [tilespmem:s3+$0xC010];
	v5 =	vadd.f32 v50, v5;
	v8 =	vmul.f32 $1.442695020e+00, v8;
	v62 =	vpop (erf);
	(erf) = vpow2.f32 v10  }
0x14c: {  	v29 =	vld [tilespmem:s3+$0x14010];
	v31 =	vmin.f32 v22, v25;
	v20 =	vadd.f32 $1.000000000e+00, v62;
	(erf) = vrcp.f32 v9  }
0x14d: {  	v4 =	vadd.f32 v51, v55;
	v5 =	vadd.f32 v12, v5;
	v23 =	vpop (erf);
	(erf) = vpow2.f32 v8  }
0x14e: {  	v60 =	vld [tilespmem:s3+$0x14030];
	v7 =	vmul.f32 v56, v54;
	v11 =	vadd.f32 $1.000000000e+00, v23;
	(erf) = vrcp.f32 v20  }
0x14f: {  	v63 =	vld [tilespmem:s3+$0x14020];
	vm8 =	vgt.f32 v31, $5.000000000e-01;
	v4 =	vadd.f32 v56, v4;
	v21 =	vmul.f32 v61, v57;
	v28 =	vpop (erf)  }
0x150: {  	v3 =	vld [tilespmem:s3+$0xC030];
	v5 =	vadd.f32 v7, v5;
	v12 =	vadd.f32 $1.000000000e+00, v28;
	(erf) = vrcp.f32 v11  }
0x151: {  	v7 =	vmin.f32 v26, v29;
	v2 =	vld [tilespmem:s3+$0xC020];
	v27 =	vmul.f32 v24, v58;
	v4 =	vadd.f32 v61, v4;
	v30 =	vpop (erf)  }
0x152: {  	v5 =	vadd.f32 v21, v5;
	(erf) = vrcp.f32 v12;
	v6 =	vadd.f32 $1.000000000e+00, v30  }
0x153: {  	v36 =	vsel vm8, $0x3F800000, v0;
	vm9 =	vgt.f32 v7, $5.000000000e-01;
	v4 =	vadd.f32 v24, v4;
	v32 =	vpop (erf)  }
0x154: {  	v5 =	vadd.f32 v27, v5;
	v33 =	vadd.f32 $1.000000000e+00, v32;
	v34 =	vpop (erf);
	(erf) = vrcp.f32 v6  }
0x155: {  	v35 =	vld [tilespmem:s3+$0xC040];
	v3 =	vmin.f32 v3, v60;
	v4 =	vadd.f32 v36, v4;
	v6 =	vadd.f32 $1.000000000e+00, v34;
	v37 =	vpop (erf)  }
0x156: {  	v38 =	vld [tilespmem:s3+$0x14040];
	v2 =	vmin.f32 v2, v63;
	(erf) = vrcp.f32 v33;
	v11 =	vmul.f32 v36, v37;
	v39 =	vpop (erf)  }
0x157: {  	v40 =	vld [tilespmem:s3+$0xC050];
	vm10 =	vgt.f32 v2, $5.000000000e-01;
	v2 =	vsel vm9, $0x3F800000, v0;
	(erf) = vrcp.f32 v6;
	v41 =	vpop (erf)  }
0x158: {  	v42 =	vld [tilespmem:s3+$0x14050];
	v7 =	vadd.f32 $1.000000000e+00, v39;
	v5 =	vadd.f32 v11, v5;
	v43 =	vmul.f32 v2, v41  }
0x159: {  	v44 =	vld [tilespmem:s3+$0xC060];
	vm11 =	vgt.f32 v3, $5.000000000e-01;
	v45 =	vsel vm10, $0x3F800000, v0;
	v3 =	vpop (erf);
	v2 =	vadd.f32 v2, v4  }
0x15a: {  	v46 =	vld [tilespmem:s3+$0x14060];
	(erf) = vrcp.f32 v7;
	v3 =	vmul.f32 v45, v3;
	v5 =	vadd.f32 v43, v5  }
0x15b: {  	v47 =	vmin.f32 v35, v38;
	v48 =	vsel vm11, $0x3F800000, v0;
	v49 =	vpop (erf);
	v2 =	vadd.f32 v45, v2  }
0x15c: {  	vm12 =	vgt.f32 v47, $5.000000000e-01;
	v50 =	vld [tilespmem:s3+$0x14070];
	v51 =	vmul.f32 v48, v49;
	v3 =	vadd.f32 v3, v5  }
0x15d: {  	v52 =	vmin.f32 v40, v42;
	v53 =	vsel vm12, $0x3F800000, v0;
	v2 =	vadd.f32 v48, v2;
	v54 =	vpop (erf)  }
0x15e: {  	vm13 =	vgt.f32 v52, $5.000000000e-01;
	v3 =	vadd.f32 v51, v3;
	v55 =	vmul.f32 v53, v54  }
0x15f: {  	v56 =	vmin.f32 v44, v46;
	v57 =	vsel vm13, $0x3F800000, v0;
	v58 =	vpop (erf);
	v2 =	vadd.f32 v53, v2  }
0x160: {  	vm14 =	vgt.f32 v56, $5.000000000e-01;
	v59 =	vmul.f32 v57, v58;
	v3 =	vadd.f32 v55, v3  }
0x161: {  	v1 =	vmin.f32 v1, v50;
	v61 =	vsel vm14, $0x3F800000, v0;
	v60 =	vpop (erf);
	v2 =	vadd.f32 v57, v2  }
0x162: {  	vm15 =	vgt.f32 v1, $5.000000000e-01;
	v1 =	vadd.f32 v59, v3;
	v3 =	vmul.f32 v61, v60  }
0x163: {  	v63 =	vsel vm15, $0x3F800000, v0;
	v62 =	vpop (erf);
	v2 =	vadd.f32 v61, v2  }
0x164: {  	v1 =	vadd.f32 v3, v1;
	v3 =	vmul.f32 v63, v62  }
0x165: {  	v2 =	vadd.f32 v63, v2  }
0x166: {  	s2 =	sadd.s32 $0x1, s2;
	v1 =	vadd.f32 v3, v1  }
0x167: {  	p0 =	sne.s32 s2, s29;
	[tilespmem:$0x18080] =	vst v2  }
.Ltmp2:
0x168: {  	s4 =	simm.s32 $0x18000;
	s3 =	simm.s32 $0x0;
	[tilespmem:$0x18000] =	vst v1;
	(pc) =	sbr.rel @p0 .LBB2_1-.Ltmp2, $4  }
0x169: {  	[hbm4b:s28+s3] =	stream.linear.scatter [tilespmem:s4], [sflag:$0x3], $0x100, $0x38;
	[tilespmem:$0x18100] =	vst v63  }
0x16a: {  	_ =	swait.ge [sflag:s1], $0x100  }
0x16b: {  	[sflag:s1] =	ssyncset.done $0x0  }
0x16c: {  	[sflag:s1] =	ssyncadd.s32 $0xFFFFFF00  }
0x16d: {  	_ =	sfence.sel $0x180000  }
0x16e: {  	[bflag:$0x0] =	sbarrier.arrive $0xFFFF  }
0x16f: {  	_ =	strace $0x90000047  }
0x170: {  	s0 =	stileid.u32;
	[bflag:$0x2] =	sbarrier.arrive $0xFFFF  }
0x171: {  	p0 =	sne.s32 s0, $0x0;
	s0 =	rddreg [dreg:$0x4]  }
0x172: {  	s0 =	sadd.s32 @!p0 $0x100000, s0  }
0x173: {  	[sflag:s0] =	ssyncadd.tile.s32 @!p0 $0x1;
	_ =	shalt  }
.Lfunc_end2:
_tile_overlayer_lowered:
.L_overlay_start_2:
0x174: {  	(tag) =	ssettag $0x2  }
0x175: {  	s0 =	rddreg [dreg:$0x0];
	s2 =	stileid.u32  }
0x176: {  	s1 =	rddreg [dreg:$0x1];
	p0 =	sne.s32 s2, $0x0  }
0x177: {  	s3 =	rddreg [dreg:$0x2];
	[bflag:$0x3] =	sbarrier.arrive $0xFFFF;
	s2 =	simm.s32 @!p0 $0x1C03  }
0x178: {  	[timem:s3], [sflag:s2] =	dma.local @!p0 [hbm:s0], s1  }
0x179: {  	s0 =	simm.s32 @!p0 $0x3  }
0x17a: {  	_ =	swait.ge @!p0 [sflag:s0], s1  }
0x17b: {  	s1 =	ssub.s32 @!p0 $0x0, s1;
	[sflag:s0] =	ssyncset.done @!p0 $0x0  }
0x17c: {  	[sflag:s0] =	ssyncadd.s32 @!p0 s1  }
0x17d: {  	[bflag:$0x3] =	sbarrier.arrive $0xFFFF  }
0x17e: {  	_ =	shalt  }

</sc_bundles>
